<compile_context>
chip_gen: v7x
topology: tpu7x:2x2x1
jax: 0.10.2.dev20260603
libtpu: 0.0.44.dev20260713+nightly
codegen_flags: <defaults>
</compile_context>

<pallas_src>
import functools

import jax
import jax.numpy as jnp
from jax import lax
from jax.experimental import pallas as pl
from jax.experimental.pallas import tpu as pltpu
from jax.experimental.pallas import tpu_sc as plsc

VOCAB = 50257
D = 768
S = 1024
B = 4
TOK = B * S
NC, NS = 2, 16
NW = NC * NS
PW = S // NW
NVEC = D // 16
NBUF = 3

_mesh = plsc.VectorSubcoreMesh(core_axis_name="c", subcore_axis_name="s")


@functools.partial(
    pl.kernel,
    mesh=_mesh,
    out_type=jax.ShapeDtypeStruct((TOK, D), jnp.float32),
    scratch_types=[
        pltpu.VMEM((B, PW), jnp.int32),
        pltpu.VMEM((PW, D), jnp.float32),
        pltpu.VMEM((PW, D), jnp.float32),
        pltpu.VMEM((PW, D), jnp.float32),
        pltpu.VMEM((PW, D), jnp.float32),
        pltpu.SemaphoreType.DMA,
        pltpu.SemaphoreType.DMA,
        pltpu.SemaphoreType.DMA,
        pltpu.SemaphoreType.DMA,
        pltpu.SemaphoreType.DMA,
        pltpu.SemaphoreType.DMA,
        pltpu.SemaphoreType.DMA,
        pltpu.SemaphoreType.DMA,
    ],
)
def _embed(ids_hbm, wte_hbm, wpe_hbm, out_hbm,
           idx_v, r0, r1, r2, pos_v,
           sg0, sg1, sg2, ss0, ss1, ss2, spos, sidx):
    rows = (r0, r1, r2)
    sg = (sg0, sg1, sg2)
    ss = (ss0, ss1, ss2)
    wid = lax.axis_index("s") * NC + lax.axis_index("c")
    p0 = wid * PW

    pre = pltpu.async_copy(wpe_hbm.at[pl.ds(p0, PW)], pos_v, spos)
    id_h = [pltpu.async_copy(ids_hbm.at[bb, pl.ds(p0, PW)], idx_v.at[bb],
                             sidx)
            for bb in range(B)]

    def start_gather(ch):
        id_h[ch].wait()
        return pltpu.async_copy(
            wte_hbm.at[idx_v.at[ch]], rows[ch % NBUF], sg[ch % NBUF])

    inflight = {0: start_gather(0), 1: start_gather(1)}
    pre.wait()

    store_h = [None, None, None]
    for ch in range(B):
        b = ch % NBUF
        if ch + 2 < B:
            nb = (ch + 2) % NBUF
            if store_h[nb] is not None:
                store_h[nb].wait()
                store_h[nb] = None
            inflight[ch + 2] = start_gather(ch + 2)
        inflight.pop(ch).wait()

        def add_row(r, carry):
            for j in range(NVEC):
                plsc.addupdate(rows[b].at[r, pl.ds(j * 16, 16)],
                               pos_v[r, pl.ds(j * 16, 16)])
            return carry

        lax.fori_loop(0, PW, add_row, 0)
        store_h[b] = pltpu.async_copy(
            rows[b], out_hbm.at[pl.ds(ch * S + p0, PW)], ss[b])
    for h in store_h:
        if h is not None:
            h.wait()


def kernel(input_ids, wte, wpe):
    out = _embed(input_ids.astype(jnp.int32), wte, wpe)
    return out.reshape(input_ids.shape + (wpe.shape[1],))

# --- scband reference (transcript-rebuilt; emitter-appended) ---
"""Pipeline reference for scband-gpt2-embeddings-29953101922840 (READ-ONLY COPY).

The authoritative reference and input builder live on the scoring server;
editing this copy changes nothing except your own understanding.
"""

import jax, jax.numpy as jnp
import numpy as np

VOCAB = 50257
N_EMBD = 768
MAX_POS = 1024
B = 4
S = 1024

def setup_inputs(seed: int = 0) -> dict:
    key = jax.random.key(seed)
    k1, k2, k3 = jax.random.split(key, 3)
    input_ids = jax.random.randint(k1, (B, S), 0, VOCAB, dtype=jnp.int64 if jax.config.jax_enable_x64 else jnp.int32)
    wte = jax.random.normal(k2, (VOCAB, N_EMBD), dtype=jnp.float32) * 0.02
    wpe = jax.random.normal(k3, (MAX_POS, N_EMBD), dtype=jnp.float32) * 0.02
    return {"input_ids": input_ids, "wte": wte, "wpe": wpe}

def reference(input_ids, wte, wpe):
    batch_size, seq_len = input_ids.shape
    position_ids = jnp.broadcast_to(jnp.arange(seq_len), (batch_size, seq_len))
    token_embeds = jnp.take(wte, input_ids, axis=0)
    position_embeds = jnp.take(wpe, position_ids, axis=0)
    embeddings = token_embeds + position_embeds
    # dropout in eval mode (inference) is identity
    return embeddings

if __name__ == "__main__":
    import jax
    _d = setup_inputs()
    print(jax.jit(kernel)(*tuple(_d.values())))

</pallas_src>

<mosaic_0001>
#map = affine_map<(d0, d1) -> (0, 0)>
module attributes {stable_mosaic.version = 14 : i64} {
  func.func @_embed(%arg0: i32, %arg1: i32, %arg2: memref<4x1024xi32, #tpu.memory_space<hbm>>, %arg3: memref<50257x768xf32, #tpu.memory_space<hbm>>, %arg4: memref<1024x768xf32, #tpu.memory_space<hbm>>, %arg5: memref<4096x768xf32, #tpu.memory_space<hbm>>, %arg6: memref<4x32xi32, #tpu.memory_space<vmem>>, %arg7: memref<32x768xf32, #tpu.memory_space<vmem>>, %arg8: memref<32x768xf32, #tpu.memory_space<vmem>>, %arg9: memref<32x768xf32, #tpu.memory_space<vmem>>, %arg10: memref<32x768xf32, #tpu.memory_space<vmem>>, %arg11: memref<!tpu.dma_semaphore, #tpu.memory_space<semaphore_mem>>, %arg12: memref<!tpu.dma_semaphore, #tpu.memory_space<semaphore_mem>>, %arg13: memref<!tpu.dma_semaphore, #tpu.memory_space<semaphore_mem>>, %arg14: memref<!tpu.dma_semaphore, #tpu.memory_space<semaphore_mem>>, %arg15: memref<!tpu.dma_semaphore, #tpu.memory_space<semaphore_mem>>, %arg16: memref<!tpu.dma_semaphore, #tpu.memory_space<semaphore_mem>>, %arg17: memref<!tpu.dma_semaphore, #tpu.memory_space<semaphore_mem>>, %arg18: memref<!tpu.dma_semaphore, #tpu.memory_space<semaphore_mem>>) attributes {dimension_semantics = [#tpu.dimension_semantics<core_parallel>, #tpu.dimension_semantics<subcore_parallel>], iteration_bounds = array<i64: 2, 16>, scalar_prefetch = 0 : i64, scratch_operands = 13 : i64, tpu.core_type = #tpu.core_type<sc_vector_subcore>, window_params = [{transform_indices = #map}, {transform_indices = #map}, {transform_indices = #map}, {transform_indices = #map}]} {
    %mul3A = arith.constant 2 : i32
    %mul3A_0 = arith.muli %arg1, %mul3A : i32
    %add3A = arith.addi %mul3A_0, %arg0 : i32
    %mul3A_1 = arith.constant 32 : i32
    %mul3A_2 = arith.muli %add3A, %mul3A_1 : i32
    %dma_start3A = arith.constant 0 : i32
    %dma_start3A_3 = tpu.memref_slice %arg4[%mul3A_2, %dma_start3A] : memref<1024x768xf32, #tpu.memory_space<hbm>> -> memref<32x768xf32, #tpu.memory_space<hbm>>
    %dma_start3A_4 = arith.constant 0 : i32
    %dma_start3A_5 = tpu.memref_slice %arg4[%mul3A_2, %dma_start3A_4] : memref<1024x768xf32, #tpu.memory_space<hbm>> -> memref<32x768xf32, #tpu.memory_space<hbm>>
    tpu.enqueue_dma source(%dma_start3A_5 : memref<32x768xf32, #tpu.memory_space<hbm>>) target(%arg10 : memref<32x768xf32, #tpu.memory_space<vmem>>) target_semaphore(%arg17 : memref<!tpu.dma_semaphore, #tpu.memory_space<semaphore_mem>>)
    %dma_start3A_6 = arith.constant 0 : i32
    %dma_start3A_7 = arith.constant 0 : i32
    %dma_start3A_8 = arith.constant 0 : i32
    %dma_start3A_9 = tpu.memref_slice %arg6[%dma_start3A_7, %dma_start3A_8] : memref<4x32xi32, #tpu.memory_space<vmem>> -> memref<1x32xi32, #tpu.memory_space<vmem>>
    %dma_start3A_10 = tpu.memref_squeeze %dma_start3A_9 : memref<1x32xi32, #tpu.memory_space<vmem>> -> memref<32xi32, #tpu.memory_space<vmem>>
    %dma_start3A_11 = tpu.memref_slice %arg2[%dma_start3A_6, %mul3A_2] : memref<4x1024xi32, #tpu.memory_space<hbm>> -> memref<1x32xi32, #tpu.memory_space<hbm>>
    %dma_start3A_12 = tpu.memref_squeeze %dma_start3A_11 : memref<1x32xi32, #tpu.memory_space<hbm>> -> memref<32xi32, #tpu.memory_space<hbm>>
    %dma_start3A_13 = arith.constant 0 : i32
    %dma_start3A_14 = tpu.memref_slice %arg6[%dma_start3A_7, %dma_start3A_13] : memref<4x32xi32, #tpu.memory_space<vmem>> -> memref<1x32xi32, #tpu.memory_space<vmem>>
    %dma_start3A_15 = tpu.memref_squeeze %dma_start3A_14 : memref<1x32xi32, #tpu.memory_space<vmem>> -> memref<32xi32, #tpu.memory_space<vmem>>
    %dma_start3A_16 = tpu.memref_slice %arg2[%dma_start3A_6, %mul3A_2] : memref<4x1024xi32, #tpu.memory_space<hbm>> -> memref<1x32xi32, #tpu.memory_space<hbm>>
    %dma_start3A_17 = tpu.memref_squeeze %dma_start3A_16 : memref<1x32xi32, #tpu.memory_space<hbm>> -> memref<32xi32, #tpu.memory_space<hbm>>
    tpu.enqueue_dma source(%dma_start3A_17 : memref<32xi32, #tpu.memory_space<hbm>>) target(%dma_start3A_15 : memref<32xi32, #tpu.memory_space<vmem>>) target_semaphore(%arg18 : memref<!tpu.dma_semaphore, #tpu.memory_space<semaphore_mem>>)
    %dma_start3A_18 = arith.constant 1 : i32
    %dma_start3A_19 = arith.constant 1 : i32
    %dma_start3A_20 = arith.constant 0 : i32
    %dma_start3A_21 = tpu.memref_slice %arg6[%dma_start3A_19, %dma_start3A_20] : memref<4x32xi32, #tpu.memory_space<vmem>> -> memref<1x32xi32, #tpu.memory_space<vmem>>
    %dma_start3A_22 = tpu.memref_squeeze %dma_start3A_21 : memref<1x32xi32, #tpu.memory_space<vmem>> -> memref<32xi32, #tpu.memory_space<vmem>>
    %dma_start3A_23 = tpu.memref_slice %arg2[%dma_start3A_18, %mul3A_2] : memref<4x1024xi32, #tpu.memory_space<hbm>> -> memref<1x32xi32, #tpu.memory_space<hbm>>
    %dma_start3A_24 = tpu.memref_squeeze %dma_start3A_23 : memref<1x32xi32, #tpu.memory_space<hbm>> -> memref<32xi32, #tpu.memory_space<hbm>>
    %dma_start3A_25 = arith.constant 0 : i32
    %dma_start3A_26 = tpu.memref_slice %arg6[%dma_start3A_19, %dma_start3A_25] : memref<4x32xi32, #tpu.memory_space<vmem>> -> memref<1x32xi32, #tpu.memory_space<vmem>>
    %dma_start3A_27 = tpu.memref_squeeze %dma_start3A_26 : memref<1x32xi32, #tpu.memory_space<vmem>> -> memref<32xi32, #tpu.memory_space<vmem>>
    %dma_start3A_28 = tpu.memref_slice %arg2[%dma_start3A_18, %mul3A_2] : memref<4x1024xi32, #tpu.memory_space<hbm>> -> memref<1x32xi32, #tpu.memory_space<hbm>>
    %dma_start3A_29 = tpu.memref_squeeze %dma_start3A_28 : memref<1x32xi32, #tpu.memory_space<hbm>> -> memref<32xi32, #tpu.memory_space<hbm>>
    tpu.enqueue_dma source(%dma_start3A_29 : memref<32xi32, #tpu.memory_space<hbm>>) target(%dma_start3A_27 : memref<32xi32, #tpu.memory_space<vmem>>) target_semaphore(%arg18 : memref<!tpu.dma_semaphore, #tpu.memory_space<semaphore_mem>>)
    %dma_start3A_30 = arith.constant 2 : i32
    %dma_start3A_31 = arith.constant 2 : i32
    %dma_start3A_32 = arith.constant 0 : i32
    %dma_start3A_33 = tpu.memref_slice %arg6[%dma_start3A_31, %dma_start3A_32] : memref<4x32xi32, #tpu.memory_space<vmem>> -> memref<1x32xi32, #tpu.memory_space<vmem>>
    %dma_start3A_34 = tpu.memref_squeeze %dma_start3A_33 : memref<1x32xi32, #tpu.memory_space<vmem>> -> memref<32xi32, #tpu.memory_space<vmem>>
    %dma_start3A_35 = tpu.memref_slice %arg2[%dma_start3A_30, %mul3A_2] : memref<4x1024xi32, #tpu.memory_space<hbm>> -> memref<1x32xi32, #tpu.memory_space<hbm>>
    %dma_start3A_36 = tpu.memref_squeeze %dma_start3A_35 : memref<1x32xi32, #tpu.memory_space<hbm>> -> memref<32xi32, #tpu.memory_space<hbm>>
    %dma_start3A_37 = arith.constant 0 : i32
    %dma_start3A_38 = tpu.memref_slice %arg6[%dma_start3A_31, %dma_start3A_37] : memref<4x32xi32, #tpu.memory_space<vmem>> -> memref<1x32xi32, #tpu.memory_space<vmem>>
    %dma_start3A_39 = tpu.memref_squeeze %dma_start3A_38 : memref<1x32xi32, #tpu.memory_space<vmem>> -> memref<32xi32, #tpu.memory_space<vmem>>
    %dma_start3A_40 = tpu.memref_slice %arg2[%dma_start3A_30, %mul3A_2] : memref<4x1024xi32, #tpu.memory_space<hbm>> -> memref<1x32xi32, #tpu.memory_space<hbm>>
    %dma_start3A_41 = tpu.memref_squeeze %dma_start3A_40 : memref<1x32xi32, #tpu.memory_space<hbm>> -> memref<32xi32, #tpu.memory_space<hbm>>
    tpu.enqueue_dma source(%dma_start3A_41 : memref<32xi32, #tpu.memory_space<hbm>>) target(%dma_start3A_39 : memref<32xi32, #tpu.memory_space<vmem>>) target_semaphore(%arg18 : memref<!tpu.dma_semaphore, #tpu.memory_space<semaphore_mem>>)
    %dma_start3A_42 = arith.constant 3 : i32
    %dma_start3A_43 = arith.constant 3 : i32
    %dma_start3A_44 = arith.constant 0 : i32
    %dma_start3A_45 = tpu.memref_slice %arg6[%dma_start3A_43, %dma_start3A_44] : memref<4x32xi32, #tpu.memory_space<vmem>> -> memref<1x32xi32, #tpu.memory_space<vmem>>
    %dma_start3A_46 = tpu.memref_squeeze %dma_start3A_45 : memref<1x32xi32, #tpu.memory_space<vmem>> -> memref<32xi32, #tpu.memory_space<vmem>>
    %dma_start3A_47 = tpu.memref_slice %arg2[%dma_start3A_42, %mul3A_2] : memref<4x1024xi32, #tpu.memory_space<hbm>> -> memref<1x32xi32, #tpu.memory_space<hbm>>
    %dma_start3A_48 = tpu.memref_squeeze %dma_start3A_47 : memref<1x32xi32, #tpu.memory_space<hbm>> -> memref<32xi32, #tpu.memory_space<hbm>>
    %dma_start3A_49 = arith.constant 0 : i32
    %dma_start3A_50 = tpu.memref_slice %arg6[%dma_start3A_43, %dma_start3A_49] : memref<4x32xi32, #tpu.memory_space<vmem>> -> memref<1x32xi32, #tpu.memory_space<vmem>>
    %dma_start3A_51 = tpu.memref_squeeze %dma_start3A_50 : memref<1x32xi32, #tpu.memory_space<vmem>> -> memref<32xi32, #tpu.memory_space<vmem>>
    %dma_start3A_52 = tpu.memref_slice %arg2[%dma_start3A_42, %mul3A_2] : memref<4x1024xi32, #tpu.memory_space<hbm>> -> memref<1x32xi32, #tpu.memory_space<hbm>>
    %dma_start3A_53 = tpu.memref_squeeze %dma_start3A_52 : memref<1x32xi32, #tpu.memory_space<hbm>> -> memref<32xi32, #tpu.memory_space<hbm>>
    tpu.enqueue_dma source(%dma_start3A_53 : memref<32xi32, #tpu.memory_space<hbm>>) target(%dma_start3A_51 : memref<32xi32, #tpu.memory_space<vmem>>) target_semaphore(%arg18 : memref<!tpu.dma_semaphore, #tpu.memory_space<semaphore_mem>>)
    %dma_wait3A = arith.constant 0 : i32
    %dma_wait3A_54 = arith.constant 0 : i32
    %dma_wait3A_55 = arith.constant 0 : i32
    %dma_wait3A_56 = tpu.memref_slice %arg6[%dma_wait3A_54, %dma_wait3A_55] : memref<4x32xi32, #tpu.memory_space<vmem>> -> memref<1x32xi32, #tpu.memory_space<vmem>>
    %dma_wait3A_57 = tpu.memref_squeeze %dma_wait3A_56 : memref<1x32xi32, #tpu.memory_space<vmem>> -> memref<32xi32, #tpu.memory_space<vmem>>
    %dma_wait3A_58 = tpu.memref_slice %arg2[%dma_wait3A, %mul3A_2] : memref<4x1024xi32, #tpu.memory_space<hbm>> -> memref<1x32xi32, #tpu.memory_space<hbm>>
    %dma_wait3A_59 = tpu.memref_squeeze %dma_wait3A_58 : memref<1x32xi32, #tpu.memory_space<hbm>> -> memref<32xi32, #tpu.memory_space<hbm>>
    %dma_wait3A_60 = arith.constant 0 : i32
    %dma_wait3A_61 = tpu.memref_slice %arg6[%dma_wait3A_54, %dma_wait3A_60] : memref<4x32xi32, #tpu.memory_space<vmem>> -> memref<1x32xi32, #tpu.memory_space<vmem>>
    %dma_wait3A_62 = tpu.memref_squeeze %dma_wait3A_61 : memref<1x32xi32, #tpu.memory_space<vmem>> -> memref<32xi32, #tpu.memory_space<vmem>>
    %dma_wait3A_63 = tpu.memref_slice %arg2[%dma_wait3A, %mul3A_2] : memref<4x1024xi32, #tpu.memory_space<hbm>> -> memref<1x32xi32, #tpu.memory_space<hbm>>
    %dma_wait3A_64 = tpu.memref_squeeze %dma_wait3A_63 : memref<1x32xi32, #tpu.memory_space<hbm>> -> memref<32xi32, #tpu.memory_space<hbm>>
    tpu.wait_dma2 semaphore(%arg18 : memref<!tpu.dma_semaphore, #tpu.memory_space<semaphore_mem>>) src(%dma_wait3A_64 : memref<32xi32, #tpu.memory_space<hbm>>) dst(%dma_wait3A_62 : memref<32xi32, #tpu.memory_space<vmem>>)
    %dma_start3A_65 = arith.constant 0 : i32
    %dma_start3A_66 = arith.constant 0 : i32
    %dma_start3A_67 = tpu.memref_slice %arg6[%dma_start3A_65, %dma_start3A_66] : memref<4x32xi32, #tpu.memory_space<vmem>> -> memref<1x32xi32, #tpu.memory_space<vmem>>
    %dma_start3A_68 = tpu.memref_squeeze %dma_start3A_67 : memref<1x32xi32, #tpu.memory_space<vmem>> -> memref<32xi32, #tpu.memory_space<vmem>>
    %dma_start3A_69 = arith.constant 0 : i32
    %dma_start3A_70 = arith.constant 0 : i32
    %dma_start3A_71 = tpu.memref_slice %arg3[%dma_start3A_69, %dma_start3A_70] : memref<50257x768xf32, #tpu.memory_space<hbm>> -> memref<50257x768xf32, #tpu.memory_space<hbm>>
    tpu.enqueue_indirect_dma source(%dma_start3A_71 : memref<50257x768xf32, #tpu.memory_space<hbm>>) target(%arg7 : memref<32x768xf32, #tpu.memory_space<vmem>>) offsets(%dma_start3A_68 : memref<32xi32, #tpu.memory_space<vmem>>) semaphore(%arg11 : memref<!tpu.dma_semaphore, #tpu.memory_space<semaphore_mem>>)
    %dma_wait3A_72 = arith.constant 1 : i32
    %dma_wait3A_73 = arith.constant 1 : i32
    %dma_wait3A_74 = arith.constant 0 : i32
    %dma_wait3A_75 = tpu.memref_slice %arg6[%dma_wait3A_73, %dma_wait3A_74] : memref<4x32xi32, #tpu.memory_space<vmem>> -> memref<1x32xi32, #tpu.memory_space<vmem>>
    %dma_wait3A_76 = tpu.memref_squeeze %dma_wait3A_75 : memref<1x32xi32, #tpu.memory_space<vmem>> -> memref<32xi32, #tpu.memory_space<vmem>>
    %dma_wait3A_77 = tpu.memref_slice %arg2[%dma_wait3A_72, %mul3A_2] : memref<4x1024xi32, #tpu.memory_space<hbm>> -> memref<1x32xi32, #tpu.memory_space<hbm>>
    %dma_wait3A_78 = tpu.memref_squeeze %dma_wait3A_77 : memref<1x32xi32, #tpu.memory_space<hbm>> -> memref<32xi32, #tpu.memory_space<hbm>>
    %dma_wait3A_79 = arith.constant 0 : i32
    %dma_wait3A_80 = tpu.memref_slice %arg6[%dma_wait3A_73, %dma_wait3A_79] : memref<4x32xi32, #tpu.memory_space<vmem>> -> memref<1x32xi32, #tpu.memory_space<vmem>>
    %dma_wait3A_81 = tpu.memref_squeeze %dma_wait3A_80 : memref<1x32xi32, #tpu.memory_space<vmem>> -> memref<32xi32, #tpu.memory_space<vmem>>
    %dma_wait3A_82 = tpu.memref_slice %arg2[%dma_wait3A_72, %mul3A_2] : memref<4x1024xi32, #tpu.memory_space<hbm>> -> memref<1x32xi32, #tpu.memory_space<hbm>>
    %dma_wait3A_83 = tpu.memref_squeeze %dma_wait3A_82 : memref<1x32xi32, #tpu.memory_space<hbm>> -> memref<32xi32, #tpu.memory_space<hbm>>
    tpu.wait_dma2 semaphore(%arg18 : memref<!tpu.dma_semaphore, #tpu.memory_space<semaphore_mem>>) src(%dma_wait3A_83 : memref<32xi32, #tpu.memory_space<hbm>>) dst(%dma_wait3A_81 : memref<32xi32, #tpu.memory_space<vmem>>)
    %dma_start3A_84 = arith.constant 1 : i32
    %dma_start3A_85 = arith.constant 0 : i32
    %dma_start3A_86 = tpu.memref_slice %arg6[%dma_start3A_84, %dma_start3A_85] : memref<4x32xi32, #tpu.memory_space<vmem>> -> memref<1x32xi32, #tpu.memory_space<vmem>>
    %dma_start3A_87 = tpu.memref_squeeze %dma_start3A_86 : memref<1x32xi32, #tpu.memory_space<vmem>> -> memref<32xi32, #tpu.memory_space<vmem>>
    %dma_start3A_88 = arith.constant 0 : i32
    %dma_start3A_89 = arith.constant 0 : i32
    %dma_start3A_90 = tpu.memref_slice %arg3[%dma_start3A_88, %dma_start3A_89] : memref<50257x768xf32, #tpu.memory_space<hbm>> -> memref<50257x768xf32, #tpu.memory_space<hbm>>
    tpu.enqueue_indirect_dma source(%dma_start3A_90 : memref<50257x768xf32, #tpu.memory_space<hbm>>) target(%arg8 : memref<32x768xf32, #tpu.memory_space<vmem>>) offsets(%dma_start3A_87 : memref<32xi32, #tpu.memory_space<vmem>>) semaphore(%arg12 : memref<!tpu.dma_semaphore, #tpu.memory_space<semaphore_mem>>)
    %dma_wait3A_91 = arith.constant 0 : i32
    %dma_wait3A_92 = tpu.memref_slice %arg4[%mul3A_2, %dma_wait3A_91] : memref<1024x768xf32, #tpu.memory_space<hbm>> -> memref<32x768xf32, #tpu.memory_space<hbm>>
    %dma_wait3A_93 = arith.constant 0 : i32
    %dma_wait3A_94 = tpu.memref_slice %arg4[%mul3A_2, %dma_wait3A_93] : memref<1024x768xf32, #tpu.memory_space<hbm>> -> memref<32x768xf32, #tpu.memory_space<hbm>>
    tpu.wait_dma2 semaphore(%arg17 : memref<!tpu.dma_semaphore, #tpu.memory_space<semaphore_mem>>) src(%dma_wait3A_94 : memref<32x768xf32, #tpu.memory_space<hbm>>) dst(%arg10 : memref<32x768xf32, #tpu.memory_space<vmem>>)
    %dma_wait3A_95 = arith.constant 2 : i32
    %dma_wait3A_96 = arith.constant 2 : i32
    %dma_wait3A_97 = arith.constant 0 : i32
    %dma_wait3A_98 = tpu.memref_slice %arg6[%dma_wait3A_96, %dma_wait3A_97] : memref<4x32xi32, #tpu.memory_space<vmem>> -> memref<1x32xi32, #tpu.memory_space<vmem>>
    %dma_wait3A_99 = tpu.memref_squeeze %dma_wait3A_98 : memref<1x32xi32, #tpu.memory_space<vmem>> -> memref<32xi32, #tpu.memory_space<vmem>>
    %dma_wait3A_100 = tpu.memref_slice %arg2[%dma_wait3A_95, %mul3A_2] : memref<4x1024xi32, #tpu.memory_space<hbm>> -> memref<1x32xi32, #tpu.memory_space<hbm>>
    %dma_wait3A_101 = tpu.memref_squeeze %dma_wait3A_100 : memref<1x32xi32, #tpu.memory_space<hbm>> -> memref<32xi32, #tpu.memory_space<hbm>>
    %dma_wait3A_102 = arith.constant 0 : i32
    %dma_wait3A_103 = tpu.memref_slice %arg6[%dma_wait3A_96, %dma_wait3A_102] : memref<4x32xi32, #tpu.memory_space<vmem>> -> memref<1x32xi32, #tpu.memory_space<vmem>>
    %dma_wait3A_104 = tpu.memref_squeeze %dma_wait3A_103 : memref<1x32xi32, #tpu.memory_space<vmem>> -> memref<32xi32, #tpu.memory_space<vmem>>
    %dma_wait3A_105 = tpu.memref_slice %arg2[%dma_wait3A_95, %mul3A_2] : memref<4x1024xi32, #tpu.memory_space<hbm>> -> memref<1x32xi32, #tpu.memory_space<hbm>>
    %dma_wait3A_106 = tpu.memref_squeeze %dma_wait3A_105 : memref<1x32xi32, #tpu.memory_space<hbm>> -> memref<32xi32, #tpu.memory_space<hbm>>
    tpu.wait_dma2 semaphore(%arg18 : memref<!tpu.dma_semaphore, #tpu.memory_space<semaphore_mem>>) src(%dma_wait3A_106 : memref<32xi32, #tpu.memory_space<hbm>>) dst(%dma_wait3A_104 : memref<32xi32, #tpu.memory_space<vmem>>)
    %dma_start3A_107 = arith.constant 2 : i32
    %dma_start3A_108 = arith.constant 0 : i32
    %dma_start3A_109 = tpu.memref_slice %arg6[%dma_start3A_107, %dma_start3A_108] : memref<4x32xi32, #tpu.memory_space<vmem>> -> memref<1x32xi32, #tpu.memory_space<vmem>>
    %dma_start3A_110 = tpu.memref_squeeze %dma_start3A_109 : memref<1x32xi32, #tpu.memory_space<vmem>> -> memref<32xi32, #tpu.memory_space<vmem>>
    %dma_start3A_111 = arith.constant 0 : i32
    %dma_start3A_112 = arith.constant 0 : i32
    %dma_start3A_113 = tpu.memref_slice %arg3[%dma_start3A_111, %dma_start3A_112] : memref<50257x768xf32, #tpu.memory_space<hbm>> -> memref<50257x768xf32, #tpu.memory_space<hbm>>
    tpu.enqueue_indirect_dma source(%dma_start3A_113 : memref<50257x768xf32, #tpu.memory_space<hbm>>) target(%arg9 : memref<32x768xf32, #tpu.memory_space<vmem>>) offsets(%dma_start3A_110 : memref<32xi32, #tpu.memory_space<vmem>>) semaphore(%arg13 : memref<!tpu.dma_semaphore, #tpu.memory_space<semaphore_mem>>)
    %dma_wait3A_114 = arith.constant 0 : i32
    %dma_wait3A_115 = arith.constant 0 : i32
    %dma_wait3A_116 = tpu.memref_slice %arg6[%dma_wait3A_114, %dma_wait3A_115] : memref<4x32xi32, #tpu.memory_space<vmem>> -> memref<1x32xi32, #tpu.memory_space<vmem>>
    %dma_wait3A_117 = tpu.memref_squeeze %dma_wait3A_116 : memref<1x32xi32, #tpu.memory_space<vmem>> -> memref<32xi32, #tpu.memory_space<vmem>>
    %dma_wait3A_118 = arith.constant 0 : i32
    %dma_wait3A_119 = arith.constant 0 : i32
    %dma_wait3A_120 = tpu.memref_slice %arg3[%dma_wait3A_118, %dma_wait3A_119] : memref<50257x768xf32, #tpu.memory_space<hbm>> -> memref<50257x768xf32, #tpu.memory_space<hbm>>
    tpu.wait_indirect_dma semaphore(%arg11 : memref<!tpu.dma_semaphore, #tpu.memory_space<semaphore_mem>>) src(%dma_wait3A_120 : memref<50257x768xf32, #tpu.memory_space<hbm>>) dst(%arg7 : memref<32x768xf32, #tpu.memory_space<vmem>>)
    %scan3A = arith.constant 0 : i32
    %scan3A_121 = arith.constant 0 : i32
    %scan3A_122 = arith.constant 32 : i32
    %scan3A_123 = arith.addi %scan3A_121, %scan3A_122 : i32
    %scan3A_124 = arith.constant 1 : i32
    scf.for %scan3A_224 = %scan3A_121 to %scan3A_123 step %scan3A_124  : i32 {
      %get3A = arith.index_cast %scan3A_224 : i32 to index
      %get3A_225 = arith.constant 0 : index
      %get3A_226 = tpu.vector_load %arg10[%get3A, %get3A_225] {strides = array<i32>} : memref<32x768xf32, #tpu.memory_space<vmem>>, vector<1x16xf32>,
      %get3A_227 = vector.shape_cast %get3A_226 : vector<1x16xf32> to vector<16xf32>
      %swap3A = arith.index_cast %scan3A_224 : i32 to index
      %swap3A_228 = arith.constant 0 : index
      %swap3A_229 = tpu.vector_load %arg7[%swap3A, %swap3A_228] {strides = array<i32>} : memref<32x768xf32, #tpu.memory_space<vmem>>, vector<1x16xf32>,
      %swap3A_230 = vector.shape_cast %swap3A_229 : vector<1x16xf32> to vector<16xf32>
      %swap3A_231 = vector.shape_cast %get3A_227 : vector<16xf32> to vector<1x16xf32>
      tpu.vector_store %arg7[%swap3A, %swap3A_228], %swap3A_231 {add = true, strides = array<i32>} : memref<32x768xf32, #tpu.memory_space<vmem>>, vector<1x16xf32>,
      %get3A_232 = arith.index_cast %scan3A_224 : i32 to index
      %get3A_233 = arith.constant 16 : index
      %get3A_234 = tpu.vector_load %arg10[%get3A_232, %get3A_233] {strides = array<i32>} : memref<32x768xf32, #tpu.memory_space<vmem>>, vector<1x16xf32>,
      %get3A_235 = vector.shape_cast %get3A_234 : vector<1x16xf32> to vector<16xf32>
      %swap3A_236 = arith.index_cast %scan3A_224 : i32 to index
      %swap3A_237 = arith.constant 16 : index
      %swap3A_238 = tpu.vector_load %arg7[%swap3A_236, %swap3A_237] {strides = array<i32>} : memref<32x768xf32, #tpu.memory_space<vmem>>, vector<1x16xf32>,
      %swap3A_239 = vector.shape_cast %swap3A_238 : vector<1x16xf32> to vector<16xf32>
      %swap3A_240 = vector.shape_cast %get3A_235 : vector<16xf32> to vector<1x16xf32>
      tpu.vector_store %arg7[%swap3A_236, %swap3A_237], %swap3A_240 {add = true, strides = array<i32>} : memref<32x768xf32, #tpu.memory_space<vmem>>, vector<1x16xf32>,
      %get3A_241 = arith.index_cast %scan3A_224 : i32 to index
      %get3A_242 = arith.constant 32 : index
      %get3A_243 = tpu.vector_load %arg10[%get3A_241, %get3A_242] {strides = array<i32>} : memref<32x768xf32, #tpu.memory_space<vmem>>, vector<1x16xf32>,
      %get3A_244 = vector.shape_cast %get3A_243 : vector<1x16xf32> to vector<16xf32>
      %swap3A_245 = arith.index_cast %scan3A_224 : i32 to index
      %swap3A_246 = arith.constant 32 : index
      %swap3A_247 = tpu.vector_load %arg7[%swap3A_245, %swap3A_246] {strides = array<i32>} : memref<32x768xf32, #tpu.memory_space<vmem>>, vector<1x16xf32>,
      %swap3A_248 = vector.shape_cast %swap3A_247 : vector<1x16xf32> to vector<16xf32>
      %swap3A_249 = vector.shape_cast %get3A_244 : vector<16xf32> to vector<1x16xf32>
      tpu.vector_store %arg7[%swap3A_245, %swap3A_246], %swap3A_249 {add = true, strides = array<i32>} : memref<32x768xf32, #tpu.memory_space<vmem>>, vector<1x16xf32>,
      %get3A_250 = arith.index_cast %scan3A_224 : i32 to index
      %get3A_251 = arith.constant 48 : index
      %get3A_252 = tpu.vector_load %arg10[%get3A_250, %get3A_251] {strides = array<i32>} : memref<32x768xf32, #tpu.memory_space<vmem>>, vector<1x16xf32>,
      %get3A_253 = vector.shape_cast %get3A_252 : vector<1x16xf32> to vector<16xf32>
      %swap3A_254 = arith.index_cast %scan3A_224 : i32 to index
      %swap3A_255 = arith.constant 48 : index
      %swap3A_256 = tpu.vector_load %arg7[%swap3A_254, %swap3A_255] {strides = array<i32>} : memref<32x768xf32, #tpu.memory_space<vmem>>, vector<1x16xf32>,
      %swap3A_257 = vector.shape_cast %swap3A_256 : vector<1x16xf32> to vector<16xf32>
      %swap3A_258 = vector.shape_cast %get3A_253 : vector<16xf32> to vector<1x16xf32>
      tpu.vector_store %arg7[%swap3A_254, %swap3A_255], %swap3A_258 {add = true, strides = array<i32>} : memref<32x768xf32, #tpu.memory_space<vmem>>, vector<1x16xf32>,
      %get3A_259 = arith.index_cast %scan3A_224 : i32 to index
      %get3A_260 = arith.constant 64 : index
      %get3A_261 = tpu.vector_load %arg10[%get3A_259, %get3A_260] {strides = array<i32>} : memref<32x768xf32, #tpu.memory_space<vmem>>, vector<1x16xf32>,
      %get3A_262 = vector.shape_cast %get3A_261 : vector<1x16xf32> to vector<16xf32>
      %swap3A_263 = arith.index_cast %scan3A_224 : i32 to index
      %swap3A_264 = arith.constant 64 : index
      %swap3A_265 = tpu.vector_load %arg7[%swap3A_263, %swap3A_264] {strides = array<i32>} : memref<32x768xf32, #tpu.memory_space<vmem>>, vector<1x16xf32>,
      %swap3A_266 = vector.shape_cast %swap3A_265 : vector<1x16xf32> to vector<16xf32>
      %swap3A_267 = vector.shape_cast %get3A_262 : vector<16xf32> to vector<1x16xf32>
      tpu.vector_store %arg7[%swap3A_263, %swap3A_264], %swap3A_267 {add = true, strides = array<i32>} : memref<32x768xf32, #tpu.memory_space<vmem>>, vector<1x16xf32>,
      %get3A_268 = arith.index_cast %scan3A_224 : i32 to index
      %get3A_269 = arith.constant 80 : index
      %get3A_270 = tpu.vector_load %arg10[%get3A_268, %get3A_269] {strides = array<i32>} : memref<32x768xf32, #tpu.memory_space<vmem>>, vector<1x16xf32>,
      %get3A_271 = vector.shape_cast %get3A_270 : vector<1x16xf32> to vector<16xf32>
      %swap3A_272 = arith.index_cast %scan3A_224 : i32 to index
      %swap3A_273 = arith.constant 80 : index
      %swap3A_274 = tpu.vector_load %arg7[%swap3A_272, %swap3A_273] {strides = array<i32>} : memref<32x768xf32, #tpu.memory_space<vmem>>, vector<1x16xf32>,
      %swap3A_275 = vector.shape_cast %swap3A_274 : vector<1x16xf32> to vector<16xf32>
      %swap3A_276 = vector.shape_cast %get3A_271 : vector<16xf32> to vector<1x16xf32>
      tpu.vector_store %arg7[%swap3A_272, %swap3A_273], %swap3A_276 {add = true, strides = array<i32>} : memref<32x768xf32, #tpu.memory_space<vmem>>, vector<1x16xf32>,
      %get3A_277 = arith.index_cast %scan3A_224 : i32 to index
      %get3A_278 = arith.constant 96 : index
      %get3A_279 = tpu.vector_load %arg10[%get3A_277, %get3A_278] {strides = array<i32>} : memref<32x768xf32, #tpu.memory_space<vmem>>, vector<1x16xf32>,
      %get3A_280 = vector.shape_cast %get3A_279 : vector<1x16xf32> to vector<16xf32>
      %swap3A_281 = arith.index_cast %scan3A_224 : i32 to index
      %swap3A_282 = arith.constant 96 : index
      %swap3A_283 = tpu.vector_load %arg7[%swap3A_281, %swap3A_282] {strides = array<i32>} : memref<32x768xf32, #tpu.memory_space<vmem>>, vector<1x16xf32>,
      %swap3A_284 = vector.shape_cast %swap3A_283 : vector<1x16xf32> to vector<16xf32>
      %swap3A_285 = vector.shape_cast %get3A_280 : vector<16xf32> to vector<1x16xf32>
      tpu.vector_store %arg7[%swap3A_281, %swap3A_282], %swap3A_285 {add = true, strides = array<i32>} : memref<32x768xf32, #tpu.memory_space<vmem>>, vector<1x16xf32>,
      %get3A_286 = arith.index_cast %scan3A_224 : i32 to index
      %get3A_287 = arith.constant 112 : index
      %get3A_288 = tpu.vector_load %arg10[%get3A_286, %get3A_287] {strides = array<i32>} : memref<32x768xf32, #tpu.memory_space<vmem>>, vector<1x16xf32>,
      %get3A_289 = vector.shape_cast %get3A_288 : vector<1x16xf32> to vector<16xf32>
      %swap3A_290 = arith.index_cast %scan3A_224 : i32 to index
      %swap3A_291 = arith.constant 112 : index
      %swap3A_292 = tpu.vector_load %arg7[%swap3A_290, %swap3A_291] {strides = array<i32>} : memref<32x768xf32, #tpu.memory_space<vmem>>, vector<1x16xf32>,
      %swap3A_293 = vector.shape_cast %swap3A_292 : vector<1x16xf32> to vector<16xf32>
      %swap3A_294 = vector.shape_cast %get3A_289 : vector<16xf32> to vector<1x16xf32>
      tpu.vector_store %arg7[%swap3A_290, %swap3A_291], %swap3A_294 {add = true, strides = array<i32>} : memref<32x768xf32, #tpu.memory_space<vmem>>, vector<1x16xf32>,
      %get3A_295 = arith.index_cast %scan3A_224 : i32 to index
      %get3A_296 = arith.constant 128 : index
      %get3A_297 = tpu.vector_load %arg10[%get3A_295, %get3A_296] {strides = array<i32>} : memref<32x768xf32, #tpu.memory_space<vmem>>, vector<1x16xf32>,
      %get3A_298 = vector.shape_cast %get3A_297 : vector<1x16xf32> to vector<16xf32>
      %swap3A_299 = arith.index_cast %scan3A_224 : i32 to index
      %swap3A_300 = arith.constant 128 : index
      %swap3A_301 = tpu.vector_load %arg7[%swap3A_299, %swap3A_300] {strides = array<i32>} : memref<32x768xf32, #tpu.memory_space<vmem>>, vector<1x16xf32>,
      %swap3A_302 = vector.shape_cast %swap3A_301 : vector<1x16xf32> to vector<16xf32>
      %swap3A_303 = vector.shape_cast %get3A_298 : vector<16xf32> to vector<1x16xf32>
      tpu.vector_store %arg7[%swap3A_299, %swap3A_300], %swap3A_303 {add = true, strides = array<i32>} : memref<32x768xf32, #tpu.memory_space<vmem>>, vector<1x16xf32>,
      %get3A_304 = arith.index_cast %scan3A_224 : i32 to index
      %get3A_305 = arith.constant 144 : index
      %get3A_306 = tpu.vector_load %arg10[%get3A_304, %get3A_305] {strides = array<i32>} : memref<32x768xf32, #tpu.memory_space<vmem>>, vector<1x16xf32>,
      %get3A_307 = vector.shape_cast %get3A_306 : vector<1x16xf32> to vector<16xf32>
      %swap3A_308 = arith.index_cast %scan3A_224 : i32 to index
      %swap3A_309 = arith.constant 144 : index
      %swap3A_310 = tpu.vector_load %arg7[%swap3A_308, %swap3A_309] {strides = array<i32>} : memref<32x768xf32, #tpu.memory_space<vmem>>, vector<1x16xf32>,
      %swap3A_311 = vector.shape_cast %swap3A_310 : vector<1x16xf32> to vector<16xf32>
      %swap3A_312 = vector.shape_cast %get3A_307 : vector<16xf32> to vector<1x16xf32>
      tpu.vector_store %arg7[%swap3A_308, %swap3A_309], %swap3A_312 {add = true, strides = array<i32>} : memref<32x768xf32, #tpu.memory_space<vmem>>, vector<1x16xf32>,
      %get3A_313 = arith.index_cast %scan3A_224 : i32 to index
      %get3A_314 = arith.constant 160 : index
      %get3A_315 = tpu.vector_load %arg10[%get3A_313, %get3A_314] {strides = array<i32>} : memref<32x768xf32, #tpu.memory_space<vmem>>, vector<1x16xf32>,
      %get3A_316 = vector.shape_cast %get3A_315 : vector<1x16xf32> to vector<16xf32>
      %swap3A_317 = arith.index_cast %scan3A_224 : i32 to index
      %swap3A_318 = arith.constant 160 : index
      %swap3A_319 = tpu.vector_load %arg7[%swap3A_317, %swap3A_318] {strides = array<i32>} : memref<32x768xf32, #tpu.memory_space<vmem>>, vector<1x16xf32>,
      %swap3A_320 = vector.shape_cast %swap3A_319 : vector<1x16xf32> to vector<16xf32>
      %swap3A_321 = vector.shape_cast %get3A_316 : vector<16xf32> to vector<1x16xf32>
      tpu.vector_store %arg7[%swap3A_317, %swap3A_318], %swap3A_321 {add = true, strides = array<i32>} : memref<32x768xf32, #tpu.memory_space<vmem>>, vector<1x16xf32>,
      %get3A_322 = arith.index_cast %scan3A_224 : i32 to index
      %get3A_323 = arith.constant 176 : index
      %get3A_324 = tpu.vector_load %arg10[%get3A_322, %get3A_323] {strides = array<i32>} : memref<32x768xf32, #tpu.memory_space<vmem>>, vector<1x16xf32>,
      %get3A_325 = vector.shape_cast %get3A_324 : vector<1x16xf32> to vector<16xf32>
      %swap3A_326 = arith.index_cast %scan3A_224 : i32 to index
      %swap3A_327 = arith.constant 176 : index
      %swap3A_328 = tpu.vector_load %arg7[%swap3A_326, %swap3A_327] {strides = array<i32>} : memref<32x768xf32, #tpu.memory_space<vmem>>, vector<1x16xf32>,
      %swap3A_329 = vector.shape_cast %swap3A_328 : vector<1x16xf32> to vector<16xf32>
      %swap3A_330 = vector.shape_cast %get3A_325 : vector<16xf32> to vector<1x16xf32>
      tpu.vector_store %arg7[%swap3A_326, %swap3A_327], %swap3A_330 {add = true, strides = array<i32>} : memref<32x768xf32, #tpu.memory_space<vmem>>, vector<1x16xf32>,
      %get3A_331 = arith.index_cast %scan3A_224 : i32 to index
      %get3A_332 = arith.constant 192 : index
      %get3A_333 = tpu.vector_load %arg10[%get3A_331, %get3A_332] {strides = array<i32>} : memref<32x768xf32, #tpu.memory_space<vmem>>, vector<1x16xf32>,
      %get3A_334 = vector.shape_cast %get3A_333 : vector<1x16xf32> to vector<16xf32>
      %swap3A_335 = arith.index_cast %scan3A_224 : i32 to index
      %swap3A_336 = arith.constant 192 : index
      %swap3A_337 = tpu.vector_load %arg7[%swap3A_335, %swap3A_336] {strides = array<i32>} : memref<32x768xf32, #tpu.memory_space<vmem>>, vector<1x16xf32>,
      %swap3A_338 = vector.shape_cast %swap3A_337 : vector<1x16xf32> to vector<16xf32>
      %swap3A_339 = vector.shape_cast %get3A_334 : vector<16xf32> to vector<1x16xf32>
      tpu.vector_store %arg7[%swap3A_335, %swap3A_336], %swap3A_339 {add = true, strides = array<i32>} : memref<32x768xf32, #tpu.memory_space<vmem>>, vector<1x16xf32>,
      %get3A_340 = arith.index_cast %scan3A_224 : i32 to index
      %get3A_341 = arith.constant 208 : index
      %get3A_342 = tpu.vector_load %arg10[%get3A_340, %get3A_341] {strides = array<i32>} : memref<32x768xf32, #tpu.memory_space<vmem>>, vector<1x16xf32>,
      %get3A_343 = vector.shape_cast %get3A_342 : vector<1x16xf32> to vector<16xf32>
      %swap3A_344 = arith.index_cast %scan3A_224 : i32 to index
      %swap3A_345 = arith.constant 208 : index
      %swap3A_346 = tpu.vector_load %arg7[%swap3A_344, %swap3A_345] {strides = array<i32>} : memref<32x768xf32, #tpu.memory_space<vmem>>, vector<1x16xf32>,
      %swap3A_347 = vector.shape_cast %swap3A_346 : vector<1x16xf32> to vector<16xf32>
      %swap3A_348 = vector.shape_cast %get3A_343 : vector<16xf32> to vector<1x16xf32>
      tpu.vector_store %arg7[%swap3A_344, %swap3A_345], %swap3A_348 {add = true, strides = array<i32>} : memref<32x768xf32, #tpu.memory_space<vmem>>, vector<1x16xf32>,
      %get3A_349 = arith.index_cast %scan3A_224 : i32 to index
      %get3A_350 = arith.constant 224 : index
      %get3A_351 = tpu.vector_load %arg10[%get3A_349, %get3A_350] {strides = array<i32>} : memref<32x768xf32, #tpu.memory_space<vmem>>, vector<1x16xf32>,
      %get3A_352 = vector.shape_cast %get3A_351 : vector<1x16xf32> to vector<16xf32>
      %swap3A_353 = arith.index_cast %scan3A_224 : i32 to index
      %swap3A_354 = arith.constant 224 : index
      %swap3A_355 = tpu.vector_load %arg7[%swap3A_353, %swap3A_354] {strides = array<i32>} : memref<32x768xf32, #tpu.memory_space<vmem>>, vector<1x16xf32>,
      %swap3A_356 = vector.shape_cast %swap3A_355 : vector<1x16xf32> to vector<16xf32>
      %swap3A_357 = vector.shape_cast %get3A_352 : vector<16xf32> to vector<1x16xf32>
      tpu.vector_store %arg7[%swap3A_353, %swap3A_354], %swap3A_357 {add = true, strides = array<i32>} : memref<32x768xf32, #tpu.memory_space<vmem>>, vector<1x16xf32>,
      %get3A_358 = arith.index_cast %scan3A_224 : i32 to index
      %get3A_359 = arith.constant 240 : index
      %get3A_360 = tpu.vector_load %arg10[%get3A_358, %get3A_359] {strides = array<i32>} : memref<32x768xf32, #tpu.memory_space<vmem>>, vector<1x16xf32>,
      %get3A_361 = vector.shape_cast %get3A_360 : vector<1x16xf32> to vector<16xf32>
      %swap3A_362 = arith.index_cast %scan3A_224 : i32 to index
      %swap3A_363 = arith.constant 240 : index
      %swap3A_364 = tpu.vector_load %arg7[%swap3A_362, %swap3A_363] {strides = array<i32>} : memref<32x768xf32, #tpu.memory_space<vmem>>, vector<1x16xf32>,
      %swap3A_365 = vector.shape_cast %swap3A_364 : vector<1x16xf32> to vector<16xf32>
      %swap3A_366 = vector.shape_cast %get3A_361 : vector<16xf32> to vector<1x16xf32>
      tpu.vector_store %arg7[%swap3A_362, %swap3A_363], %swap3A_366 {add = true, strides = array<i32>} : memref<32x768xf32, #tpu.memory_space<vmem>>, vector<1x16xf32>,
      %get3A_367 = arith.index_cast %scan3A_224 : i32 to index
      %get3A_368 = arith.constant 256 : index
      %get3A_369 = tpu.vector_load %arg10[%get3A_367, %get3A_368] {strides = array<i32>} : memref<32x768xf32, #tpu.memory_space<vmem>>, vector<1x16xf32>,
      %get3A_370 = vector.shape_cast %get3A_369 : vector<1x16xf32> to vector<16xf32>
      %swap3A_371 = arith.index_cast %scan3A_224 : i32 to index
      %swap3A_372 = arith.constant 256 : index
      %swap3A_373 = tpu.vector_load %arg7[%swap3A_371, %swap3A_372] {strides = array<i32>} : memref<32x768xf32, #tpu.memory_space<vmem>>, vector<1x16xf32>,
      %swap3A_374 = vector.shape_cast %swap3A_373 : vector<1x16xf32> to vector<16xf32>
      %swap3A_375 = vector.shape_cast %get3A_370 : vector<16xf32> to vector<1x16xf32>
      tpu.vector_store %arg7[%swap3A_371, %swap3A_372], %swap3A_375 {add = true, strides = array<i32>} : memref<32x768xf32, #tpu.memory_space<vmem>>, vector<1x16xf32>,
      %get3A_376 = arith.index_cast %scan3A_224 : i32 to index
      %get3A_377 = arith.constant 272 : index
      %get3A_378 = tpu.vector_load %arg10[%get3A_376, %get3A_377] {strides = array<i32>} : memref<32x768xf32, #tpu.memory_space<vmem>>, vector<1x16xf32>,
      %get3A_379 = vector.shape_cast %get3A_378 : vector<1x16xf32> to vector<16xf32>
      %swap3A_380 = arith.index_cast %scan3A_224 : i32 to index
      %swap3A_381 = arith.constant 272 : index
      %swap3A_382 = tpu.vector_load %arg7[%swap3A_380, %swap3A_381] {strides = array<i32>} : memref<32x768xf32, #tpu.memory_space<vmem>>, vector<1x16xf32>,
      %swap3A_383 = vector.shape_cast %swap3A_382 : vector<1x16xf32> to vector<16xf32>
      %swap3A_384 = vector.shape_cast %get3A_379 : vector<16xf32> to vector<1x16xf32>
      tpu.vector_store %arg7[%swap3A_380, %swap3A_381], %swap3A_384 {add = true, strides = array<i32>} : memref<32x768xf32, #tpu.memory_space<vmem>>, vector<1x16xf32>,
      %get3A_385 = arith.index_cast %scan3A_224 : i32 to index
      %get3A_386 = arith.constant 288 : index
      %get3A_387 = tpu.vector_load %arg10[%get3A_385, %get3A_386] {strides = array<i32>} : memref<32x768xf32, #tpu.memory_space<vmem>>, vector<1x16xf32>,
      %get3A_388 = vector.shape_cast %get3A_387 : vector<1x16xf32> to vector<16xf32>
      %swap3A_389 = arith.index_cast %scan3A_224 : i32 to index
      %swap3A_390 = arith.constant 288 : index
      %swap3A_391 = tpu.vector_load %arg7[%swap3A_389, %swap3A_390] {strides = array<i32>} : memref<32x768xf32, #tpu.memory_space<vmem>>, vector<1x16xf32>,
      %swap3A_392 = vector.shape_cast %swap3A_391 : vector<1x16xf32> to vector<16xf32>
      %swap3A_393 = vector.shape_cast %get3A_388 : vector<16xf32> to vector<1x16xf32>
      tpu.vector_store %arg7[%swap3A_389, %swap3A_390], %swap3A_393 {add = true, strides = array<i32>} : memref<32x768xf32, #tpu.memory_space<vmem>>, vector<1x16xf32>,
      %get3A_394 = arith.index_cast %scan3A_224 : i32 to index
      %get3A_395 = arith.constant 304 : index
      %get3A_396 = tpu.vector_load %arg10[%get3A_394, %get3A_395] {strides = array<i32>} : memref<32x768xf32, #tpu.memory_space<vmem>>, vector<1x16xf32>,
      %get3A_397 = vector.shape_cast %get3A_396 : vector<1x16xf32> to vector<16xf32>
      %swap3A_398 = arith.index_cast %scan3A_224 : i32 to index
      %swap3A_399 = arith.constant 304 : index
      %swap3A_400 = tpu.vector_load %arg7[%swap3A_398, %swap3A_399] {strides = array<i32>} : memref<32x768xf32, #tpu.memory_space<vmem>>, vector<1x16xf32>,
      %swap3A_401 = vector.shape_cast %swap3A_400 : vector<1x16xf32> to vector<16xf32>
      %swap3A_402 = vector.shape_cast %get3A_397 : vector<16xf32> to vector<1x16xf32>
      tpu.vector_store %arg7[%swap3A_398, %swap3A_399], %swap3A_402 {add = true, strides = array<i32>} : memref<32x768xf32, #tpu.memory_space<vmem>>, vector<1x16xf32>,
      %get3A_403 = arith.index_cast %scan3A_224 : i32 to index
      %get3A_404 = arith.constant 320 : index
      %get3A_405 = tpu.vector_load %arg10[%get3A_403, %get3A_404] {strides = array<i32>} : memref<32x768xf32, #tpu.memory_space<vmem>>, vector<1x16xf32>,
      %get3A_406 = vector.shape_cast %get3A_405 : vector<1x16xf32> to vector<16xf32>
      %swap3A_407 = arith.index_cast %scan3A_224 : i32 to index
      %swap3A_408 = arith.constant 320 : index
      %swap3A_409 = tpu.vector_load %arg7[%swap3A_407, %swap3A_408] {strides = array<i32>} : memref<32x768xf32, #tpu.memory_space<vmem>>, vector<1x16xf32>,
      %swap3A_410 = vector.shape_cast %swap3A_409 : vector<1x16xf32> to vector<16xf32>
      %swap3A_411 = vector.shape_cast %get3A_406 : vector<16xf32> to vector<1x16xf32>
      tpu.vector_store %arg7[%swap3A_407, %swap3A_408], %swap3A_411 {add = true, strides = array<i32>} : memref<32x768xf32, #tpu.memory_space<vmem>>, vector<1x16xf32>,
      %get3A_412 = arith.index_cast %scan3A_224 : i32 to index
      %get3A_413 = arith.constant 336 : index
      %get3A_414 = tpu.vector_load %arg10[%get3A_412, %get3A_413] {strides = array<i32>} : memref<32x768xf32, #tpu.memory_space<vmem>>, vector<1x16xf32>,
      %get3A_415 = vector.shape_cast %get3A_414 : vector<1x16xf32> to vector<16xf32>
      %swap3A_416 = arith.index_cast %scan3A_224 : i32 to index
      %swap3A_417 = arith.constant 336 : index
      %swap3A_418 = tpu.vector_load %arg7[%swap3A_416, %swap3A_417] {strides = array<i32>} : memref<32x768xf32, #tpu.memory_space<vmem>>, vector<1x16xf32>,
      %swap3A_419 = vector.shape_cast %swap3A_418 : vector<1x16xf32> to vector<16xf32>
      %swap3A_420 = vector.shape_cast %get3A_415 : vector<16xf32> to vector<1x16xf32>
      tpu.vector_store %arg7[%swap3A_416, %swap3A_417], %swap3A_420 {add = true, strides = array<i32>} : memref<32x768xf32, #tpu.memory_space<vmem>>, vector<1x16xf32>,
      %get3A_421 = arith.index_cast %scan3A_224 : i32 to index
      %get3A_422 = arith.constant 352 : index
      %get3A_423 = tpu.vector_load %arg10[%get3A_421, %get3A_422] {strides = array<i32>} : memref<32x768xf32, #tpu.memory_space<vmem>>, vector<1x16xf32>,
      %get3A_424 = vector.shape_cast %get3A_423 : vector<1x16xf32> to vector<16xf32>
      %swap3A_425 = arith.index_cast %scan3A_224 : i32 to index
      %swap3A_426 = arith.constant 352 : index
      %swap3A_427 = tpu.vector_load %arg7[%swap3A_425, %swap3A_426] {strides = array<i32>} : memref<32x768xf32, #tpu.memory_space<vmem>>, vector<1x16xf32>,
      %swap3A_428 = vector.shape_cast %swap3A_427 : vector<1x16xf32> to vector<16xf32>
      %swap3A_429 = vector.shape_cast %get3A_424 : vector<16xf32> to vector<1x16xf32>
      tpu.vector_store %arg7[%swap3A_425, %swap3A_426], %swap3A_429 {add = true, strides = array<i32>} : memref<32x768xf32, #tpu.memory_space<vmem>>, vector<1x16xf32>,
      %get3A_430 = arith.index_cast %scan3A_224 : i32 to index
      %get3A_431 = arith.constant 368 : index
      %get3A_432 = tpu.vector_load %arg10[%get3A_430, %get3A_431] {strides = array<i32>} : memref<32x768xf32, #tpu.memory_space<vmem>>, vector<1x16xf32>,
      %get3A_433 = vector.shape_cast %get3A_432 : vector<1x16xf32> to vector<16xf32>
      %swap3A_434 = arith.index_cast %scan3A_224 : i32 to index
      %swap3A_435 = arith.constant 368 : index
      %swap3A_436 = tpu.vector_load %arg7[%swap3A_434, %swap3A_435] {strides = array<i32>} : memref<32x768xf32, #tpu.memory_space<vmem>>, vector<1x16xf32>,
      %swap3A_437 = vector.shape_cast %swap3A_436 : vector<1x16xf32> to vector<16xf32>
      %swap3A_438 = vector.shape_cast %get3A_433 : vector<16xf32> to vector<1x16xf32>
      tpu.vector_store %arg7[%swap3A_434, %swap3A_435], %swap3A_438 {add = true, strides = array<i32>} : memref<32x768xf32, #tpu.memory_space<vmem>>, vector<1x16xf32>,
      %get3A_439 = arith.index_cast %scan3A_224 : i32 to index
      %get3A_440 = arith.constant 384 : index
      %get3A_441 = tpu.vector_load %arg10[%get3A_439, %get3A_440] {strides = array<i32>} : memref<32x768xf32, #tpu.memory_space<vmem>>, vector<1x16xf32>,
      %get3A_442 = vector.shape_cast %get3A_441 : vector<1x16xf32> to vector<16xf32>
      %swap3A_443 = arith.index_cast %scan3A_224 : i32 to index
      %swap3A_444 = arith.constant 384 : index
      %swap3A_445 = tpu.vector_load %arg7[%swap3A_443, %swap3A_444] {strides = array<i32>} : memref<32x768xf32, #tpu.memory_space<vmem>>, vector<1x16xf32>,
      %swap3A_446 = vector.shape_cast %swap3A_445 : vector<1x16xf32> to vector<16xf32>
      %swap3A_447 = vector.shape_cast %get3A_442 : vector<16xf32> to vector<1x16xf32>
      tpu.vector_store %arg7[%swap3A_443, %swap3A_444], %swap3A_447 {add = true, strides = array<i32>} : memref<32x768xf32, #tpu.memory_space<vmem>>, vector<1x16xf32>,
      %get3A_448 = arith.index_cast %scan3A_224 : i32 to index
      %get3A_449 = arith.constant 400 : index
      %get3A_450 = tpu.vector_load %arg10[%get3A_448, %get3A_449] {strides = array<i32>} : memref<32x768xf32, #tpu.memory_space<vmem>>, vector<1x16xf32>,
      %get3A_451 = vector.shape_cast %get3A_450 : vector<1x16xf32> to vector<16xf32>
      %swap3A_452 = arith.index_cast %scan3A_224 : i32 to index
      %swap3A_453 = arith.constant 400 : index
      %swap3A_454 = tpu.vector_load %arg7[%swap3A_452, %swap3A_453] {strides = array<i32>} : memref<32x768xf32, #tpu.memory_space<vmem>>, vector<1x16xf32>,
      %swap3A_455 = vector.shape_cast %swap3A_454 : vector<1x16xf32> to vector<16xf32>
      %swap3A_456 = vector.shape_cast %get3A_451 : vector<16xf32> to vector<1x16xf32>
      tpu.vector_store %arg7[%swap3A_452, %swap3A_453], %swap3A_456 {add = true, strides = array<i32>} : memref<32x768xf32, #tpu.memory_space<vmem>>, vector<1x16xf32>,
      %get3A_457 = arith.index_cast %scan3A_224 : i32 to index
      %get3A_458 = arith.constant 416 : index
      %get3A_459 = tpu.vector_load %arg10[%get3A_457, %get3A_458] {strides = array<i32>} : memref<32x768xf32, #tpu.memory_space<vmem>>, vector<1x16xf32>,
      %get3A_460 = vector.shape_cast %get3A_459 : vector<1x16xf32> to vector<16xf32>
      %swap3A_461 = arith.index_cast %scan3A_224 : i32 to index
      %swap3A_462 = arith.constant 416 : index
      %swap3A_463 = tpu.vector_load %arg7[%swap3A_461, %swap3A_462] {strides = array<i32>} : memref<32x768xf32, #tpu.memory_space<vmem>>, vector<1x16xf32>,
      %swap3A_464 = vector.shape_cast %swap3A_463 : vector<1x16xf32> to vector<16xf32>
      %swap3A_465 = vector.shape_cast %get3A_460 : vector<16xf32> to vector<1x16xf32>
      tpu.vector_store %arg7[%swap3A_461, %swap3A_462], %swap3A_465 {add = true, strides = array<i32>} : memref<32x768xf32, #tpu.memory_space<vmem>>, vector<1x16xf32>,
      %get3A_466 = arith.index_cast %scan3A_224 : i32 to index
      %get3A_467 = arith.constant 432 : index
      %get3A_468 = tpu.vector_load %arg10[%get3A_466, %get3A_467] {strides = array<i32>} : memref<32x768xf32, #tpu.memory_space<vmem>>, vector<1x16xf32>,
      %get3A_469 = vector.shape_cast %get3A_468 : vector<1x16xf32> to vector<16xf32>
      %swap3A_470 = arith.index_cast %scan3A_224 : i32 to index
      %swap3A_471 = arith.constant 432 : index
      %swap3A_472 = tpu.vector_load %arg7[%swap3A_470, %swap3A_471] {strides = array<i32>} : memref<32x768xf32, #tpu.memory_space<vmem>>, vector<1x16xf32>,
      %swap3A_473 = vector.shape_cast %swap3A_472 : vector<1x16xf32> to vector<16xf32>
      %swap3A_474 = vector.shape_cast %get3A_469 : vector<16xf32> to vector<1x16xf32>
      tpu.vector_store %arg7[%swap3A_470, %swap3A_471], %swap3A_474 {add = true, strides = array<i32>} : memref<32x768xf32, #tpu.memory_space<vmem>>, vector<1x16xf32>,
      %get3A_475 = arith.index_cast %scan3A_224 : i32 to index
      %get3A_476 = arith.constant 448 : index
      %get3A_477 = tpu.vector_load %arg10[%get3A_475, %get3A_476] {strides = array<i32>} : memref<32x768xf32, #tpu.memory_space<vmem>>, vector<1x16xf32>,
      %get3A_478 = vector.shape_cast %get3A_477 : vector<1x16xf32> to vector<16xf32>
      %swap3A_479 = arith.index_cast %scan3A_224 : i32 to index
      %swap3A_480 = arith.constant 448 : index
      %swap3A_481 = tpu.vector_load %arg7[%swap3A_479, %swap3A_480] {strides = array<i32>} : memref<32x768xf32, #tpu.memory_space<vmem>>, vector<1x16xf32>,
      %swap3A_482 = vector.shape_cast %swap3A_481 : vector<1x16xf32> to vector<16xf32>
      %swap3A_483 = vector.shape_cast %get3A_478 : vector<16xf32> to vector<1x16xf32>
      tpu.vector_store %arg7[%swap3A_479, %swap3A_480], %swap3A_483 {add = true, strides = array<i32>} : memref<32x768xf32, #tpu.memory_space<vmem>>, vector<1x16xf32>,
      %get3A_484 = arith.index_cast %scan3A_224 : i32 to index
      %get3A_485 = arith.constant 464 : index
      %get3A_486 = tpu.vector_load %arg10[%get3A_484, %get3A_485] {strides = array<i32>} : memref<32x768xf32, #tpu.memory_space<vmem>>, vector<1x16xf32>,
      %get3A_487 = vector.shape_cast %get3A_486 : vector<1x16xf32> to vector<16xf32>
      %swap3A_488 = arith.index_cast %scan3A_224 : i32 to index
      %swap3A_489 = arith.constant 464 : index
      %swap3A_490 = tpu.vector_load %arg7[%swap3A_488, %swap3A_489] {strides = array<i32>} : memref<32x768xf32, #tpu.memory_space<vmem>>, vector<1x16xf32>,
      %swap3A_491 = vector.shape_cast %swap3A_490 : vector<1x16xf32> to vector<16xf32>
      %swap3A_492 = vector.shape_cast %get3A_487 : vector<16xf32> to vector<1x16xf32>
      tpu.vector_store %arg7[%swap3A_488, %swap3A_489], %swap3A_492 {add = true, strides = array<i32>} : memref<32x768xf32, #tpu.memory_space<vmem>>, vector<1x16xf32>,
      %get3A_493 = arith.index_cast %scan3A_224 : i32 to index
      %get3A_494 = arith.constant 480 : index
      %get3A_495 = tpu.vector_load %arg10[%get3A_493, %get3A_494] {strides = array<i32>} : memref<32x768xf32, #tpu.memory_space<vmem>>, vector<1x16xf32>,
      %get3A_496 = vector.shape_cast %get3A_495 : vector<1x16xf32> to vector<16xf32>
      %swap3A_497 = arith.index_cast %scan3A_224 : i32 to index
      %swap3A_498 = arith.constant 480 : index
      %swap3A_499 = tpu.vector_load %arg7[%swap3A_497, %swap3A_498] {strides = array<i32>} : memref<32x768xf32, #tpu.memory_space<vmem>>, vector<1x16xf32>,
      %swap3A_500 = vector.shape_cast %swap3A_499 : vector<1x16xf32> to vector<16xf32>
      %swap3A_501 = vector.shape_cast %get3A_496 : vector<16xf32> to vector<1x16xf32>
      tpu.vector_store %arg7[%swap3A_497, %swap3A_498], %swap3A_501 {add = true, strides = array<i32>} : memref<32x768xf32, #tpu.memory_space<vmem>>, vector<1x16xf32>,
      %get3A_502 = arith.index_cast %scan3A_224 : i32 to index
      %get3A_503 = arith.constant 496 : index
      %get3A_504 = tpu.vector_load %arg10[%get3A_502, %get3A_503] {strides = array<i32>} : memref<32x768xf32, #tpu.memory_space<vmem>>, vector<1x16xf32>,
      %get3A_505 = vector.shape_cast %get3A_504 : vector<1x16xf32> to vector<16xf32>
      %swap3A_506 = arith.index_cast %scan3A_224 : i32 to index
      %swap3A_507 = arith.constant 496 : index
      %swap3A_508 = tpu.vector_load %arg7[%swap3A_506, %swap3A_507] {strides = array<i32>} : memref<32x768xf32, #tpu.memory_space<vmem>>, vector<1x16xf32>,
      %swap3A_509 = vector.shape_cast %swap3A_508 : vector<1x16xf32> to vector<16xf32>
      %swap3A_510 = vector.shape_cast %get3A_505 : vector<16xf32> to vector<1x16xf32>
      tpu.vector_store %arg7[%swap3A_506, %swap3A_507], %swap3A_510 {add = true, strides = array<i32>} : memref<32x768xf32, #tpu.memory_space<vmem>>, vector<1x16xf32>,
      %get3A_511 = arith.index_cast %scan3A_224 : i32 to index
      %get3A_512 = arith.constant 512 : index
      %get3A_513 = tpu.vector_load %arg10[%get3A_511, %get3A_512] {strides = array<i32>} : memref<32x768xf32, #tpu.memory_space<vmem>>, vector<1x16xf32>,
      %get3A_514 = vector.shape_cast %get3A_513 : vector<1x16xf32> to vector<16xf32>
      %swap3A_515 = arith.index_cast %scan3A_224 : i32 to index
      %swap3A_516 = arith.constant 512 : index
      %swap3A_517 = tpu.vector_load %arg7[%swap3A_515, %swap3A_516] {strides = array<i32>} : memref<32x768xf32, #tpu.memory_space<vmem>>, vector<1x16xf32>,
      %swap3A_518 = vector.shape_cast %swap3A_517 : vector<1x16xf32> to vector<16xf32>
      %swap3A_519 = vector.shape_cast %get3A_514 : vector<16xf32> to vector<1x16xf32>
      tpu.vector_store %arg7[%swap3A_515, %swap3A_516], %swap3A_519 {add = true, strides = array<i32>} : memref<32x768xf32, #tpu.memory_space<vmem>>, vector<1x16xf32>,
      %get3A_520 = arith.index_cast %scan3A_224 : i32 to index
      %get3A_521 = arith.constant 528 : index
      %get3A_522 = tpu.vector_load %arg10[%get3A_520, %get3A_521] {strides = array<i32>} : memref<32x768xf32, #tpu.memory_space<vmem>>, vector<1x16xf32>,
      %get3A_523 = vector.shape_cast %get3A_522 : vector<1x16xf32> to vector<16xf32>
      %swap3A_524 = arith.index_cast %scan3A_224 : i32 to index
      %swap3A_525 = arith.constant 528 : index
      %swap3A_526 = tpu.vector_load %arg7[%swap3A_524, %swap3A_525] {strides = array<i32>} : memref<32x768xf32, #tpu.memory_space<vmem>>, vector<1x16xf32>,
      %swap3A_527 = vector.shape_cast %swap3A_526 : vector<1x16xf32> to vector<16xf32>
      %swap3A_528 = vector.shape_cast %get3A_523 : vector<16xf32> to vector<1x16xf32>
      tpu.vector_store %arg7[%swap3A_524, %swap3A_525], %swap3A_528 {add = true, strides = array<i32>} : memref<32x768xf32, #tpu.memory_space<vmem>>, vector<1x16xf32>,
      %get3A_529 = arith.index_cast %scan3A_224 : i32 to index
      %get3A_530 = arith.constant 544 : index
      %get3A_531 = tpu.vector_load %arg10[%get3A_529, %get3A_530] {strides = array<i32>} : memref<32x768xf32, #tpu.memory_space<vmem>>, vector<1x16xf32>,
      %get3A_532 = vector.shape_cast %get3A_531 : vector<1x16xf32> to vector<16xf32>
      %swap3A_533 = arith.index_cast %scan3A_224 : i32 to index
      %swap3A_534 = arith.constant 544 : index
      %swap3A_535 = tpu.vector_load %arg7[%swap3A_533, %swap3A_534] {strides = array<i32>} : memref<32x768xf32, #tpu.memory_space<vmem>>, vector<1x16xf32>,
      %swap3A_536 = vector.shape_cast %swap3A_535 : vector<1x16xf32> to vector<16xf32>
      %swap3A_537 = vector.shape_cast %get3A_532 : vector<16xf32> to vector<1x16xf32>
      tpu.vector_store %arg7[%swap3A_533, %swap3A_534], %swap3A_537 {add = true, strides = array<i32>} : memref<32x768xf32, #tpu.memory_space<vmem>>, vector<1x16xf32>,
      %get3A_538 = arith.index_cast %scan3A_224 : i32 to index
      %get3A_539 = arith.constant 560 : index
      %get3A_540 = tpu.vector_load %arg10[%get3A_538, %get3A_539] {strides = array<i32>} : memref<32x768xf32, #tpu.memory_space<vmem>>, vector<1x16xf32>,
      %get3A_541 = vector.shape_cast %get3A_540 : vector<1x16xf32> to vector<16xf32>
      %swap3A_542 = arith.index_cast %scan3A_224 : i32 to index
      %swap3A_543 = arith.constant 560 : index
      %swap3A_544 = tpu.vector_load %arg7[%swap3A_542, %swap3A_543] {strides = array<i32>} : memref<32x768xf32, #tpu.memory_space<vmem>>, vector<1x16xf32>,
      %swap3A_545 = vector.shape_cast %swap3A_544 : vector<1x16xf32> to vector<16xf32>
      %swap3A_546 = vector.shape_cast %get3A_541 : vector<16xf32> to vector<1x16xf32>
      tpu.vector_store %arg7[%swap3A_542, %swap3A_543], %swap3A_546 {add = true, strides = array<i32>} : memref<32x768xf32, #tpu.memory_space<vmem>>, vector<1x16xf32>,
      %get3A_547 = arith.index_cast %scan3A_224 : i32 to index
      %get3A_548 = arith.constant 576 : index
      %get3A_549 = tpu.vector_load %arg10[%get3A_547, %get3A_548] {strides = array<i32>} : memref<32x768xf32, #tpu.memory_space<vmem>>, vector<1x16xf32>,
      %get3A_550 = vector.shape_cast %get3A_549 : vector<1x16xf32> to vector<16xf32>
      %swap3A_551 = arith.index_cast %scan3A_224 : i32 to index
      %swap3A_552 = arith.constant 576 : index
      %swap3A_553 = tpu.vector_load %arg7[%swap3A_551, %swap3A_552] {strides = array<i32>} : memref<32x768xf32, #tpu.memory_space<vmem>>, vector<1x16xf32>,
      %swap3A_554 = vector.shape_cast %swap3A_553 : vector<1x16xf32> to vector<16xf32>
      %swap3A_555 = vector.shape_cast %get3A_550 : vector<16xf32> to vector<1x16xf32>
      tpu.vector_store %arg7[%swap3A_551, %swap3A_552], %swap3A_555 {add = true, strides = array<i32>} : memref<32x768xf32, #tpu.memory_space<vmem>>, vector<1x16xf32>,
      %get3A_556 = arith.index_cast %scan3A_224 : i32 to index
      %get3A_557 = arith.constant 592 : index
      %get3A_558 = tpu.vector_load %arg10[%get3A_556, %get3A_557] {strides = array<i32>} : memref<32x768xf32, #tpu.memory_space<vmem>>, vector<1x16xf32>,
      %get3A_559 = vector.shape_cast %get3A_558 : vector<1x16xf32> to vector<16xf32>
      %swap3A_560 = arith.index_cast %scan3A_224 : i32 to index
      %swap3A_561 = arith.constant 592 : index
      %swap3A_562 = tpu.vector_load %arg7[%swap3A_560, %swap3A_561] {strides = array<i32>} : memref<32x768xf32, #tpu.memory_space<vmem>>, vector<1x16xf32>,
      %swap3A_563 = vector.shape_cast %swap3A_562 : vector<1x16xf32> to vector<16xf32>
      %swap3A_564 = vector.shape_cast %get3A_559 : vector<16xf32> to vector<1x16xf32>
      tpu.vector_store %arg7[%swap3A_560, %swap3A_561], %swap3A_564 {add = true, strides = array<i32>} : memref<32x768xf32, #tpu.memory_space<vmem>>, vector<1x16xf32>,
      %get3A_565 = arith.index_cast %scan3A_224 : i32 to index
      %get3A_566 = arith.constant 608 : index
      %get3A_567 = tpu.vector_load %arg10[%get3A_565, %get3A_566] {strides = array<i32>} : memref<32x768xf32, #tpu.memory_space<vmem>>, vector<1x16xf32>,
      %get3A_568 = vector.shape_cast %get3A_567 : vector<1x16xf32> to vector<16xf32>
      %swap3A_569 = arith.index_cast %scan3A_224 : i32 to index
      %swap3A_570 = arith.constant 608 : index
      %swap3A_571 = tpu.vector_load %arg7[%swap3A_569, %swap3A_570] {strides = array<i32>} : memref<32x768xf32, #tpu.memory_space<vmem>>, vector<1x16xf32>,
      %swap3A_572 = vector.shape_cast %swap3A_571 : vector<1x16xf32> to vector<16xf32>
      %swap3A_573 = vector.shape_cast %get3A_568 : vector<16xf32> to vector<1x16xf32>
      tpu.vector_store %arg7[%swap3A_569, %swap3A_570], %swap3A_573 {add = true, strides = array<i32>} : memref<32x768xf32, #tpu.memory_space<vmem>>, vector<1x16xf32>,
      %get3A_574 = arith.index_cast %scan3A_224 : i32 to index
      %get3A_575 = arith.constant 624 : index
      %get3A_576 = tpu.vector_load %arg10[%get3A_574, %get3A_575] {strides = array<i32>} : memref<32x768xf32, #tpu.memory_space<vmem>>, vector<1x16xf32>,
      %get3A_577 = vector.shape_cast %get3A_576 : vector<1x16xf32> to vector<16xf32>
      %swap3A_578 = arith.index_cast %scan3A_224 : i32 to index
      %swap3A_579 = arith.constant 624 : index
      %swap3A_580 = tpu.vector_load %arg7[%swap3A_578, %swap3A_579] {strides = array<i32>} : memref<32x768xf32, #tpu.memory_space<vmem>>, vector<1x16xf32>,
      %swap3A_581 = vector.shape_cast %swap3A_580 : vector<1x16xf32> to vector<16xf32>
      %swap3A_582 = vector.shape_cast %get3A_577 : vector<16xf32> to vector<1x16xf32>
      tpu.vector_store %arg7[%swap3A_578, %swap3A_579], %swap3A_582 {add = true, strides = array<i32>} : memref<32x768xf32, #tpu.memory_space<vmem>>, vector<1x16xf32>,
      %get3A_583 = arith.index_cast %scan3A_224 : i32 to index
      %get3A_584 = arith.constant 640 : index
      %get3A_585 = tpu.vector_load %arg10[%get3A_583, %get3A_584] {strides = array<i32>} : memref<32x768xf32, #tpu.memory_space<vmem>>, vector<1x16xf32>,
      %get3A_586 = vector.shape_cast %get3A_585 : vector<1x16xf32> to vector<16xf32>
      %swap3A_587 = arith.index_cast %scan3A_224 : i32 to index
      %swap3A_588 = arith.constant 640 : index
      %swap3A_589 = tpu.vector_load %arg7[%swap3A_587, %swap3A_588] {strides = array<i32>} : memref<32x768xf32, #tpu.memory_space<vmem>>, vector<1x16xf32>,
      %swap3A_590 = vector.shape_cast %swap3A_589 : vector<1x16xf32> to vector<16xf32>
      %swap3A_591 = vector.shape_cast %get3A_586 : vector<16xf32> to vector<1x16xf32>
      tpu.vector_store %arg7[%swap3A_587, %swap3A_588], %swap3A_591 {add = true, strides = array<i32>} : memref<32x768xf32, #tpu.memory_space<vmem>>, vector<1x16xf32>,
      %get3A_592 = arith.index_cast %scan3A_224 : i32 to index
      %get3A_593 = arith.constant 656 : index
      %get3A_594 = tpu.vector_load %arg10[%get3A_592, %get3A_593] {strides = array<i32>} : memref<32x768xf32, #tpu.memory_space<vmem>>, vector<1x16xf32>,
      %get3A_595 = vector.shape_cast %get3A_594 : vector<1x16xf32> to vector<16xf32>
      %swap3A_596 = arith.index_cast %scan3A_224 : i32 to index
      %swap3A_597 = arith.constant 656 : index
      %swap3A_598 = tpu.vector_load %arg7[%swap3A_596, %swap3A_597] {strides = array<i32>} : memref<32x768xf32, #tpu.memory_space<vmem>>, vector<1x16xf32>,
      %swap3A_599 = vector.shape_cast %swap3A_598 : vector<1x16xf32> to vector<16xf32>
      %swap3A_600 = vector.shape_cast %get3A_595 : vector<16xf32> to vector<1x16xf32>
      tpu.vector_store %arg7[%swap3A_596, %swap3A_597], %swap3A_600 {add = true, strides = array<i32>} : memref<32x768xf32, #tpu.memory_space<vmem>>, vector<1x16xf32>,
      %get3A_601 = arith.index_cast %scan3A_224 : i32 to index
      %get3A_602 = arith.constant 672 : index
      %get3A_603 = tpu.vector_load %arg10[%get3A_601, %get3A_602] {strides = array<i32>} : memref<32x768xf32, #tpu.memory_space<vmem>>, vector<1x16xf32>,
      %get3A_604 = vector.shape_cast %get3A_603 : vector<1x16xf32> to vector<16xf32>
      %swap3A_605 = arith.index_cast %scan3A_224 : i32 to index
      %swap3A_606 = arith.constant 672 : index
      %swap3A_607 = tpu.vector_load %arg7[%swap3A_605, %swap3A_606] {strides = array<i32>} : memref<32x768xf32, #tpu.memory_space<vmem>>, vector<1x16xf32>,
      %swap3A_608 = vector.shape_cast %swap3A_607 : vector<1x16xf32> to vector<16xf32>
      %swap3A_609 = vector.shape_cast %get3A_604 : vector<16xf32> to vector<1x16xf32>
      tpu.vector_store %arg7[%swap3A_605, %swap3A_606], %swap3A_609 {add = true, strides = array<i32>} : memref<32x768xf32, #tpu.memory_space<vmem>>, vector<1x16xf32>,
      %get3A_610 = arith.index_cast %scan3A_224 : i32 to index
      %get3A_611 = arith.constant 688 : index
      %get3A_612 = tpu.vector_load %arg10[%get3A_610, %get3A_611] {strides = array<i32>} : memref<32x768xf32, #tpu.memory_space<vmem>>, vector<1x16xf32>,
      %get3A_613 = vector.shape_cast %get3A_612 : vector<1x16xf32> to vector<16xf32>
      %swap3A_614 = arith.index_cast %scan3A_224 : i32 to index
      %swap3A_615 = arith.constant 688 : index
      %swap3A_616 = tpu.vector_load %arg7[%swap3A_614, %swap3A_615] {strides = array<i32>} : memref<32x768xf32, #tpu.memory_space<vmem>>, vector<1x16xf32>,
      %swap3A_617 = vector.shape_cast %swap3A_616 : vector<1x16xf32> to vector<16xf32>
      %swap3A_618 = vector.shape_cast %get3A_613 : vector<16xf32> to vector<1x16xf32>
      tpu.vector_store %arg7[%swap3A_614, %swap3A_615], %swap3A_618 {add = true, strides = array<i32>} : memref<32x768xf32, #tpu.memory_space<vmem>>, vector<1x16xf32>,
      %get3A_619 = arith.index_cast %scan3A_224 : i32 to index
      %get3A_620 = arith.constant 704 : index
      %get3A_621 = tpu.vector_load %arg10[%get3A_619, %get3A_620] {strides = array<i32>} : memref<32x768xf32, #tpu.memory_space<vmem>>, vector<1x16xf32>,
      %get3A_622 = vector.shape_cast %get3A_621 : vector<1x16xf32> to vector<16xf32>
      %swap3A_623 = arith.index_cast %scan3A_224 : i32 to index
      %swap3A_624 = arith.constant 704 : index
      %swap3A_625 = tpu.vector_load %arg7[%swap3A_623, %swap3A_624] {strides = array<i32>} : memref<32x768xf32, #tpu.memory_space<vmem>>, vector<1x16xf32>,
      %swap3A_626 = vector.shape_cast %swap3A_625 : vector<1x16xf32> to vector<16xf32>
      %swap3A_627 = vector.shape_cast %get3A_622 : vector<16xf32> to vector<1x16xf32>
      tpu.vector_store %arg7[%swap3A_623, %swap3A_624], %swap3A_627 {add = true, strides = array<i32>} : memref<32x768xf32, #tpu.memory_space<vmem>>, vector<1x16xf32>,
      %get3A_628 = arith.index_cast %scan3A_224 : i32 to index
      %get3A_629 = arith.constant 720 : index
      %get3A_630 = tpu.vector_load %arg10[%get3A_628, %get3A_629] {strides = array<i32>} : memref<32x768xf32, #tpu.memory_space<vmem>>, vector<1x16xf32>,
      %get3A_631 = vector.shape_cast %get3A_630 : vector<1x16xf32> to vector<16xf32>
      %swap3A_632 = arith.index_cast %scan3A_224 : i32 to index
      %swap3A_633 = arith.constant 720 : index
      %swap3A_634 = tpu.vector_load %arg7[%swap3A_632, %swap3A_633] {strides = array<i32>} : memref<32x768xf32, #tpu.memory_space<vmem>>, vector<1x16xf32>,
      %swap3A_635 = vector.shape_cast %swap3A_634 : vector<1x16xf32> to vector<16xf32>
      %swap3A_636 = vector.shape_cast %get3A_631 : vector<16xf32> to vector<1x16xf32>
      tpu.vector_store %arg7[%swap3A_632, %swap3A_633], %swap3A_636 {add = true, strides = array<i32>} : memref<32x768xf32, #tpu.memory_space<vmem>>, vector<1x16xf32>,
      %get3A_637 = arith.index_cast %scan3A_224 : i32 to index
      %get3A_638 = arith.constant 736 : index
      %get3A_639 = tpu.vector_load %arg10[%get3A_637, %get3A_638] {strides = array<i32>} : memref<32x768xf32, #tpu.memory_space<vmem>>, vector<1x16xf32>,
      %get3A_640 = vector.shape_cast %get3A_639 : vector<1x16xf32> to vector<16xf32>
      %swap3A_641 = arith.index_cast %scan3A_224 : i32 to index
      %swap3A_642 = arith.constant 736 : index
      %swap3A_643 = tpu.vector_load %arg7[%swap3A_641, %swap3A_642] {strides = array<i32>} : memref<32x768xf32, #tpu.memory_space<vmem>>, vector<1x16xf32>,
      %swap3A_644 = vector.shape_cast %swap3A_643 : vector<1x16xf32> to vector<16xf32>
      %swap3A_645 = vector.shape_cast %get3A_640 : vector<16xf32> to vector<1x16xf32>
      tpu.vector_store %arg7[%swap3A_641, %swap3A_642], %swap3A_645 {add = true, strides = array<i32>} : memref<32x768xf32, #tpu.memory_space<vmem>>, vector<1x16xf32>,
      %get3A_646 = arith.index_cast %scan3A_224 : i32 to index
      %get3A_647 = arith.constant 752 : index
      %get3A_648 = tpu.vector_load %arg10[%get3A_646, %get3A_647] {strides = array<i32>} : memref<32x768xf32, #tpu.memory_space<vmem>>, vector<1x16xf32>,
      %get3A_649 = vector.shape_cast %get3A_648 : vector<1x16xf32> to vector<16xf32>
      %swap3A_650 = arith.index_cast %scan3A_224 : i32 to index
      %swap3A_651 = arith.constant 752 : index
      %swap3A_652 = tpu.vector_load %arg7[%swap3A_650, %swap3A_651] {strides = array<i32>} : memref<32x768xf32, #tpu.memory_space<vmem>>, vector<1x16xf32>,
      %swap3A_653 = vector.shape_cast %swap3A_652 : vector<1x16xf32> to vector<16xf32>
      %swap3A_654 = vector.shape_cast %get3A_649 : vector<16xf32> to vector<1x16xf32>
      tpu.vector_store %arg7[%swap3A_650, %swap3A_651], %swap3A_654 {add = true, strides = array<i32>} : memref<32x768xf32, #tpu.memory_space<vmem>>, vector<1x16xf32>,
    }
    %scan3A_125 = arith.constant 32 : i32
    %add3A_126 = arith.constant 0 : i32
    %add3A_127 = arith.addi %add3A_126, %mul3A_2 : i32
    %dma_start3A_128 = arith.constant 0 : i32
    %dma_start3A_129 = tpu.memref_slice %arg5[%add3A_127, %dma_start3A_128] : memref<4096x768xf32, #tpu.memory_space<hbm>> -> memref<32x768xf32, #tpu.memory_space<hbm>>
    %dma_start3A_130 = arith.constant 0 : i32
    %dma_start3A_131 = tpu.memref_slice %arg5[%add3A_127, %dma_start3A_130] : memref<4096x768xf32, #tpu.memory_space<hbm>> -> memref<32x768xf32, #tpu.memory_space<hbm>>
    tpu.enqueue_dma source(%arg7 : memref<32x768xf32, #tpu.memory_space<vmem>>) target(%dma_start3A_131 : memref<32x768xf32, #tpu.memory_space<hbm>>) target_semaphore(%arg14 : memref<!tpu.dma_semaphore, #tpu.memory_space<semaphore_mem>>)
    %dma_wait3A_132 = arith.constant 0 : i32
    %dma_wait3A_133 = tpu.memref_slice %arg5[%add3A_127, %dma_wait3A_132] : memref<4096x768xf32, #tpu.memory_space<hbm>> -> memref<32x768xf32, #tpu.memory_space<hbm>>
    %dma_wait3A_134 = arith.constant 0 : i32
    %dma_wait3A_135 = tpu.memref_slice %arg5[%add3A_127, %dma_wait3A_134] : memref<4096x768xf32, #tpu.memory_space<hbm>> -> memref<32x768xf32, #tpu.memory_space<hbm>>
    tpu.wait_dma2 semaphore(%arg14 : memref<!tpu.dma_semaphore, #tpu.memory_space<semaphore_mem>>) src(%arg7 : memref<32x768xf32, #tpu.memory_space<vmem>>) dst(%dma_wait3A_135 : memref<32x768xf32, #tpu.memory_space<hbm>>)
    %dma_wait3A_136 = arith.constant 3 : i32
    %dma_wait3A_137 = arith.constant 3 : i32
    %dma_wait3A_138 = arith.constant 0 : i32
    %dma_wait3A_139 = tpu.memref_slice %arg6[%dma_wait3A_137, %dma_wait3A_138] : memref<4x32xi32, #tpu.memory_space<vmem>> -> memref<1x32xi32, #tpu.memory_space<vmem>>
    %dma_wait3A_140 = tpu.memref_squeeze %dma_wait3A_139 : memref<1x32xi32, #tpu.memory_space<vmem>> -> memref<32xi32, #tpu.memory_space<vmem>>
    %dma_wait3A_141 = tpu.memref_slice %arg2[%dma_wait3A_136, %mul3A_2] : memref<4x1024xi32, #tpu.memory_space<hbm>> -> memref<1x32xi32, #tpu.memory_space<hbm>>
    %dma_wait3A_142 = tpu.memref_squeeze %dma_wait3A_141 : memref<1x32xi32, #tpu.memory_space<hbm>> -> memref<32xi32, #tpu.memory_space<hbm>>
    %dma_wait3A_143 = arith.constant 0 : i32
    %dma_wait3A_144 = tpu.memref_slice %arg6[%dma_wait3A_137, %dma_wait3A_143] : memref<4x32xi32, #tpu.memory_space<vmem>> -> memref<1x32xi32, #tpu.memory_space<vmem>>
    %dma_wait3A_145 = tpu.memref_squeeze %dma_wait3A_144 : memref<1x32xi32, #tpu.memory_space<vmem>> -> memref<32xi32, #tpu.memory_space<vmem>>
    %dma_wait3A_146 = tpu.memref_slice %arg2[%dma_wait3A_136, %mul3A_2] : memref<4x1024xi32, #tpu.memory_space<hbm>> -> memref<1x32xi32, #tpu.memory_space<hbm>>
    %dma_wait3A_147 = tpu.memref_squeeze %dma_wait3A_146 : memref<1x32xi32, #tpu.memory_space<hbm>> -> memref<32xi32, #tpu.memory_space<hbm>>
    tpu.wait_dma2 semaphore(%arg18 : memref<!tpu.dma_semaphore, #tpu.memory_space<semaphore_mem>>) src(%dma_wait3A_147 : memref<32xi32, #tpu.memory_space<hbm>>) dst(%dma_wait3A_145 : memref<32xi32, #tpu.memory_space<vmem>>)
    %dma_start3A_148 = arith.constant 3 : i32
    %dma_start3A_149 = arith.constant 0 : i32
    %dma_start3A_150 = tpu.memref_slice %arg6[%dma_start3A_148, %dma_start3A_149] : memref<4x32xi32, #tpu.memory_space<vmem>> -> memref<1x32xi32, #tpu.memory_space<vmem>>
    %dma_start3A_151 = tpu.memref_squeeze %dma_start3A_150 : memref<1x32xi32, #tpu.memory_space<vmem>> -> memref<32xi32, #tpu.memory_space<vmem>>
    %dma_start3A_152 = arith.constant 0 : i32
    %dma_start3A_153 = arith.constant 0 : i32
    %dma_start3A_154 = tpu.memref_slice %arg3[%dma_start3A_152, %dma_start3A_153] : memref<50257x768xf32, #tpu.memory_space<hbm>> -> memref<50257x768xf32, #tpu.memory_space<hbm>>
    tpu.enqueue_indirect_dma source(%dma_start3A_154 : memref<50257x768xf32, #tpu.memory_space<hbm>>) target(%arg7 : memref<32x768xf32, #tpu.memory_space<vmem>>) offsets(%dma_start3A_151 : memref<32xi32, #tpu.memory_space<vmem>>) semaphore(%arg11 : memref<!tpu.dma_semaphore, #tpu.memory_space<semaphore_mem>>)
    %dma_wait3A_155 = arith.constant 1 : i32
    %dma_wait3A_156 = arith.constant 0 : i32
    %dma_wait3A_157 = tpu.memref_slice %arg6[%dma_wait3A_155, %dma_wait3A_156] : memref<4x32xi32, #tpu.memory_space<vmem>> -> memref<1x32xi32, #tpu.memory_space<vmem>>
    %dma_wait3A_158 = tpu.memref_squeeze %dma_wait3A_157 : memref<1x32xi32, #tpu.memory_space<vmem>> -> memref<32xi32, #tpu.memory_space<vmem>>
    %dma_wait3A_159 = arith.constant 0 : i32
    %dma_wait3A_160 = arith.constant 0 : i32
    %dma_wait3A_161 = tpu.memref_slice %arg3[%dma_wait3A_159, %dma_wait3A_160] : memref<50257x768xf32, #tpu.memory_space<hbm>> -> memref<50257x768xf32, #tpu.memory_space<hbm>>
    tpu.wait_indirect_dma semaphore(%arg12 : memref<!tpu.dma_semaphore, #tpu.memory_space<semaphore_mem>>) src(%dma_wait3A_161 : memref<50257x768xf32, #tpu.memory_space<hbm>>) dst(%arg8 : memref<32x768xf32, #tpu.memory_space<vmem>>)
    %scan3A_162 = arith.constant 0 : i32
    %scan3A_163 = arith.constant 0 : i32
    %scan3A_164 = arith.constant 32 : i32
    %scan3A_165 = arith.addi %scan3A_163, %scan3A_164 : i32
    %scan3A_166 = arith.constant 1 : i32
    scf.for %scan3A_224 = %scan3A_163 to %scan3A_165 step %scan3A_166  : i32 {
      %get3A = arith.index_cast %scan3A_224 : i32 to index
      %get3A_225 = arith.constant 0 : index
      %get3A_226 = tpu.vector_load %arg10[%get3A, %get3A_225] {strides = array<i32>} : memref<32x768xf32, #tpu.memory_space<vmem>>, vector<1x16xf32>,
      %get3A_227 = vector.shape_cast %get3A_226 : vector<1x16xf32> to vector<16xf32>
      %swap3A = arith.index_cast %scan3A_224 : i32 to index
      %swap3A_228 = arith.constant 0 : index
      %swap3A_229 = tpu.vector_load %arg8[%swap3A, %swap3A_228] {strides = array<i32>} : memref<32x768xf32, #tpu.memory_space<vmem>>, vector<1x16xf32>,
      %swap3A_230 = vector.shape_cast %swap3A_229 : vector<1x16xf32> to vector<16xf32>
      %swap3A_231 = vector.shape_cast %get3A_227 : vector<16xf32> to vector<1x16xf32>
      tpu.vector_store %arg8[%swap3A, %swap3A_228], %swap3A_231 {add = true, strides = array<i32>} : memref<32x768xf32, #tpu.memory_space<vmem>>, vector<1x16xf32>,
      %get3A_232 = arith.index_cast %scan3A_224 : i32 to index
      %get3A_233 = arith.constant 16 : index
      %get3A_234 = tpu.vector_load %arg10[%get3A_232, %get3A_233] {strides = array<i32>} : memref<32x768xf32, #tpu.memory_space<vmem>>, vector<1x16xf32>,
      %get3A_235 = vector.shape_cast %get3A_234 : vector<1x16xf32> to vector<16xf32>
      %swap3A_236 = arith.index_cast %scan3A_224 : i32 to index
      %swap3A_237 = arith.constant 16 : index
      %swap3A_238 = tpu.vector_load %arg8[%swap3A_236, %swap3A_237] {strides = array<i32>} : memref<32x768xf32, #tpu.memory_space<vmem>>, vector<1x16xf32>,
      %swap3A_239 = vector.shape_cast %swap3A_238 : vector<1x16xf32> to vector<16xf32>
      %swap3A_240 = vector.shape_cast %get3A_235 : vector<16xf32> to vector<1x16xf32>
      tpu.vector_store %arg8[%swap3A_236, %swap3A_237], %swap3A_240 {add = true, strides = array<i32>} : memref<32x768xf32, #tpu.memory_space<vmem>>, vector<1x16xf32>,
      %get3A_241 = arith.index_cast %scan3A_224 : i32 to index
      %get3A_242 = arith.constant 32 : index
      %get3A_243 = tpu.vector_load %arg10[%get3A_241, %get3A_242] {strides = array<i32>} : memref<32x768xf32, #tpu.memory_space<vmem>>, vector<1x16xf32>,
      %get3A_244 = vector.shape_cast %get3A_243 : vector<1x16xf32> to vector<16xf32>
      %swap3A_245 = arith.index_cast %scan3A_224 : i32 to index
      %swap3A_246 = arith.constant 32 : index
      %swap3A_247 = tpu.vector_load %arg8[%swap3A_245, %swap3A_246] {strides = array<i32>} : memref<32x768xf32, #tpu.memory_space<vmem>>, vector<1x16xf32>,
      %swap3A_248 = vector.shape_cast %swap3A_247 : vector<1x16xf32> to vector<16xf32>
      %swap3A_249 = vector.shape_cast %get3A_244 : vector<16xf32> to vector<1x16xf32>
      tpu.vector_store %arg8[%swap3A_245, %swap3A_246], %swap3A_249 {add = true, strides = array<i32>} : memref<32x768xf32, #tpu.memory_space<vmem>>, vector<1x16xf32>,
      %get3A_250 = arith.index_cast %scan3A_224 : i32 to index
      %get3A_251 = arith.constant 48 : index
      %get3A_252 = tpu.vector_load %arg10[%get3A_250, %get3A_251] {strides = array<i32>} : memref<32x768xf32, #tpu.memory_space<vmem>>, vector<1x16xf32>,
      %get3A_253 = vector.shape_cast %get3A_252 : vector<1x16xf32> to vector<16xf32>
      %swap3A_254 = arith.index_cast %scan3A_224 : i32 to index
      %swap3A_255 = arith.constant 48 : index
      %swap3A_256 = tpu.vector_load %arg8[%swap3A_254, %swap3A_255] {strides = array<i32>} : memref<32x768xf32, #tpu.memory_space<vmem>>, vector<1x16xf32>,
      %swap3A_257 = vector.shape_cast %swap3A_256 : vector<1x16xf32> to vector<16xf32>
      %swap3A_258 = vector.shape_cast %get3A_253 : vector<16xf32> to vector<1x16xf32>
      tpu.vector_store %arg8[%swap3A_254, %swap3A_255], %swap3A_258 {add = true, strides = array<i32>} : memref<32x768xf32, #tpu.memory_space<vmem>>, vector<1x16xf32>,
      %get3A_259 = arith.index_cast %scan3A_224 : i32 to index
      %get3A_260 = arith.constant 64 : index
      %get3A_261 = tpu.vector_load %arg10[%get3A_259, %get3A_260] {strides = array<i32>} : memref<32x768xf32, #tpu.memory_space<vmem>>, vector<1x16xf32>,
      %get3A_262 = vector.shape_cast %get3A_261 : vector<1x16xf32> to vector<16xf32>
      %swap3A_263 = arith.index_cast %scan3A_224 : i32 to index
      %swap3A_264 = arith.constant 64 : index
      %swap3A_265 = tpu.vector_load %arg8[%swap3A_263, %swap3A_264] {strides = array<i32>} : memref<32x768xf32, #tpu.memory_space<vmem>>, vector<1x16xf32>,
      %swap3A_266 = vector.shape_cast %swap3A_265 : vector<1x16xf32> to vector<16xf32>
      %swap3A_267 = vector.shape_cast %get3A_262 : vector<16xf32> to vector<1x16xf32>
      tpu.vector_store %arg8[%swap3A_263, %swap3A_264], %swap3A_267 {add = true, strides = array<i32>} : memref<32x768xf32, #tpu.memory_space<vmem>>, vector<1x16xf32>,
      %get3A_268 = arith.index_cast %scan3A_224 : i32 to index
      %get3A_269 = arith.constant 80 : index
      %get3A_270 = tpu.vector_load %arg10[%get3A_268, %get3A_269] {strides = array<i32>} : memref<32x768xf32, #tpu.memory_space<vmem>>, vector<1x16xf32>,
      %get3A_271 = vector.shape_cast %get3A_270 : vector<1x16xf32> to vector<16xf32>
      %swap3A_272 = arith.index_cast %scan3A_224 : i32 to index
      %swap3A_273 = arith.constant 80 : index
      %swap3A_274 = tpu.vector_load %arg8[%swap3A_272, %swap3A_273] {strides = array<i32>} : memref<32x768xf32, #tpu.memory_space<vmem>>, vector<1x16xf32>,
      %swap3A_275 = vector.shape_cast %swap3A_274 : vector<1x16xf32> to vector<16xf32>
      %swap3A_276 = vector.shape_cast %get3A_271 : vector<16xf32> to vector<1x16xf32>
      tpu.vector_store %arg8[%swap3A_272, %swap3A_273], %swap3A_276 {add = true, strides = array<i32>} : memref<32x768xf32, #tpu.memory_space<vmem>>, vector<1x16xf32>,
      %get3A_277 = arith.index_cast %scan3A_224 : i32 to index
      %get3A_278 = arith.constant 96 : index
      %get3A_279 = tpu.vector_load %arg10[%get3A_277, %get3A_278] {strides = array<i32>} : memref<32x768xf32, #tpu.memory_space<vmem>>, vector<1x16xf32>,
      %get3A_280 = vector.shape_cast %get3A_279 : vector<1x16xf32> to vector<16xf32>
      %swap3A_281 = arith.index_cast %scan3A_224 : i32 to index
      %swap3A_282 = arith.constant 96 : index
      %swap3A_283 = tpu.vector_load %arg8[%swap3A_281, %swap3A_282] {strides = array<i32>} : memref<32x768xf32, #tpu.memory_space<vmem>>, vector<1x16xf32>,
      %swap3A_284 = vector.shape_cast %swap3A_283 : vector<1x16xf32> to vector<16xf32>
      %swap3A_285 = vector.shape_cast %get3A_280 : vector<16xf32> to vector<1x16xf32>
      tpu.vector_store %arg8[%swap3A_281, %swap3A_282], %swap3A_285 {add = true, strides = array<i32>} : memref<32x768xf32, #tpu.memory_space<vmem>>, vector<1x16xf32>,
      %get3A_286 = arith.index_cast %scan3A_224 : i32 to index
      %get3A_287 = arith.constant 112 : index
      %get3A_288 = tpu.vector_load %arg10[%get3A_286, %get3A_287] {strides = array<i32>} : memref<32x768xf32, #tpu.memory_space<vmem>>, vector<1x16xf32>,
      %get3A_289 = vector.shape_cast %get3A_288 : vector<1x16xf32> to vector<16xf32>
      %swap3A_290 = arith.index_cast %scan3A_224 : i32 to index
      %swap3A_291 = arith.constant 112 : index
      %swap3A_292 = tpu.vector_load %arg8[%swap3A_290, %swap3A_291] {strides = array<i32>} : memref<32x768xf32, #tpu.memory_space<vmem>>, vector<1x16xf32>,
      %swap3A_293 = vector.shape_cast %swap3A_292 : vector<1x16xf32> to vector<16xf32>
      %swap3A_294 = vector.shape_cast %get3A_289 : vector<16xf32> to vector<1x16xf32>
      tpu.vector_store %arg8[%swap3A_290, %swap3A_291], %swap3A_294 {add = true, strides = array<i32>} : memref<32x768xf32, #tpu.memory_space<vmem>>, vector<1x16xf32>,
      %get3A_295 = arith.index_cast %scan3A_224 : i32 to index
      %get3A_296 = arith.constant 128 : index
      %get3A_297 = tpu.vector_load %arg10[%get3A_295, %get3A_296] {strides = array<i32>} : memref<32x768xf32, #tpu.memory_space<vmem>>, vector<1x16xf32>,
      %get3A_298 = vector.shape_cast %get3A_297 : vector<1x16xf32> to vector<16xf32>
      %swap3A_299 = arith.index_cast %scan3A_224 : i32 to index
      %swap3A_300 = arith.constant 128 : index
      %swap3A_301 = tpu.vector_load %arg8[%swap3A_299, %swap3A_300] {strides = array<i32>} : memref<32x768xf32, #tpu.memory_space<vmem>>, vector<1x16xf32>,
      %swap3A_302 = vector.shape_cast %swap3A_301 : vector<1x16xf32> to vector<16xf32>
      %swap3A_303 = vector.shape_cast %get3A_298 : vector<16xf32> to vector<1x16xf32>
      tpu.vector_store %arg8[%swap3A_299, %swap3A_300], %swap3A_303 {add = true, strides = array<i32>} : memref<32x768xf32, #tpu.memory_space<vmem>>, vector<1x16xf32>,
      %get3A_304 = arith.index_cast %scan3A_224 : i32 to index
      %get3A_305 = arith.constant 144 : index
      %get3A_306 = tpu.vector_load %arg10[%get3A_304, %get3A_305] {strides = array<i32>} : memref<32x768xf32, #tpu.memory_space<vmem>>, vector<1x16xf32>,
      %get3A_307 = vector.shape_cast %get3A_306 : vector<1x16xf32> to vector<16xf32>
      %swap3A_308 = arith.index_cast %scan3A_224 : i32 to index
      %swap3A_309 = arith.constant 144 : index
      %swap3A_310 = tpu.vector_load %arg8[%swap3A_308, %swap3A_309] {strides = array<i32>} : memref<32x768xf32, #tpu.memory_space<vmem>>, vector<1x16xf32>,
      %swap3A_311 = vector.shape_cast %swap3A_310 : vector<1x16xf32> to vector<16xf32>
      %swap3A_312 = vector.shape_cast %get3A_307 : vector<16xf32> to vector<1x16xf32>
      tpu.vector_store %arg8[%swap3A_308, %swap3A_309], %swap3A_312 {add = true, strides = array<i32>} : memref<32x768xf32, #tpu.memory_space<vmem>>, vector<1x16xf32>,
      %get3A_313 = arith.index_cast %scan3A_224 : i32 to index
      %get3A_314 = arith.constant 160 : index
      %get3A_315 = tpu.vector_load %arg10[%get3A_313, %get3A_314] {strides = array<i32>} : memref<32x768xf32, #tpu.memory_space<vmem>>, vector<1x16xf32>,
      %get3A_316 = vector.shape_cast %get3A_315 : vector<1x16xf32> to vector<16xf32>
      %swap3A_317 = arith.index_cast %scan3A_224 : i32 to index
      %swap3A_318 = arith.constant 160 : index
      %swap3A_319 = tpu.vector_load %arg8[%swap3A_317, %swap3A_318] {strides = array<i32>} : memref<32x768xf32, #tpu.memory_space<vmem>>, vector<1x16xf32>,
      %swap3A_320 = vector.shape_cast %swap3A_319 : vector<1x16xf32> to vector<16xf32>
      %swap3A_321 = vector.shape_cast %get3A_316 : vector<16xf32> to vector<1x16xf32>
      tpu.vector_store %arg8[%swap3A_317, %swap3A_318], %swap3A_321 {add = true, strides = array<i32>} : memref<32x768xf32, #tpu.memory_space<vmem>>, vector<1x16xf32>,
      %get3A_322 = arith.index_cast %scan3A_224 : i32 to index
      %get3A_323 = arith.constant 176 : index
      %get3A_324 = tpu.vector_load %arg10[%get3A_322, %get3A_323] {strides = array<i32>} : memref<32x768xf32, #tpu.memory_space<vmem>>, vector<1x16xf32>,
      %get3A_325 = vector.shape_cast %get3A_324 : vector<1x16xf32> to vector<16xf32>
      %swap3A_326 = arith.index_cast %scan3A_224 : i32 to index
      %swap3A_327 = arith.constant 176 : index
      %swap3A_328 = tpu.vector_load %arg8[%swap3A_326, %swap3A_327] {strides = array<i32>} : memref<32x768xf32, #tpu.memory_space<vmem>>, vector<1x16xf32>,
      %swap3A_329 = vector.shape_cast %swap3A_328 : vector<1x16xf32> to vector<16xf32>
      %swap3A_330 = vector.shape_cast %get3A_325 : vector<16xf32> to vector<1x16xf32>
      tpu.vector_store %arg8[%swap3A_326, %swap3A_327], %swap3A_330 {add = true, strides = array<i32>} : memref<32x768xf32, #tpu.memory_space<vmem>>, vector<1x16xf32>,
      %get3A_331 = arith.index_cast %scan3A_224 : i32 to index
      %get3A_332 = arith.constant 192 : index
      %get3A_333 = tpu.vector_load %arg10[%get3A_331, %get3A_332] {strides = array<i32>} : memref<32x768xf32, #tpu.memory_space<vmem>>, vector<1x16xf32>,
      %get3A_334 = vector.shape_cast %get3A_333 : vector<1x16xf32> to vector<16xf32>
      %swap3A_335 = arith.index_cast %scan3A_224 : i32 to index
      %swap3A_336 = arith.constant 192 : index
      %swap3A_337 = tpu.vector_load %arg8[%swap3A_335, %swap3A_336] {strides = array<i32>} : memref<32x768xf32, #tpu.memory_space<vmem>>, vector<1x16xf32>,
      %swap3A_338 = vector.shape_cast %swap3A_337 : vector<1x16xf32> to vector<16xf32>
      %swap3A_339 = vector.shape_cast %get3A_334 : vector<16xf32> to vector<1x16xf32>
      tpu.vector_store %arg8[%swap3A_335, %swap3A_336], %swap3A_339 {add = true, strides = array<i32>} : memref<32x768xf32, #tpu.memory_space<vmem>>, vector<1x16xf32>,
      %get3A_340 = arith.index_cast %scan3A_224 : i32 to index
      %get3A_341 = arith.constant 208 : index
      %get3A_342 = tpu.vector_load %arg10[%get3A_340, %get3A_341] {strides = array<i32>} : memref<32x768xf32, #tpu.memory_space<vmem>>, vector<1x16xf32>,
      %get3A_343 = vector.shape_cast %get3A_342 : vector<1x16xf32> to vector<16xf32>
      %swap3A_344 = arith.index_cast %scan3A_224 : i32 to index
      %swap3A_345 = arith.constant 208 : index
      %swap3A_346 = tpu.vector_load %arg8[%swap3A_344, %swap3A_345] {strides = array<i32>} : memref<32x768xf32, #tpu.memory_space<vmem>>, vector<1x16xf32>,
      %swap3A_347 = vector.shape_cast %swap3A_346 : vector<1x16xf32> to vector<16xf32>
      %swap3A_348 = vector.shape_cast %get3A_343 : vector<16xf32> to vector<1x16xf32>
      tpu.vector_store %arg8[%swap3A_344, %swap3A_345], %swap3A_348 {add = true, strides = array<i32>} : memref<32x768xf32, #tpu.memory_space<vmem>>, vector<1x16xf32>,
      %get3A_349 = arith.index_cast %scan3A_224 : i32 to index
      %get3A_350 = arith.constant 224 : index
      %get3A_351 = tpu.vector_load %arg10[%get3A_349, %get3A_350] {strides = array<i32>} : memref<32x768xf32, #tpu.memory_space<vmem>>, vector<1x16xf32>,
      %get3A_352 = vector.shape_cast %get3A_351 : vector<1x16xf32> to vector<16xf32>
      %swap3A_353 = arith.index_cast %scan3A_224 : i32 to index
      %swap3A_354 = arith.constant 224 : index
      %swap3A_355 = tpu.vector_load %arg8[%swap3A_353, %swap3A_354] {strides = array<i32>} : memref<32x768xf32, #tpu.memory_space<vmem>>, vector<1x16xf32>,
      %swap3A_356 = vector.shape_cast %swap3A_355 : vector<1x16xf32> to vector<16xf32>
      %swap3A_357 = vector.shape_cast %get3A_352 : vector<16xf32> to vector<1x16xf32>
      tpu.vector_store %arg8[%swap3A_353, %swap3A_354], %swap3A_357 {add = true, strides = array<i32>} : memref<32x768xf32, #tpu.memory_space<vmem>>, vector<1x16xf32>,
      %get3A_358 = arith.index_cast %scan3A_224 : i32 to index
      %get3A_359 = arith.constant 240 : index
      %get3A_360 = tpu.vector_load %arg10[%get3A_358, %get3A_359] {strides = array<i32>} : memref<32x768xf32, #tpu.memory_space<vmem>>, vector<1x16xf32>,
      %get3A_361 = vector.shape_cast %get3A_360 : vector<1x16xf32> to vector<16xf32>
      %swap3A_362 = arith.index_cast %scan3A_224 : i32 to index
      %swap3A_363 = arith.constant 240 : index
      %swap3A_364 = tpu.vector_load %arg8[%swap3A_362, %swap3A_363] {strides = array<i32>} : memref<32x768xf32, #tpu.memory_space<vmem>>, vector<1x16xf32>,
      %swap3A_365 = vector.shape_cast %swap3A_364 : vector<1x16xf32> to vector<16xf32>
      %swap3A_366 = vector.shape_cast %get3A_361 : vector<16xf32> to vector<1x16xf32>
      tpu.vector_store %arg8[%swap3A_362, %swap3A_363], %swap3A_366 {add = true, strides = array<i32>} : memref<32x768xf32, #tpu.memory_space<vmem>>, vector<1x16xf32>,
      %get3A_367 = arith.index_cast %scan3A_224 : i32 to index
      %get3A_368 = arith.constant 256 : index
      %get3A_369 = tpu.vector_load %arg10[%get3A_367, %get3A_368] {strides = array<i32>} : memref<32x768xf32, #tpu.memory_space<vmem>>, vector<1x16xf32>,
      %get3A_370 = vector.shape_cast %get3A_369 : vector<1x16xf32> to vector<16xf32>
      %swap3A_371 = arith.index_cast %scan3A_224 : i32 to index
      %swap3A_372 = arith.constant 256 : index
      %swap3A_373 = tpu.vector_load %arg8[%swap3A_371, %swap3A_372] {strides = array<i32>} : memref<32x768xf32, #tpu.memory_space<vmem>>, vector<1x16xf32>,
      %swap3A_374 = vector.shape_cast %swap3A_373 : vector<1x16xf32> to vector<16xf32>
      %swap3A_375 = vector.shape_cast %get3A_370 : vector<16xf32> to vector<1x16xf32>
      tpu.vector_store %arg8[%swap3A_371, %swap3A_372], %swap3A_375 {add = true, strides = array<i32>} : memref<32x768xf32, #tpu.memory_space<vmem>>, vector<1x16xf32>,
      %get3A_376 = arith.index_cast %scan3A_224 : i32 to index
      %get3A_377 = arith.constant 272 : index
      %get3A_378 = tpu.vector_load %arg10[%get3A_376, %get3A_377] {strides = array<i32>} : memref<32x768xf32, #tpu.memory_space<vmem>>, vector<1x16xf32>,
      %get3A_379 = vector.shape_cast %get3A_378 : vector<1x16xf32> to vector<16xf32>
      %swap3A_380 = arith.index_cast %scan3A_224 : i32 to index
      %swap3A_381 = arith.constant 272 : index
      %swap3A_382 = tpu.vector_load %arg8[%swap3A_380, %swap3A_381] {strides = array<i32>} : memref<32x768xf32, #tpu.memory_space<vmem>>, vector<1x16xf32>,
      %swap3A_383 = vector.shape_cast %swap3A_382 : vector<1x16xf32> to vector<16xf32>
      %swap3A_384 = vector.shape_cast %get3A_379 : vector<16xf32> to vector<1x16xf32>
      tpu.vector_store %arg8[%swap3A_380, %swap3A_381], %swap3A_384 {add = true, strides = array<i32>} : memref<32x768xf32, #tpu.memory_space<vmem>>, vector<1x16xf32>,
      %get3A_385 = arith.index_cast %scan3A_224 : i32 to index
      %get3A_386 = arith.constant 288 : index
      %get3A_387 = tpu.vector_load %arg10[%get3A_385, %get3A_386] {strides = array<i32>} : memref<32x768xf32, #tpu.memory_space<vmem>>, vector<1x16xf32>,
      %get3A_388 = vector.shape_cast %get3A_387 : vector<1x16xf32> to vector<16xf32>
      %swap3A_389 = arith.index_cast %scan3A_224 : i32 to index
      %swap3A_390 = arith.constant 288 : index
      %swap3A_391 = tpu.vector_load %arg8[%swap3A_389, %swap3A_390] {strides = array<i32>} : memref<32x768xf32, #tpu.memory_space<vmem>>, vector<1x16xf32>,
      %swap3A_392 = vector.shape_cast %swap3A_391 : vector<1x16xf32> to vector<16xf32>
      %swap3A_393 = vector.shape_cast %get3A_388 : vector<16xf32> to vector<1x16xf32>
      tpu.vector_store %arg8[%swap3A_389, %swap3A_390], %swap3A_393 {add = true, strides = array<i32>} : memref<32x768xf32, #tpu.memory_space<vmem>>, vector<1x16xf32>,
      %get3A_394 = arith.index_cast %scan3A_224 : i32 to index
      %get3A_395 = arith.constant 304 : index
      %get3A_396 = tpu.vector_load %arg10[%get3A_394, %get3A_395] {strides = array<i32>} : memref<32x768xf32, #tpu.memory_space<vmem>>, vector<1x16xf32>,
      %get3A_397 = vector.shape_cast %get3A_396 : vector<1x16xf32> to vector<16xf32>
      %swap3A_398 = arith.index_cast %scan3A_224 : i32 to index
      %swap3A_399 = arith.constant 304 : index
      %swap3A_400 = tpu.vector_load %arg8[%swap3A_398, %swap3A_399] {strides = array<i32>} : memref<32x768xf32, #tpu.memory_space<vmem>>, vector<1x16xf32>,
      %swap3A_401 = vector.shape_cast %swap3A_400 : vector<1x16xf32> to vector<16xf32>
      %swap3A_402 = vector.shape_cast %get3A_397 : vector<16xf32> to vector<1x16xf32>
      tpu.vector_store %arg8[%swap3A_398, %swap3A_399], %swap3A_402 {add = true, strides = array<i32>} : memref<32x768xf32, #tpu.memory_space<vmem>>, vector<1x16xf32>,
      %get3A_403 = arith.index_cast %scan3A_224 : i32 to index
      %get3A_404 = arith.constant 320 : index
      %get3A_405 = tpu.vector_load %arg10[%get3A_403, %get3A_404] {strides = array<i32>} : memref<32x768xf32, #tpu.memory_space<vmem>>, vector<1x16xf32>,
      %get3A_406 = vector.shape_cast %get3A_405 : vector<1x16xf32> to vector<16xf32>
      %swap3A_407 = arith.index_cast %scan3A_224 : i32 to index
      %swap3A_408 = arith.constant 320 : index
      %swap3A_409 = tpu.vector_load %arg8[%swap3A_407, %swap3A_408] {strides = array<i32>} : memref<32x768xf32, #tpu.memory_space<vmem>>, vector<1x16xf32>,
      %swap3A_410 = vector.shape_cast %swap3A_409 : vector<1x16xf32> to vector<16xf32>
      %swap3A_411 = vector.shape_cast %get3A_406 : vector<16xf32> to vector<1x16xf32>
      tpu.vector_store %arg8[%swap3A_407, %swap3A_408], %swap3A_411 {add = true, strides = array<i32>} : memref<32x768xf32, #tpu.memory_space<vmem>>, vector<1x16xf32>,
      %get3A_412 = arith.index_cast %scan3A_224 : i32 to index
      %get3A_413 = arith.constant 336 : index
      %get3A_414 = tpu.vector_load %arg10[%get3A_412, %get3A_413] {strides = array<i32>} : memref<32x768xf32, #tpu.memory_space<vmem>>, vector<1x16xf32>,
      %get3A_415 = vector.shape_cast %get3A_414 : vector<1x16xf32> to vector<16xf32>
      %swap3A_416 = arith.index_cast %scan3A_224 : i32 to index
      %swap3A_417 = arith.constant 336 : index
      %swap3A_418 = tpu.vector_load %arg8[%swap3A_416, %swap3A_417] {strides = array<i32>} : memref<32x768xf32, #tpu.memory_space<vmem>>, vector<1x16xf32>,
      %swap3A_419 = vector.shape_cast %swap3A_418 : vector<1x16xf32> to vector<16xf32>
      %swap3A_420 = vector.shape_cast %get3A_415 : vector<16xf32> to vector<1x16xf32>
      tpu.vector_store %arg8[%swap3A_416, %swap3A_417], %swap3A_420 {add = true, strides = array<i32>} : memref<32x768xf32, #tpu.memory_space<vmem>>, vector<1x16xf32>,
      %get3A_421 = arith.index_cast %scan3A_224 : i32 to index
      %get3A_422 = arith.constant 352 : index
      %get3A_423 = tpu.vector_load %arg10[%get3A_421, %get3A_422] {strides = array<i32>} : memref<32x768xf32, #tpu.memory_space<vmem>>, vector<1x16xf32>,
      %get3A_424 = vector.shape_cast %get3A_423 : vector<1x16xf32> to vector<16xf32>
      %swap3A_425 = arith.index_cast %scan3A_224 : i32 to index
      %swap3A_426 = arith.constant 352 : index
      %swap3A_427 = tpu.vector_load %arg8[%swap3A_425, %swap3A_426] {strides = array<i32>} : memref<32x768xf32, #tpu.memory_space<vmem>>, vector<1x16xf32>,
      %swap3A_428 = vector.shape_cast %swap3A_427 : vector<1x16xf32> to vector<16xf32>
      %swap3A_429 = vector.shape_cast %get3A_424 : vector<16xf32> to vector<1x16xf32>
      tpu.vector_store %arg8[%swap3A_425, %swap3A_426], %swap3A_429 {add = true, strides = array<i32>} : memref<32x768xf32, #tpu.memory_space<vmem>>, vector<1x16xf32>,
      %get3A_430 = arith.index_cast %scan3A_224 : i32 to index
      %get3A_431 = arith.constant 368 : index
      %get3A_432 = tpu.vector_load %arg10[%get3A_430, %get3A_431] {strides = array<i32>} : memref<32x768xf32, #tpu.memory_space<vmem>>, vector<1x16xf32>,
      %get3A_433 = vector.shape_cast %get3A_432 : vector<1x16xf32> to vector<16xf32>
      %swap3A_434 = arith.index_cast %scan3A_224 : i32 to index
      %swap3A_435 = arith.constant 368 : index
      %swap3A_436 = tpu.vector_load %arg8[%swap3A_434, %swap3A_435] {strides = array<i32>} : memref<32x768xf32, #tpu.memory_space<vmem>>, vector<1x16xf32>,
      %swap3A_437 = vector.shape_cast %swap3A_436 : vector<1x16xf32> to vector<16xf32>
      %swap3A_438 = vector.shape_cast %get3A_433 : vector<16xf32> to vector<1x16xf32>
      tpu.vector_store %arg8[%swap3A_434, %swap3A_435], %swap3A_438 {add = true, strides = array<i32>} : memref<32x768xf32, #tpu.memory_space<vmem>>, vector<1x16xf32>,
      %get3A_439 = arith.index_cast %scan3A_224 : i32 to index
      %get3A_440 = arith.constant 384 : index
      %get3A_441 = tpu.vector_load %arg10[%get3A_439, %get3A_440] {strides = array<i32>} : memref<32x768xf32, #tpu.memory_space<vmem>>, vector<1x16xf32>,
      %get3A_442 = vector.shape_cast %get3A_441 : vector<1x16xf32> to vector<16xf32>
      %swap3A_443 = arith.index_cast %scan3A_224 : i32 to index
      %swap3A_444 = arith.constant 384 : index
      %swap3A_445 = tpu.vector_load %arg8[%swap3A_443, %swap3A_444] {strides = array<i32>} : memref<32x768xf32, #tpu.memory_space<vmem>>, vector<1x16xf32>,
      %swap3A_446 = vector.shape_cast %swap3A_445 : vector<1x16xf32> to vector<16xf32>
      %swap3A_447 = vector.shape_cast %get3A_442 : vector<16xf32> to vector<1x16xf32>
      tpu.vector_store %arg8[%swap3A_443, %swap3A_444], %swap3A_447 {add = true, strides = array<i32>} : memref<32x768xf32, #tpu.memory_space<vmem>>, vector<1x16xf32>,
      %get3A_448 = arith.index_cast %scan3A_224 : i32 to index
      %get3A_449 = arith.constant 400 : index
      %get3A_450 = tpu.vector_load %arg10[%get3A_448, %get3A_449] {strides = array<i32>} : memref<32x768xf32, #tpu.memory_space<vmem>>, vector<1x16xf32>,
      %get3A_451 = vector.shape_cast %get3A_450 : vector<1x16xf32> to vector<16xf32>
      %swap3A_452 = arith.index_cast %scan3A_224 : i32 to index
      %swap3A_453 = arith.constant 400 : index
      %swap3A_454 = tpu.vector_load %arg8[%swap3A_452, %swap3A_453] {strides = array<i32>} : memref<32x768xf32, #tpu.memory_space<vmem>>, vector<1x16xf32>,
      %swap3A_455 = vector.shape_cast %swap3A_454 : vector<1x16xf32> to vector<16xf32>
      %swap3A_456 = vector.shape_cast %get3A_451 : vector<16xf32> to vector<1x16xf32>
      tpu.vector_store %arg8[%swap3A_452, %swap3A_453], %swap3A_456 {add = true, strides = array<i32>} : memref<32x768xf32, #tpu.memory_space<vmem>>, vector<1x16xf32>,
      %get3A_457 = arith.index_cast %scan3A_224 : i32 to index
      %get3A_458 = arith.constant 416 : index
      %get3A_459 = tpu.vector_load %arg10[%get3A_457, %get3A_458] {strides = array<i32>} : memref<32x768xf32, #tpu.memory_space<vmem>>, vector<1x16xf32>,
      %get3A_460 = vector.shape_cast %get3A_459 : vector<1x16xf32> to vector<16xf32>
      %swap3A_461 = arith.index_cast %scan3A_224 : i32 to index
      %swap3A_462 = arith.constant 416 : index
      %swap3A_463 = tpu.vector_load %arg8[%swap3A_461, %swap3A_462] {strides = array<i32>} : memref<32x768xf32, #tpu.memory_space<vmem>>, vector<1x16xf32>,
      %swap3A_464 = vector.shape_cast %swap3A_463 : vector<1x16xf32> to vector<16xf32>
      %swap3A_465 = vector.shape_cast %get3A_460 : vector<16xf32> to vector<1x16xf32>
      tpu.vector_store %arg8[%swap3A_461, %swap3A_462], %swap3A_465 {add = true, strides = array<i32>} : memref<32x768xf32, #tpu.memory_space<vmem>>, vector<1x16xf32>,
      %get3A_466 = arith.index_cast %scan3A_224 : i32 to index
      %get3A_467 = arith.constant 432 : index
      %get3A_468 = tpu.vector_load %arg10[%get3A_466, %get3A_467] {strides = array<i32>} : memref<32x768xf32, #tpu.memory_space<vmem>>, vector<1x16xf32>,
      %get3A_469 = vector.shape_cast %get3A_468 : vector<1x16xf32> to vector<16xf32>
      %swap3A_470 = arith.index_cast %scan3A_224 : i32 to index
      %swap3A_471 = arith.constant 432 : index
      %swap3A_472 = tpu.vector_load %arg8[%swap3A_470, %swap3A_471] {strides = array<i32>} : memref<32x768xf32, #tpu.memory_space<vmem>>, vector<1x16xf32>,
      %swap3A_473 = vector.shape_cast %swap3A_472 : vector<1x16xf32> to vector<16xf32>
      %swap3A_474 = vector.shape_cast %get3A_469 : vector<16xf32> to vector<1x16xf32>
      tpu.vector_store %arg8[%swap3A_470, %swap3A_471], %swap3A_474 {add = true, strides = array<i32>} : memref<32x768xf32, #tpu.memory_space<vmem>>, vector<1x16xf32>,
      %get3A_475 = arith.index_cast %scan3A_224 : i32 to index
      %get3A_476 = arith.constant 448 : index
      %get3A_477 = tpu.vector_load %arg10[%get3A_475, %get3A_476] {strides = array<i32>} : memref<32x768xf32, #tpu.memory_space<vmem>>, vector<1x16xf32>,
      %get3A_478 = vector.shape_cast %get3A_477 : vector<1x16xf32> to vector<16xf32>
      %swap3A_479 = arith.index_cast %scan3A_224 : i32 to index
      %swap3A_480 = arith.constant 448 : index
      %swap3A_481 = tpu.vector_load %arg8[%swap3A_479, %swap3A_480] {strides = array<i32>} : memref<32x768xf32, #tpu.memory_space<vmem>>, vector<1x16xf32>,
      %swap3A_482 = vector.shape_cast %swap3A_481 : vector<1x16xf32> to vector<16xf32>
      %swap3A_483 = vector.shape_cast %get3A_478 : vector<16xf32> to vector<1x16xf32>
      tpu.vector_store %arg8[%swap3A_479, %swap3A_480], %swap3A_483 {add = true, strides = array<i32>} : memref<32x768xf32, #tpu.memory_space<vmem>>, vector<1x16xf32>,
      %get3A_484 = arith.index_cast %scan3A_224 : i32 to index
      %get3A_485 = arith.constant 464 : index
      %get3A_486 = tpu.vector_load %arg10[%get3A_484, %get3A_485] {strides = array<i32>} : memref<32x768xf32, #tpu.memory_space<vmem>>, vector<1x16xf32>,
      %get3A_487 = vector.shape_cast %get3A_486 : vector<1x16xf32> to vector<16xf32>
      %swap3A_488 = arith.index_cast %scan3A_224 : i32 to index
      %swap3A_489 = arith.constant 464 : index
      %swap3A_490 = tpu.vector_load %arg8[%swap3A_488, %swap3A_489] {strides = array<i32>} : memref<32x768xf32, #tpu.memory_space<vmem>>, vector<1x16xf32>,
      %swap3A_491 = vector.shape_cast %swap3A_490 : vector<1x16xf32> to vector<16xf32>
      %swap3A_492 = vector.shape_cast %get3A_487 : vector<16xf32> to vector<1x16xf32>
      tpu.vector_store %arg8[%swap3A_488, %swap3A_489], %swap3A_492 {add = true, strides = array<i32>} : memref<32x768xf32, #tpu.memory_space<vmem>>, vector<1x16xf32>,
      %get3A_493 = arith.index_cast %scan3A_224 : i32 to index
      %get3A_494 = arith.constant 480 : index
      %get3A_495 = tpu.vector_load %arg10[%get3A_493, %get3A_494] {strides = array<i32>} : memref<32x768xf32, #tpu.memory_space<vmem>>, vector<1x16xf32>,
      %get3A_496 = vector.shape_cast %get3A_495 : vector<1x16xf32> to vector<16xf32>
      %swap3A_497 = arith.index_cast %scan3A_224 : i32 to index
      %swap3A_498 = arith.constant 480 : index
      %swap3A_499 = tpu.vector_load %arg8[%swap3A_497, %swap3A_498] {strides = array<i32>} : memref<32x768xf32, #tpu.memory_space<vmem>>, vector<1x16xf32>,
      %swap3A_500 = vector.shape_cast %swap3A_499 : vector<1x16xf32> to vector<16xf32>
      %swap3A_501 = vector.shape_cast %get3A_496 : vector<16xf32> to vector<1x16xf32>
      tpu.vector_store %arg8[%swap3A_497, %swap3A_498], %swap3A_501 {add = true, strides = array<i32>} : memref<32x768xf32, #tpu.memory_space<vmem>>, vector<1x16xf32>,
      %get3A_502 = arith.index_cast %scan3A_224 : i32 to index
      %get3A_503 = arith.constant 496 : index
      %get3A_504 = tpu.vector_load %arg10[%get3A_502, %get3A_503] {strides = array<i32>} : memref<32x768xf32, #tpu.memory_space<vmem>>, vector<1x16xf32>,
      %get3A_505 = vector.shape_cast %get3A_504 : vector<1x16xf32> to vector<16xf32>
      %swap3A_506 = arith.index_cast %scan3A_224 : i32 to index
      %swap3A_507 = arith.constant 496 : index
      %swap3A_508 = tpu.vector_load %arg8[%swap3A_506, %swap3A_507] {strides = array<i32>} : memref<32x768xf32, #tpu.memory_space<vmem>>, vector<1x16xf32>,
      %swap3A_509 = vector.shape_cast %swap3A_508 : vector<1x16xf32> to vector<16xf32>
      %swap3A_510 = vector.shape_cast %get3A_505 : vector<16xf32> to vector<1x16xf32>
      tpu.vector_store %arg8[%swap3A_506, %swap3A_507], %swap3A_510 {add = true, strides = array<i32>} : memref<32x768xf32, #tpu.memory_space<vmem>>, vector<1x16xf32>,
      %get3A_511 = arith.index_cast %scan3A_224 : i32 to index
      %get3A_512 = arith.constant 512 : index
      %get3A_513 = tpu.vector_load %arg10[%get3A_511, %get3A_512] {strides = array<i32>} : memref<32x768xf32, #tpu.memory_space<vmem>>, vector<1x16xf32>,
      %get3A_514 = vector.shape_cast %get3A_513 : vector<1x16xf32> to vector<16xf32>
      %swap3A_515 = arith.index_cast %scan3A_224 : i32 to index
      %swap3A_516 = arith.constant 512 : index
      %swap3A_517 = tpu.vector_load %arg8[%swap3A_515, %swap3A_516] {strides = array<i32>} : memref<32x768xf32, #tpu.memory_space<vmem>>, vector<1x16xf32>,
      %swap3A_518 = vector.shape_cast %swap3A_517 : vector<1x16xf32> to vector<16xf32>
      %swap3A_519 = vector.shape_cast %get3A_514 : vector<16xf32> to vector<1x16xf32>
      tpu.vector_store %arg8[%swap3A_515, %swap3A_516], %swap3A_519 {add = true, strides = array<i32>} : memref<32x768xf32, #tpu.memory_space<vmem>>, vector<1x16xf32>,
      %get3A_520 = arith.index_cast %scan3A_224 : i32 to index
      %get3A_521 = arith.constant 528 : index
      %get3A_522 = tpu.vector_load %arg10[%get3A_520, %get3A_521] {strides = array<i32>} : memref<32x768xf32, #tpu.memory_space<vmem>>, vector<1x16xf32>,
      %get3A_523 = vector.shape_cast %get3A_522 : vector<1x16xf32> to vector<16xf32>
      %swap3A_524 = arith.index_cast %scan3A_224 : i32 to index
      %swap3A_525 = arith.constant 528 : index
      %swap3A_526 = tpu.vector_load %arg8[%swap3A_524, %swap3A_525] {strides = array<i32>} : memref<32x768xf32, #tpu.memory_space<vmem>>, vector<1x16xf32>,
      %swap3A_527 = vector.shape_cast %swap3A_526 : vector<1x16xf32> to vector<16xf32>
      %swap3A_528 = vector.shape_cast %get3A_523 : vector<16xf32> to vector<1x16xf32>
      tpu.vector_store %arg8[%swap3A_524, %swap3A_525], %swap3A_528 {add = true, strides = array<i32>} : memref<32x768xf32, #tpu.memory_space<vmem>>, vector<1x16xf32>,
      %get3A_529 = arith.index_cast %scan3A_224 : i32 to index
      %get3A_530 = arith.constant 544 : index
      %get3A_531 = tpu.vector_load %arg10[%get3A_529, %get3A_530] {strides = array<i32>} : memref<32x768xf32, #tpu.memory_space<vmem>>, vector<1x16xf32>,
      %get3A_532 = vector.shape_cast %get3A_531 : vector<1x16xf32> to vector<16xf32>
      %swap3A_533 = arith.index_cast %scan3A_224 : i32 to index
      %swap3A_534 = arith.constant 544 : index
      %swap3A_535 = tpu.vector_load %arg8[%swap3A_533, %swap3A_534] {strides = array<i32>} : memref<32x768xf32, #tpu.memory_space<vmem>>, vector<1x16xf32>,
      %swap3A_536 = vector.shape_cast %swap3A_535 : vector<1x16xf32> to vector<16xf32>
      %swap3A_537 = vector.shape_cast %get3A_532 : vector<16xf32> to vector<1x16xf32>
      tpu.vector_store %arg8[%swap3A_533, %swap3A_534], %swap3A_537 {add = true, strides = array<i32>} : memref<32x768xf32, #tpu.memory_space<vmem>>, vector<1x16xf32>,
      %get3A_538 = arith.index_cast %scan3A_224 : i32 to index
      %get3A_539 = arith.constant 560 : index
      %get3A_540 = tpu.vector_load %arg10[%get3A_538, %get3A_539] {strides = array<i32>} : memref<32x768xf32, #tpu.memory_space<vmem>>, vector<1x16xf32>,
      %get3A_541 = vector.shape_cast %get3A_540 : vector<1x16xf32> to vector<16xf32>
      %swap3A_542 = arith.index_cast %scan3A_224 : i32 to index
      %swap3A_543 = arith.constant 560 : index
      %swap3A_544 = tpu.vector_load %arg8[%swap3A_542, %swap3A_543] {strides = array<i32>} : memref<32x768xf32, #tpu.memory_space<vmem>>, vector<1x16xf32>,
      %swap3A_545 = vector.shape_cast %swap3A_544 : vector<1x16xf32> to vector<16xf32>
      %swap3A_546 = vector.shape_cast %get3A_541 : vector<16xf32> to vector<1x16xf32>
      tpu.vector_store %arg8[%swap3A_542, %swap3A_543], %swap3A_546 {add = true, strides = array<i32>} : memref<32x768xf32, #tpu.memory_space<vmem>>, vector<1x16xf32>,
      %get3A_547 = arith.index_cast %scan3A_224 : i32 to index
      %get3A_548 = arith.constant 576 : index
      %get3A_549 = tpu.vector_load %arg10[%get3A_547, %get3A_548] {strides = array<i32>} : memref<32x768xf32, #tpu.memory_space<vmem>>, vector<1x16xf32>,
      %get3A_550 = vector.shape_cast %get3A_549 : vector<1x16xf32> to vector<16xf32>
      %swap3A_551 = arith.index_cast %scan3A_224 : i32 to index
      %swap3A_552 = arith.constant 576 : index
      %swap3A_553 = tpu.vector_load %arg8[%swap3A_551, %swap3A_552] {strides = array<i32>} : memref<32x768xf32, #tpu.memory_space<vmem>>, vector<1x16xf32>,
      %swap3A_554 = vector.shape_cast %swap3A_553 : vector<1x16xf32> to vector<16xf32>
      %swap3A_555 = vector.shape_cast %get3A_550 : vector<16xf32> to vector<1x16xf32>
      tpu.vector_store %arg8[%swap3A_551, %swap3A_552], %swap3A_555 {add = true, strides = array<i32>} : memref<32x768xf32, #tpu.memory_space<vmem>>, vector<1x16xf32>,
      %get3A_556 = arith.index_cast %scan3A_224 : i32 to index
      %get3A_557 = arith.constant 592 : index
      %get3A_558 = tpu.vector_load %arg10[%get3A_556, %get3A_557] {strides = array<i32>} : memref<32x768xf32, #tpu.memory_space<vmem>>, vector<1x16xf32>,
      %get3A_559 = vector.shape_cast %get3A_558 : vector<1x16xf32> to vector<16xf32>
      %swap3A_560 = arith.index_cast %scan3A_224 : i32 to index
      %swap3A_561 = arith.constant 592 : index
      %swap3A_562 = tpu.vector_load %arg8[%swap3A_560, %swap3A_561] {strides = array<i32>} : memref<32x768xf32, #tpu.memory_space<vmem>>, vector<1x16xf32>,
      %swap3A_563 = vector.shape_cast %swap3A_562 : vector<1x16xf32> to vector<16xf32>
      %swap3A_564 = vector.shape_cast %get3A_559 : vector<16xf32> to vector<1x16xf32>
      tpu.vector_store %arg8[%swap3A_560, %swap3A_561], %swap3A_564 {add = true, strides = array<i32>} : memref<32x768xf32, #tpu.memory_space<vmem>>, vector<1x16xf32>,
      %get3A_565 = arith.index_cast %scan3A_224 : i32 to index
      %get3A_566 = arith.constant 608 : index
      %get3A_567 = tpu.vector_load %arg10[%get3A_565, %get3A_566] {strides = array<i32>} : memref<32x768xf32, #tpu.memory_space<vmem>>, vector<1x16xf32>,
      %get3A_568 = vector.shape_cast %get3A_567 : vector<1x16xf32> to vector<16xf32>
      %swap3A_569 = arith.index_cast %scan3A_224 : i32 to index
      %swap3A_570 = arith.constant 608 : index
      %swap3A_571 = tpu.vector_load %arg8[%swap3A_569, %swap3A_570] {strides = array<i32>} : memref<32x768xf32, #tpu.memory_space<vmem>>, vector<1x16xf32>,
      %swap3A_572 = vector.shape_cast %swap3A_571 : vector<1x16xf32> to vector<16xf32>
      %swap3A_573 = vector.shape_cast %get3A_568 : vector<16xf32> to vector<1x16xf32>
      tpu.vector_store %arg8[%swap3A_569, %swap3A_570], %swap3A_573 {add = true, strides = array<i32>} : memref<32x768xf32, #tpu.memory_space<vmem>>, vector<1x16xf32>,
      %get3A_574 = arith.index_cast %scan3A_224 : i32 to index
      %get3A_575 = arith.constant 624 : index
      %get3A_576 = tpu.vector_load %arg10[%get3A_574, %get3A_575] {strides = array<i32>} : memref<32x768xf32, #tpu.memory_space<vmem>>, vector<1x16xf32>,
      %get3A_577 = vector.shape_cast %get3A_576 : vector<1x16xf32> to vector<16xf32>
      %swap3A_578 = arith.index_cast %scan3A_224 : i32 to index
      %swap3A_579 = arith.constant 624 : index
      %swap3A_580 = tpu.vector_load %arg8[%swap3A_578, %swap3A_579] {strides = array<i32>} : memref<32x768xf32, #tpu.memory_space<vmem>>, vector<1x16xf32>,
      %swap3A_581 = vector.shape_cast %swap3A_580 : vector<1x16xf32> to vector<16xf32>
      %swap3A_582 = vector.shape_cast %get3A_577 : vector<16xf32> to vector<1x16xf32>
      tpu.vector_store %arg8[%swap3A_578, %swap3A_579], %swap3A_582 {add = true, strides = array<i32>} : memref<32x768xf32, #tpu.memory_space<vmem>>, vector<1x16xf32>,
      %get3A_583 = arith.index_cast %scan3A_224 : i32 to index
      %get3A_584 = arith.constant 640 : index
      %get3A_585 = tpu.vector_load %arg10[%get3A_583, %get3A_584] {strides = array<i32>} : memref<32x768xf32, #tpu.memory_space<vmem>>, vector<1x16xf32>,
      %get3A_586 = vector.shape_cast %get3A_585 : vector<1x16xf32> to vector<16xf32>
      %swap3A_587 = arith.index_cast %scan3A_224 : i32 to index
      %swap3A_588 = arith.constant 640 : index
      %swap3A_589 = tpu.vector_load %arg8[%swap3A_587, %swap3A_588] {strides = array<i32>} : memref<32x768xf32, #tpu.memory_space<vmem>>, vector<1x16xf32>,
      %swap3A_590 = vector.shape_cast %swap3A_589 : vector<1x16xf32> to vector<16xf32>
      %swap3A_591 = vector.shape_cast %get3A_586 : vector<16xf32> to vector<1x16xf32>
      tpu.vector_store %arg8[%swap3A_587, %swap3A_588], %swap3A_591 {add = true, strides = array<i32>} : memref<32x768xf32, #tpu.memory_space<vmem>>, vector<1x16xf32>,
      %get3A_592 = arith.index_cast %scan3A_224 : i32 to index
      %get3A_593 = arith.constant 656 : index
      %get3A_594 = tpu.vector_load %arg10[%get3A_592, %get3A_593] {strides = array<i32>} : memref<32x768xf32, #tpu.memory_space<vmem>>, vector<1x16xf32>,
      %get3A_595 = vector.shape_cast %get3A_594 : vector<1x16xf32> to vector<16xf32>
      %swap3A_596 = arith.index_cast %scan3A_224 : i32 to index
      %swap3A_597 = arith.constant 656 : index
      %swap3A_598 = tpu.vector_load %arg8[%swap3A_596, %swap3A_597] {strides = array<i32>} : memref<32x768xf32, #tpu.memory_space<vmem>>, vector<1x16xf32>,
      %swap3A_599 = vector.shape_cast %swap3A_598 : vector<1x16xf32> to vector<16xf32>
      %swap3A_600 = vector.shape_cast %get3A_595 : vector<16xf32> to vector<1x16xf32>
      tpu.vector_store %arg8[%swap3A_596, %swap3A_597], %swap3A_600 {add = true, strides = array<i32>} : memref<32x768xf32, #tpu.memory_space<vmem>>, vector<1x16xf32>,
      %get3A_601 = arith.index_cast %scan3A_224 : i32 to index
      %get3A_602 = arith.constant 672 : index
      %get3A_603 = tpu.vector_load %arg10[%get3A_601, %get3A_602] {strides = array<i32>} : memref<32x768xf32, #tpu.memory_space<vmem>>, vector<1x16xf32>,
      %get3A_604 = vector.shape_cast %get3A_603 : vector<1x16xf32> to vector<16xf32>
      %swap3A_605 = arith.index_cast %scan3A_224 : i32 to index
      %swap3A_606 = arith.constant 672 : index
      %swap3A_607 = tpu.vector_load %arg8[%swap3A_605, %swap3A_606] {strides = array<i32>} : memref<32x768xf32, #tpu.memory_space<vmem>>, vector<1x16xf32>,
      %swap3A_608 = vector.shape_cast %swap3A_607 : vector<1x16xf32> to vector<16xf32>
      %swap3A_609 = vector.shape_cast %get3A_604 : vector<16xf32> to vector<1x16xf32>
      tpu.vector_store %arg8[%swap3A_605, %swap3A_606], %swap3A_609 {add = true, strides = array<i32>} : memref<32x768xf32, #tpu.memory_space<vmem>>, vector<1x16xf32>,
      %get3A_610 = arith.index_cast %scan3A_224 : i32 to index
      %get3A_611 = arith.constant 688 : index
      %get3A_612 = tpu.vector_load %arg10[%get3A_610, %get3A_611] {strides = array<i32>} : memref<32x768xf32, #tpu.memory_space<vmem>>, vector<1x16xf32>,
      %get3A_613 = vector.shape_cast %get3A_612 : vector<1x16xf32> to vector<16xf32>
      %swap3A_614 = arith.index_cast %scan3A_224 : i32 to index
      %swap3A_615 = arith.constant 688 : index
      %swap3A_616 = tpu.vector_load %arg8[%swap3A_614, %swap3A_615] {strides = array<i32>} : memref<32x768xf32, #tpu.memory_space<vmem>>, vector<1x16xf32>,
      %swap3A_617 = vector.shape_cast %swap3A_616 : vector<1x16xf32> to vector<16xf32>
      %swap3A_618 = vector.shape_cast %get3A_613 : vector<16xf32> to vector<1x16xf32>
      tpu.vector_store %arg8[%swap3A_614, %swap3A_615], %swap3A_618 {add = true, strides = array<i32>} : memref<32x768xf32, #tpu.memory_space<vmem>>, vector<1x16xf32>,
      %get3A_619 = arith.index_cast %scan3A_224 : i32 to index
      %get3A_620 = arith.constant 704 : index
      %get3A_621 = tpu.vector_load %arg10[%get3A_619, %get3A_620] {strides = array<i32>} : memref<32x768xf32, #tpu.memory_space<vmem>>, vector<1x16xf32>,
      %get3A_622 = vector.shape_cast %get3A_621 : vector<1x16xf32> to vector<16xf32>
      %swap3A_623 = arith.index_cast %scan3A_224 : i32 to index
      %swap3A_624 = arith.constant 704 : index
      %swap3A_625 = tpu.vector_load %arg8[%swap3A_623, %swap3A_624] {strides = array<i32>} : memref<32x768xf32, #tpu.memory_space<vmem>>, vector<1x16xf32>,
      %swap3A_626 = vector.shape_cast %swap3A_625 : vector<1x16xf32> to vector<16xf32>
      %swap3A_627 = vector.shape_cast %get3A_622 : vector<16xf32> to vector<1x16xf32>
      tpu.vector_store %arg8[%swap3A_623, %swap3A_624], %swap3A_627 {add = true, strides = array<i32>} : memref<32x768xf32, #tpu.memory_space<vmem>>, vector<1x16xf32>,
      %get3A_628 = arith.index_cast %scan3A_224 : i32 to index
      %get3A_629 = arith.constant 720 : index
      %get3A_630 = tpu.vector_load %arg10[%get3A_628, %get3A_629] {strides = array<i32>} : memref<32x768xf32, #tpu.memory_space<vmem>>, vector<1x16xf32>,
      %get3A_631 = vector.shape_cast %get3A_630 : vector<1x16xf32> to vector<16xf32>
      %swap3A_632 = arith.index_cast %scan3A_224 : i32 to index
      %swap3A_633 = arith.constant 720 : index
      %swap3A_634 = tpu.vector_load %arg8[%swap3A_632, %swap3A_633] {strides = array<i32>} : memref<32x768xf32, #tpu.memory_space<vmem>>, vector<1x16xf32>,
      %swap3A_635 = vector.shape_cast %swap3A_634 : vector<1x16xf32> to vector<16xf32>
      %swap3A_636 = vector.shape_cast %get3A_631 : vector<16xf32> to vector<1x16xf32>
      tpu.vector_store %arg8[%swap3A_632, %swap3A_633], %swap3A_636 {add = true, strides = array<i32>} : memref<32x768xf32, #tpu.memory_space<vmem>>, vector<1x16xf32>,
      %get3A_637 = arith.index_cast %scan3A_224 : i32 to index
      %get3A_638 = arith.constant 736 : index
      %get3A_639 = tpu.vector_load %arg10[%get3A_637, %get3A_638] {strides = array<i32>} : memref<32x768xf32, #tpu.memory_space<vmem>>, vector<1x16xf32>,
      %get3A_640 = vector.shape_cast %get3A_639 : vector<1x16xf32> to vector<16xf32>
      %swap3A_641 = arith.index_cast %scan3A_224 : i32 to index
      %swap3A_642 = arith.constant 736 : index
      %swap3A_643 = tpu.vector_load %arg8[%swap3A_641, %swap3A_642] {strides = array<i32>} : memref<32x768xf32, #tpu.memory_space<vmem>>, vector<1x16xf32>,
      %swap3A_644 = vector.shape_cast %swap3A_643 : vector<1x16xf32> to vector<16xf32>
      %swap3A_645 = vector.shape_cast %get3A_640 : vector<16xf32> to vector<1x16xf32>
      tpu.vector_store %arg8[%swap3A_641, %swap3A_642], %swap3A_645 {add = true, strides = array<i32>} : memref<32x768xf32, #tpu.memory_space<vmem>>, vector<1x16xf32>,
      %get3A_646 = arith.index_cast %scan3A_224 : i32 to index
      %get3A_647 = arith.constant 752 : index
      %get3A_648 = tpu.vector_load %arg10[%get3A_646, %get3A_647] {strides = array<i32>} : memref<32x768xf32, #tpu.memory_space<vmem>>, vector<1x16xf32>,
      %get3A_649 = vector.shape_cast %get3A_648 : vector<1x16xf32> to vector<16xf32>
      %swap3A_650 = arith.index_cast %scan3A_224 : i32 to index
      %swap3A_651 = arith.constant 752 : index
      %swap3A_652 = tpu.vector_load %arg8[%swap3A_650, %swap3A_651] {strides = array<i32>} : memref<32x768xf32, #tpu.memory_space<vmem>>, vector<1x16xf32>,
      %swap3A_653 = vector.shape_cast %swap3A_652 : vector<1x16xf32> to vector<16xf32>
      %swap3A_654 = vector.shape_cast %get3A_649 : vector<16xf32> to vector<1x16xf32>
      tpu.vector_store %arg8[%swap3A_650, %swap3A_651], %swap3A_654 {add = true, strides = array<i32>} : memref<32x768xf32, #tpu.memory_space<vmem>>, vector<1x16xf32>,
    }
    %scan3A_167 = arith.constant 32 : i32
    %add3A_168 = arith.constant 1024 : i32
    %add3A_169 = arith.addi %add3A_168, %mul3A_2 : i32
    %dma_start3A_170 = arith.constant 0 : i32
    %dma_start3A_171 = tpu.memref_slice %arg5[%add3A_169, %dma_start3A_170] : memref<4096x768xf32, #tpu.memory_space<hbm>> -> memref<32x768xf32, #tpu.memory_space<hbm>>
    %dma_start3A_172 = arith.constant 0 : i32
    %dma_start3A_173 = tpu.memref_slice %arg5[%add3A_169, %dma_start3A_172] : memref<4096x768xf32, #tpu.memory_space<hbm>> -> memref<32x768xf32, #tpu.memory_space<hbm>>
    tpu.enqueue_dma source(%arg8 : memref<32x768xf32, #tpu.memory_space<vmem>>) target(%dma_start3A_173 : memref<32x768xf32, #tpu.memory_space<hbm>>) target_semaphore(%arg15 : memref<!tpu.dma_semaphore, #tpu.memory_space<semaphore_mem>>)
    %dma_wait3A_174 = arith.constant 2 : i32
    %dma_wait3A_175 = arith.constant 0 : i32
    %dma_wait3A_176 = tpu.memref_slice %arg6[%dma_wait3A_174, %dma_wait3A_175] : memref<4x32xi32, #tpu.memory_space<vmem>> -> memref<1x32xi32, #tpu.memory_space<vmem>>
    %dma_wait3A_177 = tpu.memref_squeeze %dma_wait3A_176 : memref<1x32xi32, #tpu.memory_space<vmem>> -> memref<32xi32, #tpu.memory_space<vmem>>
    %dma_wait3A_178 = arith.constant 0 : i32
    %dma_wait3A_179 = arith.constant 0 : i32
    %dma_wait3A_180 = tpu.memref_slice %arg3[%dma_wait3A_178, %dma_wait3A_179] : memref<50257x768xf32, #tpu.memory_space<hbm>> -> memref<50257x768xf32, #tpu.memory_space<hbm>>
    tpu.wait_indirect_dma semaphore(%arg13 : memref<!tpu.dma_semaphore, #tpu.memory_space<semaphore_mem>>) src(%dma_wait3A_180 : memref<50257x768xf32, #tpu.memory_space<hbm>>) dst(%arg9 : memref<32x768xf32, #tpu.memory_space<vmem>>)
    %scan3A_181 = arith.constant 0 : i32
    %scan3A_182 = arith.constant 0 : i32
    %scan3A_183 = arith.constant 32 : i32
    %scan3A_184 = arith.addi %scan3A_182, %scan3A_183 : i32
    %scan3A_185 = arith.constant 1 : i32
    scf.for %scan3A_224 = %scan3A_182 to %scan3A_184 step %scan3A_185  : i32 {
      %get3A = arith.index_cast %scan3A_224 : i32 to index
      %get3A_225 = arith.constant 0 : index
      %get3A_226 = tpu.vector_load %arg10[%get3A, %get3A_225] {strides = array<i32>} : memref<32x768xf32, #tpu.memory_space<vmem>>, vector<1x16xf32>,
      %get3A_227 = vector.shape_cast %get3A_226 : vector<1x16xf32> to vector<16xf32>
      %swap3A = arith.index_cast %scan3A_224 : i32 to index
      %swap3A_228 = arith.constant 0 : index
      %swap3A_229 = tpu.vector_load %arg9[%swap3A, %swap3A_228] {strides = array<i32>} : memref<32x768xf32, #tpu.memory_space<vmem>>, vector<1x16xf32>,
      %swap3A_230 = vector.shape_cast %swap3A_229 : vector<1x16xf32> to vector<16xf32>
      %swap3A_231 = vector.shape_cast %get3A_227 : vector<16xf32> to vector<1x16xf32>
      tpu.vector_store %arg9[%swap3A, %swap3A_228], %swap3A_231 {add = true, strides = array<i32>} : memref<32x768xf32, #tpu.memory_space<vmem>>, vector<1x16xf32>,
      %get3A_232 = arith.index_cast %scan3A_224 : i32 to index
      %get3A_233 = arith.constant 16 : index
      %get3A_234 = tpu.vector_load %arg10[%get3A_232, %get3A_233] {strides = array<i32>} : memref<32x768xf32, #tpu.memory_space<vmem>>, vector<1x16xf32>,
      %get3A_235 = vector.shape_cast %get3A_234 : vector<1x16xf32> to vector<16xf32>
      %swap3A_236 = arith.index_cast %scan3A_224 : i32 to index
      %swap3A_237 = arith.constant 16 : index
      %swap3A_238 = tpu.vector_load %arg9[%swap3A_236, %swap3A_237] {strides = array<i32>} : memref<32x768xf32, #tpu.memory_space<vmem>>, vector<1x16xf32>,
      %swap3A_239 = vector.shape_cast %swap3A_238 : vector<1x16xf32> to vector<16xf32>
      %swap3A_240 = vector.shape_cast %get3A_235 : vector<16xf32> to vector<1x16xf32>
      tpu.vector_store %arg9[%swap3A_236, %swap3A_237], %swap3A_240 {add = true, strides = array<i32>} : memref<32x768xf32, #tpu.memory_space<vmem>>, vector<1x16xf32>,
      %get3A_241 = arith.index_cast %scan3A_224 : i32 to index
      %get3A_242 = arith.constant 32 : index
      %get3A_243 = tpu.vector_load %arg10[%get3A_241, %get3A_242] {strides = array<i32>} : memref<32x768xf32, #tpu.memory_space<vmem>>, vector<1x16xf32>,
      %get3A_244 = vector.shape_cast %get3A_243 : vector<1x16xf32> to vector<16xf32>
      %swap3A_245 = arith.index_cast %scan3A_224 : i32 to index
      %swap3A_246 = arith.constant 32 : index
      %swap3A_247 = tpu.vector_load %arg9[%swap3A_245, %swap3A_246] {strides = array<i32>} : memref<32x768xf32, #tpu.memory_space<vmem>>, vector<1x16xf32>,
      %swap3A_248 = vector.shape_cast %swap3A_247 : vector<1x16xf32> to vector<16xf32>
      %swap3A_249 = vector.shape_cast %get3A_244 : vector<16xf32> to vector<1x16xf32>
      tpu.vector_store %arg9[%swap3A_245, %swap3A_246], %swap3A_249 {add = true, strides = array<i32>} : memref<32x768xf32, #tpu.memory_space<vmem>>, vector<1x16xf32>,
      %get3A_250 = arith.index_cast %scan3A_224 : i32 to index
      %get3A_251 = arith.constant 48 : index
      %get3A_252 = tpu.vector_load %arg10[%get3A_250, %get3A_251] {strides = array<i32>} : memref<32x768xf32, #tpu.memory_space<vmem>>, vector<1x16xf32>,
      %get3A_253 = vector.shape_cast %get3A_252 : vector<1x16xf32> to vector<16xf32>
      %swap3A_254 = arith.index_cast %scan3A_224 : i32 to index
      %swap3A_255 = arith.constant 48 : index
      %swap3A_256 = tpu.vector_load %arg9[%swap3A_254, %swap3A_255] {strides = array<i32>} : memref<32x768xf32, #tpu.memory_space<vmem>>, vector<1x16xf32>,
      %swap3A_257 = vector.shape_cast %swap3A_256 : vector<1x16xf32> to vector<16xf32>
      %swap3A_258 = vector.shape_cast %get3A_253 : vector<16xf32> to vector<1x16xf32>
      tpu.vector_store %arg9[%swap3A_254, %swap3A_255], %swap3A_258 {add = true, strides = array<i32>} : memref<32x768xf32, #tpu.memory_space<vmem>>, vector<1x16xf32>,
      %get3A_259 = arith.index_cast %scan3A_224 : i32 to index
      %get3A_260 = arith.constant 64 : index
      %get3A_261 = tpu.vector_load %arg10[%get3A_259, %get3A_260] {strides = array<i32>} : memref<32x768xf32, #tpu.memory_space<vmem>>, vector<1x16xf32>,
      %get3A_262 = vector.shape_cast %get3A_261 : vector<1x16xf32> to vector<16xf32>
      %swap3A_263 = arith.index_cast %scan3A_224 : i32 to index
      %swap3A_264 = arith.constant 64 : index
      %swap3A_265 = tpu.vector_load %arg9[%swap3A_263, %swap3A_264] {strides = array<i32>} : memref<32x768xf32, #tpu.memory_space<vmem>>, vector<1x16xf32>,
      %swap3A_266 = vector.shape_cast %swap3A_265 : vector<1x16xf32> to vector<16xf32>
      %swap3A_267 = vector.shape_cast %get3A_262 : vector<16xf32> to vector<1x16xf32>
      tpu.vector_store %arg9[%swap3A_263, %swap3A_264], %swap3A_267 {add = true, strides = array<i32>} : memref<32x768xf32, #tpu.memory_space<vmem>>, vector<1x16xf32>,
      %get3A_268 = arith.index_cast %scan3A_224 : i32 to index
      %get3A_269 = arith.constant 80 : index
      %get3A_270 = tpu.vector_load %arg10[%get3A_268, %get3A_269] {strides = array<i32>} : memref<32x768xf32, #tpu.memory_space<vmem>>, vector<1x16xf32>,
      %get3A_271 = vector.shape_cast %get3A_270 : vector<1x16xf32> to vector<16xf32>
      %swap3A_272 = arith.index_cast %scan3A_224 : i32 to index
      %swap3A_273 = arith.constant 80 : index
      %swap3A_274 = tpu.vector_load %arg9[%swap3A_272, %swap3A_273] {strides = array<i32>} : memref<32x768xf32, #tpu.memory_space<vmem>>, vector<1x16xf32>,
      %swap3A_275 = vector.shape_cast %swap3A_274 : vector<1x16xf32> to vector<16xf32>
      %swap3A_276 = vector.shape_cast %get3A_271 : vector<16xf32> to vector<1x16xf32>
      tpu.vector_store %arg9[%swap3A_272, %swap3A_273], %swap3A_276 {add = true, strides = array<i32>} : memref<32x768xf32, #tpu.memory_space<vmem>>, vector<1x16xf32>,
      %get3A_277 = arith.index_cast %scan3A_224 : i32 to index
      %get3A_278 = arith.constant 96 : index
      %get3A_279 = tpu.vector_load %arg10[%get3A_277, %get3A_278] {strides = array<i32>} : memref<32x768xf32, #tpu.memory_space<vmem>>, vector<1x16xf32>,
      %get3A_280 = vector.shape_cast %get3A_279 : vector<1x16xf32> to vector<16xf32>
      %swap3A_281 = arith.index_cast %scan3A_224 : i32 to index
      %swap3A_282 = arith.constant 96 : index
      %swap3A_283 = tpu.vector_load %arg9[%swap3A_281, %swap3A_282] {strides = array<i32>} : memref<32x768xf32, #tpu.memory_space<vmem>>, vector<1x16xf32>,
      %swap3A_284 = vector.shape_cast %swap3A_283 : vector<1x16xf32> to vector<16xf32>
      %swap3A_285 = vector.shape_cast %get3A_280 : vector<16xf32> to vector<1x16xf32>
      tpu.vector_store %arg9[%swap3A_281, %swap3A_282], %swap3A_285 {add = true, strides = array<i32>} : memref<32x768xf32, #tpu.memory_space<vmem>>, vector<1x16xf32>,
      %get3A_286 = arith.index_cast %scan3A_224 : i32 to index
      %get3A_287 = arith.constant 112 : index
      %get3A_288 = tpu.vector_load %arg10[%get3A_286, %get3A_287] {strides = array<i32>} : memref<32x768xf32, #tpu.memory_space<vmem>>, vector<1x16xf32>,
      %get3A_289 = vector.shape_cast %get3A_288 : vector<1x16xf32> to vector<16xf32>
      %swap3A_290 = arith.index_cast %scan3A_224 : i32 to index
      %swap3A_291 = arith.constant 112 : index
      %swap3A_292 = tpu.vector_load %arg9[%swap3A_290, %swap3A_291] {strides = array<i32>} : memref<32x768xf32, #tpu.memory_space<vmem>>, vector<1x16xf32>,
      %swap3A_293 = vector.shape_cast %swap3A_292 : vector<1x16xf32> to vector<16xf32>
      %swap3A_294 = vector.shape_cast %get3A_289 : vector<16xf32> to vector<1x16xf32>
      tpu.vector_store %arg9[%swap3A_290, %swap3A_291], %swap3A_294 {add = true, strides = array<i32>} : memref<32x768xf32, #tpu.memory_space<vmem>>, vector<1x16xf32>,
      %get3A_295 = arith.index_cast %scan3A_224 : i32 to index
      %get3A_296 = arith.constant 128 : index
      %get3A_297 = tpu.vector_load %arg10[%get3A_295, %get3A_296] {strides = array<i32>} : memref<32x768xf32, #tpu.memory_space<vmem>>, vector<1x16xf32>,
      %get3A_298 = vector.shape_cast %get3A_297 : vector<1x16xf32> to vector<16xf32>
      %swap3A_299 = arith.index_cast %scan3A_224 : i32 to index
      %swap3A_300 = arith.constant 128 : index
      %swap3A_301 = tpu.vector_load %arg9[%swap3A_299, %swap3A_300] {strides = array<i32>} : memref<32x768xf32, #tpu.memory_space<vmem>>, vector<1x16xf32>,
      %swap3A_302 = vector.shape_cast %swap3A_301 : vector<1x16xf32> to vector<16xf32>
      %swap3A_303 = vector.shape_cast %get3A_298 : vector<16xf32> to vector<1x16xf32>
      tpu.vector_store %arg9[%swap3A_299, %swap3A_300], %swap3A_303 {add = true, strides = array<i32>} : memref<32x768xf32, #tpu.memory_space<vmem>>, vector<1x16xf32>,
      %get3A_304 = arith.index_cast %scan3A_224 : i32 to index
      %get3A_305 = arith.constant 144 : index
      %get3A_306 = tpu.vector_load %arg10[%get3A_304, %get3A_305] {strides = array<i32>} : memref<32x768xf32, #tpu.memory_space<vmem>>, vector<1x16xf32>,
      %get3A_307 = vector.shape_cast %get3A_306 : vector<1x16xf32> to vector<16xf32>
      %swap3A_308 = arith.index_cast %scan3A_224 : i32 to index
      %swap3A_309 = arith.constant 144 : index
      %swap3A_310 = tpu.vector_load %arg9[%swap3A_308, %swap3A_309] {strides = array<i32>} : memref<32x768xf32, #tpu.memory_space<vmem>>, vector<1x16xf32>,
      %swap3A_311 = vector.shape_cast %swap3A_310 : vector<1x16xf32> to vector<16xf32>
      %swap3A_312 = vector.shape_cast %get3A_307 : vector<16xf32> to vector<1x16xf32>
      tpu.vector_store %arg9[%swap3A_308, %swap3A_309], %swap3A_312 {add = true, strides = array<i32>} : memref<32x768xf32, #tpu.memory_space<vmem>>, vector<1x16xf32>,
      %get3A_313 = arith.index_cast %scan3A_224 : i32 to index
      %get3A_314 = arith.constant 160 : index
      %get3A_315 = tpu.vector_load %arg10[%get3A_313, %get3A_314] {strides = array<i32>} : memref<32x768xf32, #tpu.memory_space<vmem>>, vector<1x16xf32>,
      %get3A_316 = vector.shape_cast %get3A_315 : vector<1x16xf32> to vector<16xf32>
      %swap3A_317 = arith.index_cast %scan3A_224 : i32 to index
      %swap3A_318 = arith.constant 160 : index
      %swap3A_319 = tpu.vector_load %arg9[%swap3A_317, %swap3A_318] {strides = array<i32>} : memref<32x768xf32, #tpu.memory_space<vmem>>, vector<1x16xf32>,
      %swap3A_320 = vector.shape_cast %swap3A_319 : vector<1x16xf32> to vector<16xf32>
      %swap3A_321 = vector.shape_cast %get3A_316 : vector<16xf32> to vector<1x16xf32>
      tpu.vector_store %arg9[%swap3A_317, %swap3A_318], %swap3A_321 {add = true, strides = array<i32>} : memref<32x768xf32, #tpu.memory_space<vmem>>, vector<1x16xf32>,
      %get3A_322 = arith.index_cast %scan3A_224 : i32 to index
      %get3A_323 = arith.constant 176 : index
      %get3A_324 = tpu.vector_load %arg10[%get3A_322, %get3A_323] {strides = array<i32>} : memref<32x768xf32, #tpu.memory_space<vmem>>, vector<1x16xf32>,
      %get3A_325 = vector.shape_cast %get3A_324 : vector<1x16xf32> to vector<16xf32>
      %swap3A_326 = arith.index_cast %scan3A_224 : i32 to index
      %swap3A_327 = arith.constant 176 : index
      %swap3A_328 = tpu.vector_load %arg9[%swap3A_326, %swap3A_327] {strides = array<i32>} : memref<32x768xf32, #tpu.memory_space<vmem>>, vector<1x16xf32>,
      %swap3A_329 = vector.shape_cast %swap3A_328 : vector<1x16xf32> to vector<16xf32>
      %swap3A_330 = vector.shape_cast %get3A_325 : vector<16xf32> to vector<1x16xf32>
      tpu.vector_store %arg9[%swap3A_326, %swap3A_327], %swap3A_330 {add = true, strides = array<i32>} : memref<32x768xf32, #tpu.memory_space<vmem>>, vector<1x16xf32>,
      %get3A_331 = arith.index_cast %scan3A_224 : i32 to index
      %get3A_332 = arith.constant 192 : index
      %get3A_333 = tpu.vector_load %arg10[%get3A_331, %get3A_332] {strides = array<i32>} : memref<32x768xf32, #tpu.memory_space<vmem>>, vector<1x16xf32>,
      %get3A_334 = vector.shape_cast %get3A_333 : vector<1x16xf32> to vector<16xf32>
      %swap3A_335 = arith.index_cast %scan3A_224 : i32 to index
      %swap3A_336 = arith.constant 192 : index
      %swap3A_337 = tpu.vector_load %arg9[%swap3A_335, %swap3A_336] {strides = array<i32>} : memref<32x768xf32, #tpu.memory_space<vmem>>, vector<1x16xf32>,
      %swap3A_338 = vector.shape_cast %swap3A_337 : vector<1x16xf32> to vector<16xf32>
      %swap3A_339 = vector.shape_cast %get3A_334 : vector<16xf32> to vector<1x16xf32>
      tpu.vector_store %arg9[%swap3A_335, %swap3A_336], %swap3A_339 {add = true, strides = array<i32>} : memref<32x768xf32, #tpu.memory_space<vmem>>, vector<1x16xf32>,
      %get3A_340 = arith.index_cast %scan3A_224 : i32 to index
      %get3A_341 = arith.constant 208 : index
      %get3A_342 = tpu.vector_load %arg10[%get3A_340, %get3A_341] {strides = array<i32>} : memref<32x768xf32, #tpu.memory_space<vmem>>, vector<1x16xf32>,
      %get3A_343 = vector.shape_cast %get3A_342 : vector<1x16xf32> to vector<16xf32>
      %swap3A_344 = arith.index_cast %scan3A_224 : i32 to index
      %swap3A_345 = arith.constant 208 : index
      %swap3A_346 = tpu.vector_load %arg9[%swap3A_344, %swap3A_345] {strides = array<i32>} : memref<32x768xf32, #tpu.memory_space<vmem>>, vector<1x16xf32>,
      %swap3A_347 = vector.shape_cast %swap3A_346 : vector<1x16xf32> to vector<16xf32>
      %swap3A_348 = vector.shape_cast %get3A_343 : vector<16xf32> to vector<1x16xf32>
      tpu.vector_store %arg9[%swap3A_344, %swap3A_345], %swap3A_348 {add = true, strides = array<i32>} : memref<32x768xf32, #tpu.memory_space<vmem>>, vector<1x16xf32>,
      %get3A_349 = arith.index_cast %scan3A_224 : i32 to index
      %get3A_350 = arith.constant 224 : index
      %get3A_351 = tpu.vector_load %arg10[%get3A_349, %get3A_350] {strides = array<i32>} : memref<32x768xf32, #tpu.memory_space<vmem>>, vector<1x16xf32>,
      %get3A_352 = vector.shape_cast %get3A_351 : vector<1x16xf32> to vector<16xf32>
      %swap3A_353 = arith.index_cast %scan3A_224 : i32 to index
      %swap3A_354 = arith.constant 224 : index
      %swap3A_355 = tpu.vector_load %arg9[%swap3A_353, %swap3A_354] {strides = array<i32>} : memref<32x768xf32, #tpu.memory_space<vmem>>, vector<1x16xf32>,
      %swap3A_356 = vector.shape_cast %swap3A_355 : vector<1x16xf32> to vector<16xf32>
      %swap3A_357 = vector.shape_cast %get3A_352 : vector<16xf32> to vector<1x16xf32>
      tpu.vector_store %arg9[%swap3A_353, %swap3A_354], %swap3A_357 {add = true, strides = array<i32>} : memref<32x768xf32, #tpu.memory_space<vmem>>, vector<1x16xf32>,
      %get3A_358 = arith.index_cast %scan3A_224 : i32 to index
      %get3A_359 = arith.constant 240 : index
      %get3A_360 = tpu.vector_load %arg10[%get3A_358, %get3A_359] {strides = array<i32>} : memref<32x768xf32, #tpu.memory_space<vmem>>, vector<1x16xf32>,
      %get3A_361 = vector.shape_cast %get3A_360 : vector<1x16xf32> to vector<16xf32>
      %swap3A_362 = arith.index_cast %scan3A_224 : i32 to index
      %swap3A_363 = arith.constant 240 : index
      %swap3A_364 = tpu.vector_load %arg9[%swap3A_362, %swap3A_363] {strides = array<i32>} : memref<32x768xf32, #tpu.memory_space<vmem>>, vector<1x16xf32>,
      %swap3A_365 = vector.shape_cast %swap3A_364 : vector<1x16xf32> to vector<16xf32>
      %swap3A_366 = vector.shape_cast %get3A_361 : vector<16xf32> to vector<1x16xf32>
      tpu.vector_store %arg9[%swap3A_362, %swap3A_363], %swap3A_366 {add = true, strides = array<i32>} : memref<32x768xf32, #tpu.memory_space<vmem>>, vector<1x16xf32>,
      %get3A_367 = arith.index_cast %scan3A_224 : i32 to index
      %get3A_368 = arith.constant 256 : index
      %get3A_369 = tpu.vector_load %arg10[%get3A_367, %get3A_368] {strides = array<i32>} : memref<32x768xf32, #tpu.memory_space<vmem>>, vector<1x16xf32>,
      %get3A_370 = vector.shape_cast %get3A_369 : vector<1x16xf32> to vector<16xf32>
      %swap3A_371 = arith.index_cast %scan3A_224 : i32 to index
      %swap3A_372 = arith.constant 256 : index
      %swap3A_373 = tpu.vector_load %arg9[%swap3A_371, %swap3A_372] {strides = array<i32>} : memref<32x768xf32, #tpu.memory_space<vmem>>, vector<1x16xf32>,
      %swap3A_374 = vector.shape_cast %swap3A_373 : vector<1x16xf32> to vector<16xf32>
      %swap3A_375 = vector.shape_cast %get3A_370 : vector<16xf32> to vector<1x16xf32>
      tpu.vector_store %arg9[%swap3A_371, %swap3A_372], %swap3A_375 {add = true, strides = array<i32>} : memref<32x768xf32, #tpu.memory_space<vmem>>, vector<1x16xf32>,
      %get3A_376 = arith.index_cast %scan3A_224 : i32 to index
      %get3A_377 = arith.constant 272 : index
      %get3A_378 = tpu.vector_load %arg10[%get3A_376, %get3A_377] {strides = array<i32>} : memref<32x768xf32, #tpu.memory_space<vmem>>, vector<1x16xf32>,
      %get3A_379 = vector.shape_cast %get3A_378 : vector<1x16xf32> to vector<16xf32>
      %swap3A_380 = arith.index_cast %scan3A_224 : i32 to index
      %swap3A_381 = arith.constant 272 : index
      %swap3A_382 = tpu.vector_load %arg9[%swap3A_380, %swap3A_381] {strides = array<i32>} : memref<32x768xf32, #tpu.memory_space<vmem>>, vector<1x16xf32>,
      %swap3A_383 = vector.shape_cast %swap3A_382 : vector<1x16xf32> to vector<16xf32>
      %swap3A_384 = vector.shape_cast %get3A_379 : vector<16xf32> to vector<1x16xf32>
      tpu.vector_store %arg9[%swap3A_380, %swap3A_381], %swap3A_384 {add = true, strides = array<i32>} : memref<32x768xf32, #tpu.memory_space<vmem>>, vector<1x16xf32>,
      %get3A_385 = arith.index_cast %scan3A_224 : i32 to index
      %get3A_386 = arith.constant 288 : index
      %get3A_387 = tpu.vector_load %arg10[%get3A_385, %get3A_386] {strides = array<i32>} : memref<32x768xf32, #tpu.memory_space<vmem>>, vector<1x16xf32>,
      %get3A_388 = vector.shape_cast %get3A_387 : vector<1x16xf32> to vector<16xf32>
      %swap3A_389 = arith.index_cast %scan3A_224 : i32 to index
      %swap3A_390 = arith.constant 288 : index
      %swap3A_391 = tpu.vector_load %arg9[%swap3A_389, %swap3A_390] {strides = array<i32>} : memref<32x768xf32, #tpu.memory_space<vmem>>, vector<1x16xf32>,
      %swap3A_392 = vector.shape_cast %swap3A_391 : vector<1x16xf32> to vector<16xf32>
      %swap3A_393 = vector.shape_cast %get3A_388 : vector<16xf32> to vector<1x16xf32>
      tpu.vector_store %arg9[%swap3A_389, %swap3A_390], %swap3A_393 {add = true, strides = array<i32>} : memref<32x768xf32, #tpu.memory_space<vmem>>, vector<1x16xf32>,
      %get3A_394 = arith.index_cast %scan3A_224 : i32 to index
      %get3A_395 = arith.constant 304 : index
      %get3A_396 = tpu.vector_load %arg10[%get3A_394, %get3A_395] {strides = array<i32>} : memref<32x768xf32, #tpu.memory_space<vmem>>, vector<1x16xf32>,
      %get3A_397 = vector.shape_cast %get3A_396 : vector<1x16xf32> to vector<16xf32>
      %swap3A_398 = arith.index_cast %scan3A_224 : i32 to index
      %swap3A_399 = arith.constant 304 : index
      %swap3A_400 = tpu.vector_load %arg9[%swap3A_398, %swap3A_399] {strides = array<i32>} : memref<32x768xf32, #tpu.memory_space<vmem>>, vector<1x16xf32>,
      %swap3A_401 = vector.shape_cast %swap3A_400 : vector<1x16xf32> to vector<16xf32>
      %swap3A_402 = vector.shape_cast %get3A_397 : vector<16xf32> to vector<1x16xf32>
      tpu.vector_store %arg9[%swap3A_398, %swap3A_399], %swap3A_402 {add = true, strides = array<i32>} : memref<32x768xf32, #tpu.memory_space<vmem>>, vector<1x16xf32>,
      %get3A_403 = arith.index_cast %scan3A_224 : i32 to index
      %get3A_404 = arith.constant 320 : index
      %get3A_405 = tpu.vector_load %arg10[%get3A_403, %get3A_404] {strides = array<i32>} : memref<32x768xf32, #tpu.memory_space<vmem>>, vector<1x16xf32>,
      %get3A_406 = vector.shape_cast %get3A_405 : vector<1x16xf32> to vector<16xf32>
      %swap3A_407 = arith.index_cast %scan3A_224 : i32 to index
      %swap3A_408 = arith.constant 320 : index
      %swap3A_409 = tpu.vector_load %arg9[%swap3A_407, %swap3A_408] {strides = array<i32>} : memref<32x768xf32, #tpu.memory_space<vmem>>, vector<1x16xf32>,
      %swap3A_410 = vector.shape_cast %swap3A_409 : vector<1x16xf32> to vector<16xf32>
      %swap3A_411 = vector.shape_cast %get3A_406 : vector<16xf32> to vector<1x16xf32>
      tpu.vector_store %arg9[%swap3A_407, %swap3A_408], %swap3A_411 {add = true, strides = array<i32>} : memref<32x768xf32, #tpu.memory_space<vmem>>, vector<1x16xf32>,
      %get3A_412 = arith.index_cast %scan3A_224 : i32 to index
      %get3A_413 = arith.constant 336 : index
      %get3A_414 = tpu.vector_load %arg10[%get3A_412, %get3A_413] {strides = array<i32>} : memref<32x768xf32, #tpu.memory_space<vmem>>, vector<1x16xf32>,
      %get3A_415 = vector.shape_cast %get3A_414 : vector<1x16xf32> to vector<16xf32>
      %swap3A_416 = arith.index_cast %scan3A_224 : i32 to index
      %swap3A_417 = arith.constant 336 : index
      %swap3A_418 = tpu.vector_load %arg9[%swap3A_416, %swap3A_417] {strides = array<i32>} : memref<32x768xf32, #tpu.memory_space<vmem>>, vector<1x16xf32>,
      %swap3A_419 = vector.shape_cast %swap3A_418 : vector<1x16xf32> to vector<16xf32>
      %swap3A_420 = vector.shape_cast %get3A_415 : vector<16xf32> to vector<1x16xf32>
      tpu.vector_store %arg9[%swap3A_416, %swap3A_417], %swap3A_420 {add = true, strides = array<i32>} : memref<32x768xf32, #tpu.memory_space<vmem>>, vector<1x16xf32>,
      %get3A_421 = arith.index_cast %scan3A_224 : i32 to index
      %get3A_422 = arith.constant 352 : index
      %get3A_423 = tpu.vector_load %arg10[%get3A_421, %get3A_422] {strides = array<i32>} : memref<32x768xf32, #tpu.memory_space<vmem>>, vector<1x16xf32>,
      %get3A_424 = vector.shape_cast %get3A_423 : vector<1x16xf32> to vector<16xf32>
      %swap3A_425 = arith.index_cast %scan3A_224 : i32 to index
      %swap3A_426 = arith.constant 352 : index
      %swap3A_427 = tpu.vector_load %arg9[%swap3A_425, %swap3A_426] {strides = array<i32>} : memref<32x768xf32, #tpu.memory_space<vmem>>, vector<1x16xf32>,
      %swap3A_428 = vector.shape_cast %swap3A_427 : vector<1x16xf32> to vector<16xf32>
      %swap3A_429 = vector.shape_cast %get3A_424 : vector<16xf32> to vector<1x16xf32>
      tpu.vector_store %arg9[%swap3A_425, %swap3A_426], %swap3A_429 {add = true, strides = array<i32>} : memref<32x768xf32, #tpu.memory_space<vmem>>, vector<1x16xf32>,
      %get3A_430 = arith.index_cast %scan3A_224 : i32 to index
      %get3A_431 = arith.constant 368 : index
      %get3A_432 = tpu.vector_load %arg10[%get3A_430, %get3A_431] {strides = array<i32>} : memref<32x768xf32, #tpu.memory_space<vmem>>, vector<1x16xf32>,
      %get3A_433 = vector.shape_cast %get3A_432 : vector<1x16xf32> to vector<16xf32>
      %swap3A_434 = arith.index_cast %scan3A_224 : i32 to index
      %swap3A_435 = arith.constant 368 : index
      %swap3A_436 = tpu.vector_load %arg9[%swap3A_434, %swap3A_435] {strides = array<i32>} : memref<32x768xf32, #tpu.memory_space<vmem>>, vector<1x16xf32>,
      %swap3A_437 = vector.shape_cast %swap3A_436 : vector<1x16xf32> to vector<16xf32>
      %swap3A_438 = vector.shape_cast %get3A_433 : vector<16xf32> to vector<1x16xf32>
      tpu.vector_store %arg9[%swap3A_434, %swap3A_435], %swap3A_438 {add = true, strides = array<i32>} : memref<32x768xf32, #tpu.memory_space<vmem>>, vector<1x16xf32>,
      %get3A_439 = arith.index_cast %scan3A_224 : i32 to index
      %get3A_440 = arith.constant 384 : index
      %get3A_441 = tpu.vector_load %arg10[%get3A_439, %get3A_440] {strides = array<i32>} : memref<32x768xf32, #tpu.memory_space<vmem>>, vector<1x16xf32>,
      %get3A_442 = vector.shape_cast %get3A_441 : vector<1x16xf32> to vector<16xf32>
      %swap3A_443 = arith.index_cast %scan3A_224 : i32 to index
      %swap3A_444 = arith.constant 384 : index
      %swap3A_445 = tpu.vector_load %arg9[%swap3A_443, %swap3A_444] {strides = array<i32>} : memref<32x768xf32, #tpu.memory_space<vmem>>, vector<1x16xf32>,
      %swap3A_446 = vector.shape_cast %swap3A_445 : vector<1x16xf32> to vector<16xf32>
      %swap3A_447 = vector.shape_cast %get3A_442 : vector<16xf32> to vector<1x16xf32>
      tpu.vector_store %arg9[%swap3A_443, %swap3A_444], %swap3A_447 {add = true, strides = array<i32>} : memref<32x768xf32, #tpu.memory_space<vmem>>, vector<1x16xf32>,
      %get3A_448 = arith.index_cast %scan3A_224 : i32 to index
      %get3A_449 = arith.constant 400 : index
      %get3A_450 = tpu.vector_load %arg10[%get3A_448, %get3A_449] {strides = array<i32>} : memref<32x768xf32, #tpu.memory_space<vmem>>, vector<1x16xf32>,
      %get3A_451 = vector.shape_cast %get3A_450 : vector<1x16xf32> to vector<16xf32>
      %swap3A_452 = arith.index_cast %scan3A_224 : i32 to index
      %swap3A_453 = arith.constant 400 : index
      %swap3A_454 = tpu.vector_load %arg9[%swap3A_452, %swap3A_453] {strides = array<i32>} : memref<32x768xf32, #tpu.memory_space<vmem>>, vector<1x16xf32>,
      %swap3A_455 = vector.shape_cast %swap3A_454 : vector<1x16xf32> to vector<16xf32>
      %swap3A_456 = vector.shape_cast %get3A_451 : vector<16xf32> to vector<1x16xf32>
      tpu.vector_store %arg9[%swap3A_452, %swap3A_453], %swap3A_456 {add = true, strides = array<i32>} : memref<32x768xf32, #tpu.memory_space<vmem>>, vector<1x16xf32>,
      %get3A_457 = arith.index_cast %scan3A_224 : i32 to index
      %get3A_458 = arith.constant 416 : index
      %get3A_459 = tpu.vector_load %arg10[%get3A_457, %get3A_458] {strides = array<i32>} : memref<32x768xf32, #tpu.memory_space<vmem>>, vector<1x16xf32>,
      %get3A_460 = vector.shape_cast %get3A_459 : vector<1x16xf32> to vector<16xf32>
      %swap3A_461 = arith.index_cast %scan3A_224 : i32 to index
      %swap3A_462 = arith.constant 416 : index
      %swap3A_463 = tpu.vector_load %arg9[%swap3A_461, %swap3A_462] {strides = array<i32>} : memref<32x768xf32, #tpu.memory_space<vmem>>, vector<1x16xf32>,
      %swap3A_464 = vector.shape_cast %swap3A_463 : vector<1x16xf32> to vector<16xf32>
      %swap3A_465 = vector.shape_cast %get3A_460 : vector<16xf32> to vector<1x16xf32>
      tpu.vector_store %arg9[%swap3A_461, %swap3A_462], %swap3A_465 {add = true, strides = array<i32>} : memref<32x768xf32, #tpu.memory_space<vmem>>, vector<1x16xf32>,
      %get3A_466 = arith.index_cast %scan3A_224 : i32 to index
      %get3A_467 = arith.constant 432 : index
      %get3A_468 = tpu.vector_load %arg10[%get3A_466, %get3A_467] {strides = array<i32>} : memref<32x768xf32, #tpu.memory_space<vmem>>, vector<1x16xf32>,
      %get3A_469 = vector.shape_cast %get3A_468 : vector<1x16xf32> to vector<16xf32>
      %swap3A_470 = arith.index_cast %scan3A_224 : i32 to index
      %swap3A_471 = arith.constant 432 : index
      %swap3A_472 = tpu.vector_load %arg9[%swap3A_470, %swap3A_471] {strides = array<i32>} : memref<32x768xf32, #tpu.memory_space<vmem>>, vector<1x16xf32>,
      %swap3A_473 = vector.shape_cast %swap3A_472 : vector<1x16xf32> to vector<16xf32>
      %swap3A_474 = vector.shape_cast %get3A_469 : vector<16xf32> to vector<1x16xf32>
      tpu.vector_store %arg9[%swap3A_470, %swap3A_471], %swap3A_474 {add = true, strides = array<i32>} : memref<32x768xf32, #tpu.memory_space<vmem>>, vector<1x16xf32>,
      %get3A_475 = arith.index_cast %scan3A_224 : i32 to index
      %get3A_476 = arith.constant 448 : index
      %get3A_477 = tpu.vector_load %arg10[%get3A_475, %get3A_476] {strides = array<i32>} : memref<32x768xf32, #tpu.memory_space<vmem>>, vector<1x16xf32>,
      %get3A_478 = vector.shape_cast %get3A_477 : vector<1x16xf32> to vector<16xf32>
      %swap3A_479 = arith.index_cast %scan3A_224 : i32 to index
      %swap3A_480 = arith.constant 448 : index
      %swap3A_481 = tpu.vector_load %arg9[%swap3A_479, %swap3A_480] {strides = array<i32>} : memref<32x768xf32, #tpu.memory_space<vmem>>, vector<1x16xf32>,
      %swap3A_482 = vector.shape_cast %swap3A_481 : vector<1x16xf32> to vector<16xf32>
      %swap3A_483 = vector.shape_cast %get3A_478 : vector<16xf32> to vector<1x16xf32>
      tpu.vector_store %arg9[%swap3A_479, %swap3A_480], %swap3A_483 {add = true, strides = array<i32>} : memref<32x768xf32, #tpu.memory_space<vmem>>, vector<1x16xf32>,
      %get3A_484 = arith.index_cast %scan3A_224 : i32 to index
      %get3A_485 = arith.constant 464 : index
      %get3A_486 = tpu.vector_load %arg10[%get3A_484, %get3A_485] {strides = array<i32>} : memref<32x768xf32, #tpu.memory_space<vmem>>, vector<1x16xf32>,
      %get3A_487 = vector.shape_cast %get3A_486 : vector<1x16xf32> to vector<16xf32>
      %swap3A_488 = arith.index_cast %scan3A_224 : i32 to index
      %swap3A_489 = arith.constant 464 : index
      %swap3A_490 = tpu.vector_load %arg9[%swap3A_488, %swap3A_489] {strides = array<i32>} : memref<32x768xf32, #tpu.memory_space<vmem>>, vector<1x16xf32>,
      %swap3A_491 = vector.shape_cast %swap3A_490 : vector<1x16xf32> to vector<16xf32>
      %swap3A_492 = vector.shape_cast %get3A_487 : vector<16xf32> to vector<1x16xf32>
      tpu.vector_store %arg9[%swap3A_488, %swap3A_489], %swap3A_492 {add = true, strides = array<i32>} : memref<32x768xf32, #tpu.memory_space<vmem>>, vector<1x16xf32>,
      %get3A_493 = arith.index_cast %scan3A_224 : i32 to index
      %get3A_494 = arith.constant 480 : index
      %get3A_495 = tpu.vector_load %arg10[%get3A_493, %get3A_494] {strides = array<i32>} : memref<32x768xf32, #tpu.memory_space<vmem>>, vector<1x16xf32>,
      %get3A_496 = vector.shape_cast %get3A_495 : vector<1x16xf32> to vector<16xf32>
      %swap3A_497 = arith.index_cast %scan3A_224 : i32 to index
      %swap3A_498 = arith.constant 480 : index
      %swap3A_499 = tpu.vector_load %arg9[%swap3A_497, %swap3A_498] {strides = array<i32>} : memref<32x768xf32, #tpu.memory_space<vmem>>, vector<1x16xf32>,
      %swap3A_500 = vector.shape_cast %swap3A_499 : vector<1x16xf32> to vector<16xf32>
      %swap3A_501 = vector.shape_cast %get3A_496 : vector<16xf32> to vector<1x16xf32>
      tpu.vector_store %arg9[%swap3A_497, %swap3A_498], %swap3A_501 {add = true, strides = array<i32>} : memref<32x768xf32, #tpu.memory_space<vmem>>, vector<1x16xf32>,
      %get3A_502 = arith.index_cast %scan3A_224 : i32 to index
      %get3A_503 = arith.constant 496 : index
      %get3A_504 = tpu.vector_load %arg10[%get3A_502, %get3A_503] {strides = array<i32>} : memref<32x768xf32, #tpu.memory_space<vmem>>, vector<1x16xf32>,
      %get3A_505 = vector.shape_cast %get3A_504 : vector<1x16xf32> to vector<16xf32>
      %swap3A_506 = arith.index_cast %scan3A_224 : i32 to index
      %swap3A_507 = arith.constant 496 : index
      %swap3A_508 = tpu.vector_load %arg9[%swap3A_506, %swap3A_507] {strides = array<i32>} : memref<32x768xf32, #tpu.memory_space<vmem>>, vector<1x16xf32>,
      %swap3A_509 = vector.shape_cast %swap3A_508 : vector<1x16xf32> to vector<16xf32>
      %swap3A_510 = vector.shape_cast %get3A_505 : vector<16xf32> to vector<1x16xf32>
      tpu.vector_store %arg9[%swap3A_506, %swap3A_507], %swap3A_510 {add = true, strides = array<i32>} : memref<32x768xf32, #tpu.memory_space<vmem>>, vector<1x16xf32>,
      %get3A_511 = arith.index_cast %scan3A_224 : i32 to index
      %get3A_512 = arith.constant 512 : index
      %get3A_513 = tpu.vector_load %arg10[%get3A_511, %get3A_512] {strides = array<i32>} : memref<32x768xf32, #tpu.memory_space<vmem>>, vector<1x16xf32>,
      %get3A_514 = vector.shape_cast %get3A_513 : vector<1x16xf32> to vector<16xf32>
      %swap3A_515 = arith.index_cast %scan3A_224 : i32 to index
      %swap3A_516 = arith.constant 512 : index
      %swap3A_517 = tpu.vector_load %arg9[%swap3A_515, %swap3A_516] {strides = array<i32>} : memref<32x768xf32, #tpu.memory_space<vmem>>, vector<1x16xf32>,
      %swap3A_518 = vector.shape_cast %swap3A_517 : vector<1x16xf32> to vector<16xf32>
      %swap3A_519 = vector.shape_cast %get3A_514 : vector<16xf32> to vector<1x16xf32>
      tpu.vector_store %arg9[%swap3A_515, %swap3A_516], %swap3A_519 {add = true, strides = array<i32>} : memref<32x768xf32, #tpu.memory_space<vmem>>, vector<1x16xf32>,
      %get3A_520 = arith.index_cast %scan3A_224 : i32 to index
      %get3A_521 = arith.constant 528 : index
      %get3A_522 = tpu.vector_load %arg10[%get3A_520, %get3A_521] {strides = array<i32>} : memref<32x768xf32, #tpu.memory_space<vmem>>, vector<1x16xf32>,
      %get3A_523 = vector.shape_cast %get3A_522 : vector<1x16xf32> to vector<16xf32>
      %swap3A_524 = arith.index_cast %scan3A_224 : i32 to index
      %swap3A_525 = arith.constant 528 : index
      %swap3A_526 = tpu.vector_load %arg9[%swap3A_524, %swap3A_525] {strides = array<i32>} : memref<32x768xf32, #tpu.memory_space<vmem>>, vector<1x16xf32>,
      %swap3A_527 = vector.shape_cast %swap3A_526 : vector<1x16xf32> to vector<16xf32>
      %swap3A_528 = vector.shape_cast %get3A_523 : vector<16xf32> to vector<1x16xf32>
      tpu.vector_store %arg9[%swap3A_524, %swap3A_525], %swap3A_528 {add = true, strides = array<i32>} : memref<32x768xf32, #tpu.memory_space<vmem>>, vector<1x16xf32>,
      %get3A_529 = arith.index_cast %scan3A_224 : i32 to index
      %get3A_530 = arith.constant 544 : index
      %get3A_531 = tpu.vector_load %arg10[%get3A_529, %get3A_530] {strides = array<i32>} : memref<32x768xf32, #tpu.memory_space<vmem>>, vector<1x16xf32>,
      %get3A_532 = vector.shape_cast %get3A_531 : vector<1x16xf32> to vector<16xf32>
      %swap3A_533 = arith.index_cast %scan3A_224 : i32 to index
      %swap3A_534 = arith.constant 544 : index
      %swap3A_535 = tpu.vector_load %arg9[%swap3A_533, %swap3A_534] {strides = array<i32>} : memref<32x768xf32, #tpu.memory_space<vmem>>, vector<1x16xf32>,
      %swap3A_536 = vector.shape_cast %swap3A_535 : vector<1x16xf32> to vector<16xf32>
      %swap3A_537 = vector.shape_cast %get3A_532 : vector<16xf32> to vector<1x16xf32>
      tpu.vector_store %arg9[%swap3A_533, %swap3A_534], %swap3A_537 {add = true, strides = array<i32>} : memref<32x768xf32, #tpu.memory_space<vmem>>, vector<1x16xf32>,
      %get3A_538 = arith.index_cast %scan3A_224 : i32 to index
      %get3A_539 = arith.constant 560 : index
      %get3A_540 = tpu.vector_load %arg10[%get3A_538, %get3A_539] {strides = array<i32>} : memref<32x768xf32, #tpu.memory_space<vmem>>, vector<1x16xf32>,
      %get3A_541 = vector.shape_cast %get3A_540 : vector<1x16xf32> to vector<16xf32>
      %swap3A_542 = arith.index_cast %scan3A_224 : i32 to index
      %swap3A_543 = arith.constant 560 : index
      %swap3A_544 = tpu.vector_load %arg9[%swap3A_542, %swap3A_543] {strides = array<i32>} : memref<32x768xf32, #tpu.memory_space<vmem>>, vector<1x16xf32>,
      %swap3A_545 = vector.shape_cast %swap3A_544 : vector<1x16xf32> to vector<16xf32>
      %swap3A_546 = vector.shape_cast %get3A_541 : vector<16xf32> to vector<1x16xf32>
      tpu.vector_store %arg9[%swap3A_542, %swap3A_543], %swap3A_546 {add = true, strides = array<i32>} : memref<32x768xf32, #tpu.memory_space<vmem>>, vector<1x16xf32>,
      %get3A_547 = arith.index_cast %scan3A_224 : i32 to index
      %get3A_548 = arith.constant 576 : index
      %get3A_549 = tpu.vector_load %arg10[%get3A_547, %get3A_548] {strides = array<i32>} : memref<32x768xf32, #tpu.memory_space<vmem>>, vector<1x16xf32>,
      %get3A_550 = vector.shape_cast %get3A_549 : vector<1x16xf32> to vector<16xf32>
      %swap3A_551 = arith.index_cast %scan3A_224 : i32 to index
      %swap3A_552 = arith.constant 576 : index
      %swap3A_553 = tpu.vector_load %arg9[%swap3A_551, %swap3A_552] {strides = array<i32>} : memref<32x768xf32, #tpu.memory_space<vmem>>, vector<1x16xf32>,
      %swap3A_554 = vector.shape_cast %swap3A_553 : vector<1x16xf32> to vector<16xf32>
      %swap3A_555 = vector.shape_cast %get3A_550 : vector<16xf32> to vector<1x16xf32>
      tpu.vector_store %arg9[%swap3A_551, %swap3A_552], %swap3A_555 {add = true, strides = array<i32>} : memref<32x768xf32, #tpu.memory_space<vmem>>, vector<1x16xf32>,
      %get3A_556 = arith.index_cast %scan3A_224 : i32 to index
      %get3A_557 = arith.constant 592 : index
      %get3A_558 = tpu.vector_load %arg10[%get3A_556, %get3A_557] {strides = array<i32>} : memref<32x768xf32, #tpu.memory_space<vmem>>, vector<1x16xf32>,
      %get3A_559 = vector.shape_cast %get3A_558 : vector<1x16xf32> to vector<16xf32>
      %swap3A_560 = arith.index_cast %scan3A_224 : i32 to index
      %swap3A_561 = arith.constant 592 : index
      %swap3A_562 = tpu.vector_load %arg9[%swap3A_560, %swap3A_561] {strides = array<i32>} : memref<32x768xf32, #tpu.memory_space<vmem>>, vector<1x16xf32>,
      %swap3A_563 = vector.shape_cast %swap3A_562 : vector<1x16xf32> to vector<16xf32>
      %swap3A_564 = vector.shape_cast %get3A_559 : vector<16xf32> to vector<1x16xf32>
      tpu.vector_store %arg9[%swap3A_560, %swap3A_561], %swap3A_564 {add = true, strides = array<i32>} : memref<32x768xf32, #tpu.memory_space<vmem>>, vector<1x16xf32>,
      %get3A_565 = arith.index_cast %scan3A_224 : i32 to index
      %get3A_566 = arith.constant 608 : index
      %get3A_567 = tpu.vector_load %arg10[%get3A_565, %get3A_566] {strides = array<i32>} : memref<32x768xf32, #tpu.memory_space<vmem>>, vector<1x16xf32>,
      %get3A_568 = vector.shape_cast %get3A_567 : vector<1x16xf32> to vector<16xf32>
      %swap3A_569 = arith.index_cast %scan3A_224 : i32 to index
      %swap3A_570 = arith.constant 608 : index
      %swap3A_571 = tpu.vector_load %arg9[%swap3A_569, %swap3A_570] {strides = array<i32>} : memref<32x768xf32, #tpu.memory_space<vmem>>, vector<1x16xf32>,
      %swap3A_572 = vector.shape_cast %swap3A_571 : vector<1x16xf32> to vector<16xf32>
      %swap3A_573 = vector.shape_cast %get3A_568 : vector<16xf32> to vector<1x16xf32>
      tpu.vector_store %arg9[%swap3A_569, %swap3A_570], %swap3A_573 {add = true, strides = array<i32>} : memref<32x768xf32, #tpu.memory_space<vmem>>, vector<1x16xf32>,
      %get3A_574 = arith.index_cast %scan3A_224 : i32 to index
      %get3A_575 = arith.constant 624 : index
      %get3A_576 = tpu.vector_load %arg10[%get3A_574, %get3A_575] {strides = array<i32>} : memref<32x768xf32, #tpu.memory_space<vmem>>, vector<1x16xf32>,
      %get3A_577 = vector.shape_cast %get3A_576 : vector<1x16xf32> to vector<16xf32>
      %swap3A_578 = arith.index_cast %scan3A_224 : i32 to index
      %swap3A_579 = arith.constant 624 : index
      %swap3A_580 = tpu.vector_load %arg9[%swap3A_578, %swap3A_579] {strides = array<i32>} : memref<32x768xf32, #tpu.memory_space<vmem>>, vector<1x16xf32>,
      %swap3A_581 = vector.shape_cast %swap3A_580 : vector<1x16xf32> to vector<16xf32>
      %swap3A_582 = vector.shape_cast %get3A_577 : vector<16xf32> to vector<1x16xf32>
      tpu.vector_store %arg9[%swap3A_578, %swap3A_579], %swap3A_582 {add = true, strides = array<i32>} : memref<32x768xf32, #tpu.memory_space<vmem>>, vector<1x16xf32>,
      %get3A_583 = arith.index_cast %scan3A_224 : i32 to index
      %get3A_584 = arith.constant 640 : index
      %get3A_585 = tpu.vector_load %arg10[%get3A_583, %get3A_584] {strides = array<i32>} : memref<32x768xf32, #tpu.memory_space<vmem>>, vector<1x16xf32>,
      %get3A_586 = vector.shape_cast %get3A_585 : vector<1x16xf32> to vector<16xf32>
      %swap3A_587 = arith.index_cast %scan3A_224 : i32 to index
      %swap3A_588 = arith.constant 640 : index
      %swap3A_589 = tpu.vector_load %arg9[%swap3A_587, %swap3A_588] {strides = array<i32>} : memref<32x768xf32, #tpu.memory_space<vmem>>, vector<1x16xf32>,
      %swap3A_590 = vector.shape_cast %swap3A_589 : vector<1x16xf32> to vector<16xf32>
      %swap3A_591 = vector.shape_cast %get3A_586 : vector<16xf32> to vector<1x16xf32>
      tpu.vector_store %arg9[%swap3A_587, %swap3A_588], %swap3A_591 {add = true, strides = array<i32>} : memref<32x768xf32, #tpu.memory_space<vmem>>, vector<1x16xf32>,
      %get3A_592 = arith.index_cast %scan3A_224 : i32 to index
      %get3A_593 = arith.constant 656 : index
      %get3A_594 = tpu.vector_load %arg10[%get3A_592, %get3A_593] {strides = array<i32>} : memref<32x768xf32, #tpu.memory_space<vmem>>, vector<1x16xf32>,
      %get3A_595 = vector.shape_cast %get3A_594 : vector<1x16xf32> to vector<16xf32>
      %swap3A_596 = arith.index_cast %scan3A_224 : i32 to index
      %swap3A_597 = arith.constant 656 : index
      %swap3A_598 = tpu.vector_load %arg9[%swap3A_596, %swap3A_597] {strides = array<i32>} : memref<32x768xf32, #tpu.memory_space<vmem>>, vector<1x16xf32>,
      %swap3A_599 = vector.shape_cast %swap3A_598 : vector<1x16xf32> to vector<16xf32>
      %swap3A_600 = vector.shape_cast %get3A_595 : vector<16xf32> to vector<1x16xf32>
      tpu.vector_store %arg9[%swap3A_596, %swap3A_597], %swap3A_600 {add = true, strides = array<i32>} : memref<32x768xf32, #tpu.memory_space<vmem>>, vector<1x16xf32>,
      %get3A_601 = arith.index_cast %scan3A_224 : i32 to index
      %get3A_602 = arith.constant 672 : index
      %get3A_603 = tpu.vector_load %arg10[%get3A_601, %get3A_602] {strides = array<i32>} : memref<32x768xf32, #tpu.memory_space<vmem>>, vector<1x16xf32>,
      %get3A_604 = vector.shape_cast %get3A_603 : vector<1x16xf32> to vector<16xf32>
      %swap3A_605 = arith.index_cast %scan3A_224 : i32 to index
      %swap3A_606 = arith.constant 672 : index
      %swap3A_607 = tpu.vector_load %arg9[%swap3A_605, %swap3A_606] {strides = array<i32>} : memref<32x768xf32, #tpu.memory_space<vmem>>, vector<1x16xf32>,
      %swap3A_608 = vector.shape_cast %swap3A_607 : vector<1x16xf32> to vector<16xf32>
      %swap3A_609 = vector.shape_cast %get3A_604 : vector<16xf32> to vector<1x16xf32>
      tpu.vector_store %arg9[%swap3A_605, %swap3A_606], %swap3A_609 {add = true, strides = array<i32>} : memref<32x768xf32, #tpu.memory_space<vmem>>, vector<1x16xf32>,
      %get3A_610 = arith.index_cast %scan3A_224 : i32 to index
      %get3A_611 = arith.constant 688 : index
      %get3A_612 = tpu.vector_load %arg10[%get3A_610, %get3A_611] {strides = array<i32>} : memref<32x768xf32, #tpu.memory_space<vmem>>, vector<1x16xf32>,
      %get3A_613 = vector.shape_cast %get3A_612 : vector<1x16xf32> to vector<16xf32>
      %swap3A_614 = arith.index_cast %scan3A_224 : i32 to index
      %swap3A_615 = arith.constant 688 : index
      %swap3A_616 = tpu.vector_load %arg9[%swap3A_614, %swap3A_615] {strides = array<i32>} : memref<32x768xf32, #tpu.memory_space<vmem>>, vector<1x16xf32>,
      %swap3A_617 = vector.shape_cast %swap3A_616 : vector<1x16xf32> to vector<16xf32>
      %swap3A_618 = vector.shape_cast %get3A_613 : vector<16xf32> to vector<1x16xf32>
      tpu.vector_store %arg9[%swap3A_614, %swap3A_615], %swap3A_618 {add = true, strides = array<i32>} : memref<32x768xf32, #tpu.memory_space<vmem>>, vector<1x16xf32>,
      %get3A_619 = arith.index_cast %scan3A_224 : i32 to index
      %get3A_620 = arith.constant 704 : index
      %get3A_621 = tpu.vector_load %arg10[%get3A_619, %get3A_620] {strides = array<i32>} : memref<32x768xf32, #tpu.memory_space<vmem>>, vector<1x16xf32>,
      %get3A_622 = vector.shape_cast %get3A_621 : vector<1x16xf32> to vector<16xf32>
      %swap3A_623 = arith.index_cast %scan3A_224 : i32 to index
      %swap3A_624 = arith.constant 704 : index
      %swap3A_625 = tpu.vector_load %arg9[%swap3A_623, %swap3A_624] {strides = array<i32>} : memref<32x768xf32, #tpu.memory_space<vmem>>, vector<1x16xf32>,
      %swap3A_626 = vector.shape_cast %swap3A_625 : vector<1x16xf32> to vector<16xf32>
      %swap3A_627 = vector.shape_cast %get3A_622 : vector<16xf32> to vector<1x16xf32>
      tpu.vector_store %arg9[%swap3A_623, %swap3A_624], %swap3A_627 {add = true, strides = array<i32>} : memref<32x768xf32, #tpu.memory_space<vmem>>, vector<1x16xf32>,
      %get3A_628 = arith.index_cast %scan3A_224 : i32 to index
      %get3A_629 = arith.constant 720 : index
      %get3A_630 = tpu.vector_load %arg10[%get3A_628, %get3A_629] {strides = array<i32>} : memref<32x768xf32, #tpu.memory_space<vmem>>, vector<1x16xf32>,
      %get3A_631 = vector.shape_cast %get3A_630 : vector<1x16xf32> to vector<16xf32>
      %swap3A_632 = arith.index_cast %scan3A_224 : i32 to index
      %swap3A_633 = arith.constant 720 : index
      %swap3A_634 = tpu.vector_load %arg9[%swap3A_632, %swap3A_633] {strides = array<i32>} : memref<32x768xf32, #tpu.memory_space<vmem>>, vector<1x16xf32>,
      %swap3A_635 = vector.shape_cast %swap3A_634 : vector<1x16xf32> to vector<16xf32>
      %swap3A_636 = vector.shape_cast %get3A_631 : vector<16xf32> to vector<1x16xf32>
      tpu.vector_store %arg9[%swap3A_632, %swap3A_633], %swap3A_636 {add = true, strides = array<i32>} : memref<32x768xf32, #tpu.memory_space<vmem>>, vector<1x16xf32>,
      %get3A_637 = arith.index_cast %scan3A_224 : i32 to index
      %get3A_638 = arith.constant 736 : index
      %get3A_639 = tpu.vector_load %arg10[%get3A_637, %get3A_638] {strides = array<i32>} : memref<32x768xf32, #tpu.memory_space<vmem>>, vector<1x16xf32>,
      %get3A_640 = vector.shape_cast %get3A_639 : vector<1x16xf32> to vector<16xf32>
      %swap3A_641 = arith.index_cast %scan3A_224 : i32 to index
      %swap3A_642 = arith.constant 736 : index
      %swap3A_643 = tpu.vector_load %arg9[%swap3A_641, %swap3A_642] {strides = array<i32>} : memref<32x768xf32, #tpu.memory_space<vmem>>, vector<1x16xf32>,
      %swap3A_644 = vector.shape_cast %swap3A_643 : vector<1x16xf32> to vector<16xf32>
      %swap3A_645 = vector.shape_cast %get3A_640 : vector<16xf32> to vector<1x16xf32>
      tpu.vector_store %arg9[%swap3A_641, %swap3A_642], %swap3A_645 {add = true, strides = array<i32>} : memref<32x768xf32, #tpu.memory_space<vmem>>, vector<1x16xf32>,
      %get3A_646 = arith.index_cast %scan3A_224 : i32 to index
      %get3A_647 = arith.constant 752 : index
      %get3A_648 = tpu.vector_load %arg10[%get3A_646, %get3A_647] {strides = array<i32>} : memref<32x768xf32, #tpu.memory_space<vmem>>, vector<1x16xf32>,
      %get3A_649 = vector.shape_cast %get3A_648 : vector<1x16xf32> to vector<16xf32>
      %swap3A_650 = arith.index_cast %scan3A_224 : i32 to index
      %swap3A_651 = arith.constant 752 : index
      %swap3A_652 = tpu.vector_load %arg9[%swap3A_650, %swap3A_651] {strides = array<i32>} : memref<32x768xf32, #tpu.memory_space<vmem>>, vector<1x16xf32>,
      %swap3A_653 = vector.shape_cast %swap3A_652 : vector<1x16xf32> to vector<16xf32>
      %swap3A_654 = vector.shape_cast %get3A_649 : vector<16xf32> to vector<1x16xf32>
      tpu.vector_store %arg9[%swap3A_650, %swap3A_651], %swap3A_654 {add = true, strides = array<i32>} : memref<32x768xf32, #tpu.memory_space<vmem>>, vector<1x16xf32>,
    }
    %scan3A_186 = arith.constant 32 : i32
    %add3A_187 = arith.constant 2048 : i32
    %add3A_188 = arith.addi %add3A_187, %mul3A_2 : i32
    %dma_start3A_189 = arith.constant 0 : i32
    %dma_start3A_190 = tpu.memref_slice %arg5[%add3A_188, %dma_start3A_189] : memref<4096x768xf32, #tpu.memory_space<hbm>> -> memref<32x768xf32, #tpu.memory_space<hbm>>
    %dma_start3A_191 = arith.constant 0 : i32
    %dma_start3A_192 = tpu.memref_slice %arg5[%add3A_188, %dma_start3A_191] : memref<4096x768xf32, #tpu.memory_space<hbm>> -> memref<32x768xf32, #tpu.memory_space<hbm>>
    tpu.enqueue_dma source(%arg9 : memref<32x768xf32, #tpu.memory_space<vmem>>) target(%dma_start3A_192 : memref<32x768xf32, #tpu.memory_space<hbm>>) target_semaphore(%arg16 : memref<!tpu.dma_semaphore, #tpu.memory_space<semaphore_mem>>)
    %dma_wait3A_193 = arith.constant 3 : i32
    %dma_wait3A_194 = arith.constant 0 : i32
    %dma_wait3A_195 = tpu.memref_slice %arg6[%dma_wait3A_193, %dma_wait3A_194] : memref<4x32xi32, #tpu.memory_space<vmem>> -> memref<1x32xi32, #tpu.memory_space<vmem>>
    %dma_wait3A_196 = tpu.memref_squeeze %dma_wait3A_195 : memref<1x32xi32, #tpu.memory_space<vmem>> -> memref<32xi32, #tpu.memory_space<vmem>>
    %dma_wait3A_197 = arith.constant 0 : i32
    %dma_wait3A_198 = arith.constant 0 : i32
    %dma_wait3A_199 = tpu.memref_slice %arg3[%dma_wait3A_197, %dma_wait3A_198] : memref<50257x768xf32, #tpu.memory_space<hbm>> -> memref<50257x768xf32, #tpu.memory_space<hbm>>
    tpu.wait_indirect_dma semaphore(%arg11 : memref<!tpu.dma_semaphore, #tpu.memory_space<semaphore_mem>>) src(%dma_wait3A_199 : memref<50257x768xf32, #tpu.memory_space<hbm>>) dst(%arg7 : memref<32x768xf32, #tpu.memory_space<vmem>>)
    %scan3A_200 = arith.constant 0 : i32
    %scan3A_201 = arith.constant 0 : i32
    %scan3A_202 = arith.constant 32 : i32
    %scan3A_203 = arith.addi %scan3A_201, %scan3A_202 : i32
    %scan3A_204 = arith.constant 1 : i32
    scf.for %scan3A_224 = %scan3A_201 to %scan3A_203 step %scan3A_204  : i32 {
      %get3A = arith.index_cast %scan3A_224 : i32 to index
      %get3A_225 = arith.constant 0 : index
      %get3A_226 = tpu.vector_load %arg10[%get3A, %get3A_225] {strides = array<i32>} : memref<32x768xf32, #tpu.memory_space<vmem>>, vector<1x16xf32>,
      %get3A_227 = vector.shape_cast %get3A_226 : vector<1x16xf32> to vector<16xf32>
      %swap3A = arith.index_cast %scan3A_224 : i32 to index
      %swap3A_228 = arith.constant 0 : index
      %swap3A_229 = tpu.vector_load %arg7[%swap3A, %swap3A_228] {strides = array<i32>} : memref<32x768xf32, #tpu.memory_space<vmem>>, vector<1x16xf32>,
      %swap3A_230 = vector.shape_cast %swap3A_229 : vector<1x16xf32> to vector<16xf32>
      %swap3A_231 = vector.shape_cast %get3A_227 : vector<16xf32> to vector<1x16xf32>
      tpu.vector_store %arg7[%swap3A, %swap3A_228], %swap3A_231 {add = true, strides = array<i32>} : memref<32x768xf32, #tpu.memory_space<vmem>>, vector<1x16xf32>,
      %get3A_232 = arith.index_cast %scan3A_224 : i32 to index
      %get3A_233 = arith.constant 16 : index
      %get3A_234 = tpu.vector_load %arg10[%get3A_232, %get3A_233] {strides = array<i32>} : memref<32x768xf32, #tpu.memory_space<vmem>>, vector<1x16xf32>,
      %get3A_235 = vector.shape_cast %get3A_234 : vector<1x16xf32> to vector<16xf32>
      %swap3A_236 = arith.index_cast %scan3A_224 : i32 to index
      %swap3A_237 = arith.constant 16 : index
      %swap3A_238 = tpu.vector_load %arg7[%swap3A_236, %swap3A_237] {strides = array<i32>} : memref<32x768xf32, #tpu.memory_space<vmem>>, vector<1x16xf32>,
      %swap3A_239 = vector.shape_cast %swap3A_238 : vector<1x16xf32> to vector<16xf32>
      %swap3A_240 = vector.shape_cast %get3A_235 : vector<16xf32> to vector<1x16xf32>
      tpu.vector_store %arg7[%swap3A_236, %swap3A_237], %swap3A_240 {add = true, strides = array<i32>} : memref<32x768xf32, #tpu.memory_space<vmem>>, vector<1x16xf32>,
      %get3A_241 = arith.index_cast %scan3A_224 : i32 to index
      %get3A_242 = arith.constant 32 : index
      %get3A_243 = tpu.vector_load %arg10[%get3A_241, %get3A_242] {strides = array<i32>} : memref<32x768xf32, #tpu.memory_space<vmem>>, vector<1x16xf32>,
      %get3A_244 = vector.shape_cast %get3A_243 : vector<1x16xf32> to vector<16xf32>
      %swap3A_245 = arith.index_cast %scan3A_224 : i32 to index
      %swap3A_246 = arith.constant 32 : index
      %swap3A_247 = tpu.vector_load %arg7[%swap3A_245, %swap3A_246] {strides = array<i32>} : memref<32x768xf32, #tpu.memory_space<vmem>>, vector<1x16xf32>,
      %swap3A_248 = vector.shape_cast %swap3A_247 : vector<1x16xf32> to vector<16xf32>
      %swap3A_249 = vector.shape_cast %get3A_244 : vector<16xf32> to vector<1x16xf32>
      tpu.vector_store %arg7[%swap3A_245, %swap3A_246], %swap3A_249 {add = true, strides = array<i32>} : memref<32x768xf32, #tpu.memory_space<vmem>>, vector<1x16xf32>,
      %get3A_250 = arith.index_cast %scan3A_224 : i32 to index
      %get3A_251 = arith.constant 48 : index
      %get3A_252 = tpu.vector_load %arg10[%get3A_250, %get3A_251] {strides = array<i32>} : memref<32x768xf32, #tpu.memory_space<vmem>>, vector<1x16xf32>,
      %get3A_253 = vector.shape_cast %get3A_252 : vector<1x16xf32> to vector<16xf32>
      %swap3A_254 = arith.index_cast %scan3A_224 : i32 to index
      %swap3A_255 = arith.constant 48 : index
      %swap3A_256 = tpu.vector_load %arg7[%swap3A_254, %swap3A_255] {strides = array<i32>} : memref<32x768xf32, #tpu.memory_space<vmem>>, vector<1x16xf32>,
      %swap3A_257 = vector.shape_cast %swap3A_256 : vector<1x16xf32> to vector<16xf32>
      %swap3A_258 = vector.shape_cast %get3A_253 : vector<16xf32> to vector<1x16xf32>
      tpu.vector_store %arg7[%swap3A_254, %swap3A_255], %swap3A_258 {add = true, strides = array<i32>} : memref<32x768xf32, #tpu.memory_space<vmem>>, vector<1x16xf32>,
      %get3A_259 = arith.index_cast %scan3A_224 : i32 to index
      %get3A_260 = arith.constant 64 : index
      %get3A_261 = tpu.vector_load %arg10[%get3A_259, %get3A_260] {strides = array<i32>} : memref<32x768xf32, #tpu.memory_space<vmem>>, vector<1x16xf32>,
      %get3A_262 = vector.shape_cast %get3A_261 : vector<1x16xf32> to vector<16xf32>
      %swap3A_263 = arith.index_cast %scan3A_224 : i32 to index
      %swap3A_264 = arith.constant 64 : index
      %swap3A_265 = tpu.vector_load %arg7[%swap3A_263, %swap3A_264] {strides = array<i32>} : memref<32x768xf32, #tpu.memory_space<vmem>>, vector<1x16xf32>,
      %swap3A_266 = vector.shape_cast %swap3A_265 : vector<1x16xf32> to vector<16xf32>
      %swap3A_267 = vector.shape_cast %get3A_262 : vector<16xf32> to vector<1x16xf32>
      tpu.vector_store %arg7[%swap3A_263, %swap3A_264], %swap3A_267 {add = true, strides = array<i32>} : memref<32x768xf32, #tpu.memory_space<vmem>>, vector<1x16xf32>,
      %get3A_268 = arith.index_cast %scan3A_224 : i32 to index
      %get3A_269 = arith.constant 80 : index
      %get3A_270 = tpu.vector_load %arg10[%get3A_268, %get3A_269] {strides = array<i32>} : memref<32x768xf32, #tpu.memory_space<vmem>>, vector<1x16xf32>,
      %get3A_271 = vector.shape_cast %get3A_270 : vector<1x16xf32> to vector<16xf32>
      %swap3A_272 = arith.index_cast %scan3A_224 : i32 to index
      %swap3A_273 = arith.constant 80 : index
      %swap3A_274 = tpu.vector_load %arg7[%swap3A_272, %swap3A_273] {strides = array<i32>} : memref<32x768xf32, #tpu.memory_space<vmem>>, vector<1x16xf32>,
      %swap3A_275 = vector.shape_cast %swap3A_274 : vector<1x16xf32> to vector<16xf32>
      %swap3A_276 = vector.shape_cast %get3A_271 : vector<16xf32> to vector<1x16xf32>
      tpu.vector_store %arg7[%swap3A_272, %swap3A_273], %swap3A_276 {add = true, strides = array<i32>} : memref<32x768xf32, #tpu.memory_space<vmem>>, vector<1x16xf32>,
      %get3A_277 = arith.index_cast %scan3A_224 : i32 to index
      %get3A_278 = arith.constant 96 : index
      %get3A_279 = tpu.vector_load %arg10[%get3A_277, %get3A_278] {strides = array<i32>} : memref<32x768xf32, #tpu.memory_space<vmem>>, vector<1x16xf32>,
      %get3A_280 = vector.shape_cast %get3A_279 : vector<1x16xf32> to vector<16xf32>
      %swap3A_281 = arith.index_cast %scan3A_224 : i32 to index
      %swap3A_282 = arith.constant 96 : index
      %swap3A_283 = tpu.vector_load %arg7[%swap3A_281, %swap3A_282] {strides = array<i32>} : memref<32x768xf32, #tpu.memory_space<vmem>>, vector<1x16xf32>,
      %swap3A_284 = vector.shape_cast %swap3A_283 : vector<1x16xf32> to vector<16xf32>
      %swap3A_285 = vector.shape_cast %get3A_280 : vector<16xf32> to vector<1x16xf32>
      tpu.vector_store %arg7[%swap3A_281, %swap3A_282], %swap3A_285 {add = true, strides = array<i32>} : memref<32x768xf32, #tpu.memory_space<vmem>>, vector<1x16xf32>,
      %get3A_286 = arith.index_cast %scan3A_224 : i32 to index
      %get3A_287 = arith.constant 112 : index
      %get3A_288 = tpu.vector_load %arg10[%get3A_286, %get3A_287] {strides = array<i32>} : memref<32x768xf32, #tpu.memory_space<vmem>>, vector<1x16xf32>,
      %get3A_289 = vector.shape_cast %get3A_288 : vector<1x16xf32> to vector<16xf32>
      %swap3A_290 = arith.index_cast %scan3A_224 : i32 to index
      %swap3A_291 = arith.constant 112 : index
      %swap3A_292 = tpu.vector_load %arg7[%swap3A_290, %swap3A_291] {strides = array<i32>} : memref<32x768xf32, #tpu.memory_space<vmem>>, vector<1x16xf32>,
      %swap3A_293 = vector.shape_cast %swap3A_292 : vector<1x16xf32> to vector<16xf32>
      %swap3A_294 = vector.shape_cast %get3A_289 : vector<16xf32> to vector<1x16xf32>
      tpu.vector_store %arg7[%swap3A_290, %swap3A_291], %swap3A_294 {add = true, strides = array<i32>} : memref<32x768xf32, #tpu.memory_space<vmem>>, vector<1x16xf32>,
      %get3A_295 = arith.index_cast %scan3A_224 : i32 to index
      %get3A_296 = arith.constant 128 : index
      %get3A_297 = tpu.vector_load %arg10[%get3A_295, %get3A_296] {strides = array<i32>} : memref<32x768xf32, #tpu.memory_space<vmem>>, vector<1x16xf32>,
      %get3A_298 = vector.shape_cast %get3A_297 : vector<1x16xf32> to vector<16xf32>
      %swap3A_299 = arith.index_cast %scan3A_224 : i32 to index
      %swap3A_300 = arith.constant 128 : index
      %swap3A_301 = tpu.vector_load %arg7[%swap3A_299, %swap3A_300] {strides = array<i32>} : memref<32x768xf32, #tpu.memory_space<vmem>>, vector<1x16xf32>,
      %swap3A_302 = vector.shape_cast %swap3A_301 : vector<1x16xf32> to vector<16xf32>
      %swap3A_303 = vector.shape_cast %get3A_298 : vector<16xf32> to vector<1x16xf32>
      tpu.vector_store %arg7[%swap3A_299, %swap3A_300], %swap3A_303 {add = true, strides = array<i32>} : memref<32x768xf32, #tpu.memory_space<vmem>>, vector<1x16xf32>,
      %get3A_304 = arith.index_cast %scan3A_224 : i32 to index
      %get3A_305 = arith.constant 144 : index
      %get3A_306 = tpu.vector_load %arg10[%get3A_304, %get3A_305] {strides = array<i32>} : memref<32x768xf32, #tpu.memory_space<vmem>>, vector<1x16xf32>,
      %get3A_307 = vector.shape_cast %get3A_306 : vector<1x16xf32> to vector<16xf32>
      %swap3A_308 = arith.index_cast %scan3A_224 : i32 to index
      %swap3A_309 = arith.constant 144 : index
      %swap3A_310 = tpu.vector_load %arg7[%swap3A_308, %swap3A_309] {strides = array<i32>} : memref<32x768xf32, #tpu.memory_space<vmem>>, vector<1x16xf32>,
      %swap3A_311 = vector.shape_cast %swap3A_310 : vector<1x16xf32> to vector<16xf32>
      %swap3A_312 = vector.shape_cast %get3A_307 : vector<16xf32> to vector<1x16xf32>
      tpu.vector_store %arg7[%swap3A_308, %swap3A_309], %swap3A_312 {add = true, strides = array<i32>} : memref<32x768xf32, #tpu.memory_space<vmem>>, vector<1x16xf32>,
      %get3A_313 = arith.index_cast %scan3A_224 : i32 to index
      %get3A_314 = arith.constant 160 : index
      %get3A_315 = tpu.vector_load %arg10[%get3A_313, %get3A_314] {strides = array<i32>} : memref<32x768xf32, #tpu.memory_space<vmem>>, vector<1x16xf32>,
      %get3A_316 = vector.shape_cast %get3A_315 : vector<1x16xf32> to vector<16xf32>
      %swap3A_317 = arith.index_cast %scan3A_224 : i32 to index
      %swap3A_318 = arith.constant 160 : index
      %swap3A_319 = tpu.vector_load %arg7[%swap3A_317, %swap3A_318] {strides = array<i32>} : memref<32x768xf32, #tpu.memory_space<vmem>>, vector<1x16xf32>,
      %swap3A_320 = vector.shape_cast %swap3A_319 : vector<1x16xf32> to vector<16xf32>
      %swap3A_321 = vector.shape_cast %get3A_316 : vector<16xf32> to vector<1x16xf32>
      tpu.vector_store %arg7[%swap3A_317, %swap3A_318], %swap3A_321 {add = true, strides = array<i32>} : memref<32x768xf32, #tpu.memory_space<vmem>>, vector<1x16xf32>,
      %get3A_322 = arith.index_cast %scan3A_224 : i32 to index
      %get3A_323 = arith.constant 176 : index
      %get3A_324 = tpu.vector_load %arg10[%get3A_322, %get3A_323] {strides = array<i32>} : memref<32x768xf32, #tpu.memory_space<vmem>>, vector<1x16xf32>,
      %get3A_325 = vector.shape_cast %get3A_324 : vector<1x16xf32> to vector<16xf32>
      %swap3A_326 = arith.index_cast %scan3A_224 : i32 to index
      %swap3A_327 = arith.constant 176 : index
      %swap3A_328 = tpu.vector_load %arg7[%swap3A_326, %swap3A_327] {strides = array<i32>} : memref<32x768xf32, #tpu.memory_space<vmem>>, vector<1x16xf32>,
      %swap3A_329 = vector.shape_cast %swap3A_328 : vector<1x16xf32> to vector<16xf32>
      %swap3A_330 = vector.shape_cast %get3A_325 : vector<16xf32> to vector<1x16xf32>
      tpu.vector_store %arg7[%swap3A_326, %swap3A_327], %swap3A_330 {add = true, strides = array<i32>} : memref<32x768xf32, #tpu.memory_space<vmem>>, vector<1x16xf32>,
      %get3A_331 = arith.index_cast %scan3A_224 : i32 to index
      %get3A_332 = arith.constant 192 : index
      %get3A_333 = tpu.vector_load %arg10[%get3A_331, %get3A_332] {strides = array<i32>} : memref<32x768xf32, #tpu.memory_space<vmem>>, vector<1x16xf32>,
      %get3A_334 = vector.shape_cast %get3A_333 : vector<1x16xf32> to vector<16xf32>
      %swap3A_335 = arith.index_cast %scan3A_224 : i32 to index
      %swap3A_336 = arith.constant 192 : index
      %swap3A_337 = tpu.vector_load %arg7[%swap3A_335, %swap3A_336] {strides = array<i32>} : memref<32x768xf32, #tpu.memory_space<vmem>>, vector<1x16xf32>,
      %swap3A_338 = vector.shape_cast %swap3A_337 : vector<1x16xf32> to vector<16xf32>
      %swap3A_339 = vector.shape_cast %get3A_334 : vector<16xf32> to vector<1x16xf32>
      tpu.vector_store %arg7[%swap3A_335, %swap3A_336], %swap3A_339 {add = true, strides = array<i32>} : memref<32x768xf32, #tpu.memory_space<vmem>>, vector<1x16xf32>,
      %get3A_340 = arith.index_cast %scan3A_224 : i32 to index
      %get3A_341 = arith.constant 208 : index
      %get3A_342 = tpu.vector_load %arg10[%get3A_340, %get3A_341] {strides = array<i32>} : memref<32x768xf32, #tpu.memory_space<vmem>>, vector<1x16xf32>,
      %get3A_343 = vector.shape_cast %get3A_342 : vector<1x16xf32> to vector<16xf32>
      %swap3A_344 = arith.index_cast %scan3A_224 : i32 to index
      %swap3A_345 = arith.constant 208 : index
      %swap3A_346 = tpu.vector_load %arg7[%swap3A_344, %swap3A_345] {strides = array<i32>} : memref<32x768xf32, #tpu.memory_space<vmem>>, vector<1x16xf32>,
      %swap3A_347 = vector.shape_cast %swap3A_346 : vector<1x16xf32> to vector<16xf32>
      %swap3A_348 = vector.shape_cast %get3A_343 : vector<16xf32> to vector<1x16xf32>
      tpu.vector_store %arg7[%swap3A_344, %swap3A_345], %swap3A_348 {add = true, strides = array<i32>} : memref<32x768xf32, #tpu.memory_space<vmem>>, vector<1x16xf32>,
      %get3A_349 = arith.index_cast %scan3A_224 : i32 to index
      %get3A_350 = arith.constant 224 : index
      %get3A_351 = tpu.vector_load %arg10[%get3A_349, %get3A_350] {strides = array<i32>} : memref<32x768xf32, #tpu.memory_space<vmem>>, vector<1x16xf32>,
      %get3A_352 = vector.shape_cast %get3A_351 : vector<1x16xf32> to vector<16xf32>
      %swap3A_353 = arith.index_cast %scan3A_224 : i32 to index
      %swap3A_354 = arith.constant 224 : index
      %swap3A_355 = tpu.vector_load %arg7[%swap3A_353, %swap3A_354] {strides = array<i32>} : memref<32x768xf32, #tpu.memory_space<vmem>>, vector<1x16xf32>,
      %swap3A_356 = vector.shape_cast %swap3A_355 : vector<1x16xf32> to vector<16xf32>
      %swap3A_357 = vector.shape_cast %get3A_352 : vector<16xf32> to vector<1x16xf32>
      tpu.vector_store %arg7[%swap3A_353, %swap3A_354], %swap3A_357 {add = true, strides = array<i32>} : memref<32x768xf32, #tpu.memory_space<vmem>>, vector<1x16xf32>,
      %get3A_358 = arith.index_cast %scan3A_224 : i32 to index
      %get3A_359 = arith.constant 240 : index
      %get3A_360 = tpu.vector_load %arg10[%get3A_358, %get3A_359] {strides = array<i32>} : memref<32x768xf32, #tpu.memory_space<vmem>>, vector<1x16xf32>,
      %get3A_361 = vector.shape_cast %get3A_360 : vector<1x16xf32> to vector<16xf32>
      %swap3A_362 = arith.index_cast %scan3A_224 : i32 to index
      %swap3A_363 = arith.constant 240 : index
      %swap3A_364 = tpu.vector_load %arg7[%swap3A_362, %swap3A_363] {strides = array<i32>} : memref<32x768xf32, #tpu.memory_space<vmem>>, vector<1x16xf32>,
      %swap3A_365 = vector.shape_cast %swap3A_364 : vector<1x16xf32> to vector<16xf32>
      %swap3A_366 = vector.shape_cast %get3A_361 : vector<16xf32> to vector<1x16xf32>
      tpu.vector_store %arg7[%swap3A_362, %swap3A_363], %swap3A_366 {add = true, strides = array<i32>} : memref<32x768xf32, #tpu.memory_space<vmem>>, vector<1x16xf32>,
      %get3A_367 = arith.index_cast %scan3A_224 : i32 to index
      %get3A_368 = arith.constant 256 : index
      %get3A_369 = tpu.vector_load %arg10[%get3A_367, %get3A_368] {strides = array<i32>} : memref<32x768xf32, #tpu.memory_space<vmem>>, vector<1x16xf32>,
      %get3A_370 = vector.shape_cast %get3A_369 : vector<1x16xf32> to vector<16xf32>
      %swap3A_371 = arith.index_cast %scan3A_224 : i32 to index
      %swap3A_372 = arith.constant 256 : index
      %swap3A_373 = tpu.vector_load %arg7[%swap3A_371, %swap3A_372] {strides = array<i32>} : memref<32x768xf32, #tpu.memory_space<vmem>>, vector<1x16xf32>,
      %swap3A_374 = vector.shape_cast %swap3A_373 : vector<1x16xf32> to vector<16xf32>
      %swap3A_375 = vector.shape_cast %get3A_370 : vector<16xf32> to vector<1x16xf32>
      tpu.vector_store %arg7[%swap3A_371, %swap3A_372], %swap3A_375 {add = true, strides = array<i32>} : memref<32x768xf32, #tpu.memory_space<vmem>>, vector<1x16xf32>,
      %get3A_376 = arith.index_cast %scan3A_224 : i32 to index
      %get3A_377 = arith.constant 272 : index
      %get3A_378 = tpu.vector_load %arg10[%get3A_376, %get3A_377] {strides = array<i32>} : memref<32x768xf32, #tpu.memory_space<vmem>>, vector<1x16xf32>,
      %get3A_379 = vector.shape_cast %get3A_378 : vector<1x16xf32> to vector<16xf32>
      %swap3A_380 = arith.index_cast %scan3A_224 : i32 to index
      %swap3A_381 = arith.constant 272 : index
      %swap3A_382 = tpu.vector_load %arg7[%swap3A_380, %swap3A_381] {strides = array<i32>} : memref<32x768xf32, #tpu.memory_space<vmem>>, vector<1x16xf32>,
      %swap3A_383 = vector.shape_cast %swap3A_382 : vector<1x16xf32> to vector<16xf32>
      %swap3A_384 = vector.shape_cast %get3A_379 : vector<16xf32> to vector<1x16xf32>
      tpu.vector_store %arg7[%swap3A_380, %swap3A_381], %swap3A_384 {add = true, strides = array<i32>} : memref<32x768xf32, #tpu.memory_space<vmem>>, vector<1x16xf32>,
      %get3A_385 = arith.index_cast %scan3A_224 : i32 to index
      %get3A_386 = arith.constant 288 : index
      %get3A_387 = tpu.vector_load %arg10[%get3A_385, %get3A_386] {strides = array<i32>} : memref<32x768xf32, #tpu.memory_space<vmem>>, vector<1x16xf32>,
      %get3A_388 = vector.shape_cast %get3A_387 : vector<1x16xf32> to vector<16xf32>
      %swap3A_389 = arith.index_cast %scan3A_224 : i32 to index
      %swap3A_390 = arith.constant 288 : index
      %swap3A_391 = tpu.vector_load %arg7[%swap3A_389, %swap3A_390] {strides = array<i32>} : memref<32x768xf32, #tpu.memory_space<vmem>>, vector<1x16xf32>,
      %swap3A_392 = vector.shape_cast %swap3A_391 : vector<1x16xf32> to vector<16xf32>
      %swap3A_393 = vector.shape_cast %get3A_388 : vector<16xf32> to vector<1x16xf32>
      tpu.vector_store %arg7[%swap3A_389, %swap3A_390], %swap3A_393 {add = true, strides = array<i32>} : memref<32x768xf32, #tpu.memory_space<vmem>>, vector<1x16xf32>,
      %get3A_394 = arith.index_cast %scan3A_224 : i32 to index
      %get3A_395 = arith.constant 304 : index
      %get3A_396 = tpu.vector_load %arg10[%get3A_394, %get3A_395] {strides = array<i32>} : memref<32x768xf32, #tpu.memory_space<vmem>>, vector<1x16xf32>,
      %get3A_397 = vector.shape_cast %get3A_396 : vector<1x16xf32> to vector<16xf32>
      %swap3A_398 = arith.index_cast %scan3A_224 : i32 to index
      %swap3A_399 = arith.constant 304 : index
      %swap3A_400 = tpu.vector_load %arg7[%swap3A_398, %swap3A_399] {strides = array<i32>} : memref<32x768xf32, #tpu.memory_space<vmem>>, vector<1x16xf32>,
      %swap3A_401 = vector.shape_cast %swap3A_400 : vector<1x16xf32> to vector<16xf32>
      %swap3A_402 = vector.shape_cast %get3A_397 : vector<16xf32> to vector<1x16xf32>
      tpu.vector_store %arg7[%swap3A_398, %swap3A_399], %swap3A_402 {add = true, strides = array<i32>} : memref<32x768xf32, #tpu.memory_space<vmem>>, vector<1x16xf32>,
      %get3A_403 = arith.index_cast %scan3A_224 : i32 to index
      %get3A_404 = arith.constant 320 : index
      %get3A_405 = tpu.vector_load %arg10[%get3A_403, %get3A_404] {strides = array<i32>} : memref<32x768xf32, #tpu.memory_space<vmem>>, vector<1x16xf32>,
      %get3A_406 = vector.shape_cast %get3A_405 : vector<1x16xf32> to vector<16xf32>
      %swap3A_407 = arith.index_cast %scan3A_224 : i32 to index
      %swap3A_408 = arith.constant 320 : index
      %swap3A_409 = tpu.vector_load %arg7[%swap3A_407, %swap3A_408] {strides = array<i32>} : memref<32x768xf32, #tpu.memory_space<vmem>>, vector<1x16xf32>,
      %swap3A_410 = vector.shape_cast %swap3A_409 : vector<1x16xf32> to vector<16xf32>
      %swap3A_411 = vector.shape_cast %get3A_406 : vector<16xf32> to vector<1x16xf32>
      tpu.vector_store %arg7[%swap3A_407, %swap3A_408], %swap3A_411 {add = true, strides = array<i32>} : memref<32x768xf32, #tpu.memory_space<vmem>>, vector<1x16xf32>,
      %get3A_412 = arith.index_cast %scan3A_224 : i32 to index
      %get3A_413 = arith.constant 336 : index
      %get3A_414 = tpu.vector_load %arg10[%get3A_412, %get3A_413] {strides = array<i32>} : memref<32x768xf32, #tpu.memory_space<vmem>>, vector<1x16xf32>,
      %get3A_415 = vector.shape_cast %get3A_414 : vector<1x16xf32> to vector<16xf32>
      %swap3A_416 = arith.index_cast %scan3A_224 : i32 to index
      %swap3A_417 = arith.constant 336 : index
      %swap3A_418 = tpu.vector_load %arg7[%swap3A_416, %swap3A_417] {strides = array<i32>} : memref<32x768xf32, #tpu.memory_space<vmem>>, vector<1x16xf32>,
      %swap3A_419 = vector.shape_cast %swap3A_418 : vector<1x16xf32> to vector<16xf32>
      %swap3A_420 = vector.shape_cast %get3A_415 : vector<16xf32> to vector<1x16xf32>
      tpu.vector_store %arg7[%swap3A_416, %swap3A_417], %swap3A_420 {add = true, strides = array<i32>} : memref<32x768xf32, #tpu.memory_space<vmem>>, vector<1x16xf32>,
      %get3A_421 = arith.index_cast %scan3A_224 : i32 to index
      %get3A_422 = arith.constant 352 : index
      %get3A_423 = tpu.vector_load %arg10[%get3A_421, %get3A_422] {strides = array<i32>} : memref<32x768xf32, #tpu.memory_space<vmem>>, vector<1x16xf32>,
      %get3A_424 = vector.shape_cast %get3A_423 : vector<1x16xf32> to vector<16xf32>
      %swap3A_425 = arith.index_cast %scan3A_224 : i32 to index
      %swap3A_426 = arith.constant 352 : index
      %swap3A_427 = tpu.vector_load %arg7[%swap3A_425, %swap3A_426] {strides = array<i32>} : memref<32x768xf32, #tpu.memory_space<vmem>>, vector<1x16xf32>,
      %swap3A_428 = vector.shape_cast %swap3A_427 : vector<1x16xf32> to vector<16xf32>
      %swap3A_429 = vector.shape_cast %get3A_424 : vector<16xf32> to vector<1x16xf32>
      tpu.vector_store %arg7[%swap3A_425, %swap3A_426], %swap3A_429 {add = true, strides = array<i32>} : memref<32x768xf32, #tpu.memory_space<vmem>>, vector<1x16xf32>,
      %get3A_430 = arith.index_cast %scan3A_224 : i32 to index
      %get3A_431 = arith.constant 368 : index
      %get3A_432 = tpu.vector_load %arg10[%get3A_430, %get3A_431] {strides = array<i32>} : memref<32x768xf32, #tpu.memory_space<vmem>>, vector<1x16xf32>,
      %get3A_433 = vector.shape_cast %get3A_432 : vector<1x16xf32> to vector<16xf32>
      %swap3A_434 = arith.index_cast %scan3A_224 : i32 to index
      %swap3A_435 = arith.constant 368 : index
      %swap3A_436 = tpu.vector_load %arg7[%swap3A_434, %swap3A_435] {strides = array<i32>} : memref<32x768xf32, #tpu.memory_space<vmem>>, vector<1x16xf32>,
      %swap3A_437 = vector.shape_cast %swap3A_436 : vector<1x16xf32> to vector<16xf32>
      %swap3A_438 = vector.shape_cast %get3A_433 : vector<16xf32> to vector<1x16xf32>
      tpu.vector_store %arg7[%swap3A_434, %swap3A_435], %swap3A_438 {add = true, strides = array<i32>} : memref<32x768xf32, #tpu.memory_space<vmem>>, vector<1x16xf32>,
      %get3A_439 = arith.index_cast %scan3A_224 : i32 to index
      %get3A_440 = arith.constant 384 : index
      %get3A_441 = tpu.vector_load %arg10[%get3A_439, %get3A_440] {strides = array<i32>} : memref<32x768xf32, #tpu.memory_space<vmem>>, vector<1x16xf32>,
      %get3A_442 = vector.shape_cast %get3A_441 : vector<1x16xf32> to vector<16xf32>
      %swap3A_443 = arith.index_cast %scan3A_224 : i32 to index
      %swap3A_444 = arith.constant 384 : index
      %swap3A_445 = tpu.vector_load %arg7[%swap3A_443, %swap3A_444] {strides = array<i32>} : memref<32x768xf32, #tpu.memory_space<vmem>>, vector<1x16xf32>,
      %swap3A_446 = vector.shape_cast %swap3A_445 : vector<1x16xf32> to vector<16xf32>
      %swap3A_447 = vector.shape_cast %get3A_442 : vector<16xf32> to vector<1x16xf32>
      tpu.vector_store %arg7[%swap3A_443, %swap3A_444], %swap3A_447 {add = true, strides = array<i32>} : memref<32x768xf32, #tpu.memory_space<vmem>>, vector<1x16xf32>,
      %get3A_448 = arith.index_cast %scan3A_224 : i32 to index
      %get3A_449 = arith.constant 400 : index
      %get3A_450 = tpu.vector_load %arg10[%get3A_448, %get3A_449] {strides = array<i32>} : memref<32x768xf32, #tpu.memory_space<vmem>>, vector<1x16xf32>,
      %get3A_451 = vector.shape_cast %get3A_450 : vector<1x16xf32> to vector<16xf32>
      %swap3A_452 = arith.index_cast %scan3A_224 : i32 to index
      %swap3A_453 = arith.constant 400 : index
      %swap3A_454 = tpu.vector_load %arg7[%swap3A_452, %swap3A_453] {strides = array<i32>} : memref<32x768xf32, #tpu.memory_space<vmem>>, vector<1x16xf32>,
      %swap3A_455 = vector.shape_cast %swap3A_454 : vector<1x16xf32> to vector<16xf32>
      %swap3A_456 = vector.shape_cast %get3A_451 : vector<16xf32> to vector<1x16xf32>
      tpu.vector_store %arg7[%swap3A_452, %swap3A_453], %swap3A_456 {add = true, strides = array<i32>} : memref<32x768xf32, #tpu.memory_space<vmem>>, vector<1x16xf32>,
      %get3A_457 = arith.index_cast %scan3A_224 : i32 to index
      %get3A_458 = arith.constant 416 : index
      %get3A_459 = tpu.vector_load %arg10[%get3A_457, %get3A_458] {strides = array<i32>} : memref<32x768xf32, #tpu.memory_space<vmem>>, vector<1x16xf32>,
      %get3A_460 = vector.shape_cast %get3A_459 : vector<1x16xf32> to vector<16xf32>
      %swap3A_461 = arith.index_cast %scan3A_224 : i32 to index
      %swap3A_462 = arith.constant 416 : index
      %swap3A_463 = tpu.vector_load %arg7[%swap3A_461, %swap3A_462] {strides = array<i32>} : memref<32x768xf32, #tpu.memory_space<vmem>>, vector<1x16xf32>,
      %swap3A_464 = vector.shape_cast %swap3A_463 : vector<1x16xf32> to vector<16xf32>
      %swap3A_465 = vector.shape_cast %get3A_460 : vector<16xf32> to vector<1x16xf32>
      tpu.vector_store %arg7[%swap3A_461, %swap3A_462], %swap3A_465 {add = true, strides = array<i32>} : memref<32x768xf32, #tpu.memory_space<vmem>>, vector<1x16xf32>,
      %get3A_466 = arith.index_cast %scan3A_224 : i32 to index
      %get3A_467 = arith.constant 432 : index
      %get3A_468 = tpu.vector_load %arg10[%get3A_466, %get3A_467] {strides = array<i32>} : memref<32x768xf32, #tpu.memory_space<vmem>>, vector<1x16xf32>,
      %get3A_469 = vector.shape_cast %get3A_468 : vector<1x16xf32> to vector<16xf32>
      %swap3A_470 = arith.index_cast %scan3A_224 : i32 to index
      %swap3A_471 = arith.constant 432 : index
      %swap3A_472 = tpu.vector_load %arg7[%swap3A_470, %swap3A_471] {strides = array<i32>} : memref<32x768xf32, #tpu.memory_space<vmem>>, vector<1x16xf32>,
      %swap3A_473 = vector.shape_cast %swap3A_472 : vector<1x16xf32> to vector<16xf32>
      %swap3A_474 = vector.shape_cast %get3A_469 : vector<16xf32> to vector<1x16xf32>
      tpu.vector_store %arg7[%swap3A_470, %swap3A_471], %swap3A_474 {add = true, strides = array<i32>} : memref<32x768xf32, #tpu.memory_space<vmem>>, vector<1x16xf32>,
      %get3A_475 = arith.index_cast %scan3A_224 : i32 to index
      %get3A_476 = arith.constant 448 : index
      %get3A_477 = tpu.vector_load %arg10[%get3A_475, %get3A_476] {strides = array<i32>} : memref<32x768xf32, #tpu.memory_space<vmem>>, vector<1x16xf32>,
      %get3A_478 = vector.shape_cast %get3A_477 : vector<1x16xf32> to vector<16xf32>
      %swap3A_479 = arith.index_cast %scan3A_224 : i32 to index
      %swap3A_480 = arith.constant 448 : index
      %swap3A_481 = tpu.vector_load %arg7[%swap3A_479, %swap3A_480] {strides = array<i32>} : memref<32x768xf32, #tpu.memory_space<vmem>>, vector<1x16xf32>,
      %swap3A_482 = vector.shape_cast %swap3A_481 : vector<1x16xf32> to vector<16xf32>
      %swap3A_483 = vector.shape_cast %get3A_478 : vector<16xf32> to vector<1x16xf32>
      tpu.vector_store %arg7[%swap3A_479, %swap3A_480], %swap3A_483 {add = true, strides = array<i32>} : memref<32x768xf32, #tpu.memory_space<vmem>>, vector<1x16xf32>,
      %get3A_484 = arith.index_cast %scan3A_224 : i32 to index
      %get3A_485 = arith.constant 464 : index
      %get3A_486 = tpu.vector_load %arg10[%get3A_484, %get3A_485] {strides = array<i32>} : memref<32x768xf32, #tpu.memory_space<vmem>>, vector<1x16xf32>,
      %get3A_487 = vector.shape_cast %get3A_486 : vector<1x16xf32> to vector<16xf32>
      %swap3A_488 = arith.index_cast %scan3A_224 : i32 to index
      %swap3A_489 = arith.constant 464 : index
      %swap3A_490 = tpu.vector_load %arg7[%swap3A_488, %swap3A_489] {strides = array<i32>} : memref<32x768xf32, #tpu.memory_space<vmem>>, vector<1x16xf32>,
      %swap3A_491 = vector.shape_cast %swap3A_490 : vector<1x16xf32> to vector<16xf32>
      %swap3A_492 = vector.shape_cast %get3A_487 : vector<16xf32> to vector<1x16xf32>
      tpu.vector_store %arg7[%swap3A_488, %swap3A_489], %swap3A_492 {add = true, strides = array<i32>} : memref<32x768xf32, #tpu.memory_space<vmem>>, vector<1x16xf32>,
      %get3A_493 = arith.index_cast %scan3A_224 : i32 to index
      %get3A_494 = arith.constant 480 : index
      %get3A_495 = tpu.vector_load %arg10[%get3A_493, %get3A_494] {strides = array<i32>} : memref<32x768xf32, #tpu.memory_space<vmem>>, vector<1x16xf32>,
      %get3A_496 = vector.shape_cast %get3A_495 : vector<1x16xf32> to vector<16xf32>
      %swap3A_497 = arith.index_cast %scan3A_224 : i32 to index
      %swap3A_498 = arith.constant 480 : index
      %swap3A_499 = tpu.vector_load %arg7[%swap3A_497, %swap3A_498] {strides = array<i32>} : memref<32x768xf32, #tpu.memory_space<vmem>>, vector<1x16xf32>,
      %swap3A_500 = vector.shape_cast %swap3A_499 : vector<1x16xf32> to vector<16xf32>
      %swap3A_501 = vector.shape_cast %get3A_496 : vector<16xf32> to vector<1x16xf32>
      tpu.vector_store %arg7[%swap3A_497, %swap3A_498], %swap3A_501 {add = true, strides = array<i32>} : memref<32x768xf32, #tpu.memory_space<vmem>>, vector<1x16xf32>,
      %get3A_502 = arith.index_cast %scan3A_224 : i32 to index
      %get3A_503 = arith.constant 496 : index
      %get3A_504 = tpu.vector_load %arg10[%get3A_502, %get3A_503] {strides = array<i32>} : memref<32x768xf32, #tpu.memory_space<vmem>>, vector<1x16xf32>,
      %get3A_505 = vector.shape_cast %get3A_504 : vector<1x16xf32> to vector<16xf32>
      %swap3A_506 = arith.index_cast %scan3A_224 : i32 to index
      %swap3A_507 = arith.constant 496 : index
      %swap3A_508 = tpu.vector_load %arg7[%swap3A_506, %swap3A_507] {strides = array<i32>} : memref<32x768xf32, #tpu.memory_space<vmem>>, vector<1x16xf32>,
      %swap3A_509 = vector.shape_cast %swap3A_508 : vector<1x16xf32> to vector<16xf32>
      %swap3A_510 = vector.shape_cast %get3A_505 : vector<16xf32> to vector<1x16xf32>
      tpu.vector_store %arg7[%swap3A_506, %swap3A_507], %swap3A_510 {add = true, strides = array<i32>} : memref<32x768xf32, #tpu.memory_space<vmem>>, vector<1x16xf32>,
      %get3A_511 = arith.index_cast %scan3A_224 : i32 to index
      %get3A_512 = arith.constant 512 : index
      %get3A_513 = tpu.vector_load %arg10[%get3A_511, %get3A_512] {strides = array<i32>} : memref<32x768xf32, #tpu.memory_space<vmem>>, vector<1x16xf32>,
      %get3A_514 = vector.shape_cast %get3A_513 : vector<1x16xf32> to vector<16xf32>
      %swap3A_515 = arith.index_cast %scan3A_224 : i32 to index
      %swap3A_516 = arith.constant 512 : index
      %swap3A_517 = tpu.vector_load %arg7[%swap3A_515, %swap3A_516] {strides = array<i32>} : memref<32x768xf32, #tpu.memory_space<vmem>>, vector<1x16xf32>,
      %swap3A_518 = vector.shape_cast %swap3A_517 : vector<1x16xf32> to vector<16xf32>
      %swap3A_519 = vector.shape_cast %get3A_514 : vector<16xf32> to vector<1x16xf32>
      tpu.vector_store %arg7[%swap3A_515, %swap3A_516], %swap3A_519 {add = true, strides = array<i32>} : memref<32x768xf32, #tpu.memory_space<vmem>>, vector<1x16xf32>,
      %get3A_520 = arith.index_cast %scan3A_224 : i32 to index
      %get3A_521 = arith.constant 528 : index
      %get3A_522 = tpu.vector_load %arg10[%get3A_520, %get3A_521] {strides = array<i32>} : memref<32x768xf32, #tpu.memory_space<vmem>>, vector<1x16xf32>,
      %get3A_523 = vector.shape_cast %get3A_522 : vector<1x16xf32> to vector<16xf32>
      %swap3A_524 = arith.index_cast %scan3A_224 : i32 to index
      %swap3A_525 = arith.constant 528 : index
      %swap3A_526 = tpu.vector_load %arg7[%swap3A_524, %swap3A_525] {strides = array<i32>} : memref<32x768xf32, #tpu.memory_space<vmem>>, vector<1x16xf32>,
      %swap3A_527 = vector.shape_cast %swap3A_526 : vector<1x16xf32> to vector<16xf32>
      %swap3A_528 = vector.shape_cast %get3A_523 : vector<16xf32> to vector<1x16xf32>
      tpu.vector_store %arg7[%swap3A_524, %swap3A_525], %swap3A_528 {add = true, strides = array<i32>} : memref<32x768xf32, #tpu.memory_space<vmem>>, vector<1x16xf32>,
      %get3A_529 = arith.index_cast %scan3A_224 : i32 to index
      %get3A_530 = arith.constant 544 : index
      %get3A_531 = tpu.vector_load %arg10[%get3A_529, %get3A_530] {strides = array<i32>} : memref<32x768xf32, #tpu.memory_space<vmem>>, vector<1x16xf32>,
      %get3A_532 = vector.shape_cast %get3A_531 : vector<1x16xf32> to vector<16xf32>
      %swap3A_533 = arith.index_cast %scan3A_224 : i32 to index
      %swap3A_534 = arith.constant 544 : index
      %swap3A_535 = tpu.vector_load %arg7[%swap3A_533, %swap3A_534] {strides = array<i32>} : memref<32x768xf32, #tpu.memory_space<vmem>>, vector<1x16xf32>,
      %swap3A_536 = vector.shape_cast %swap3A_535 : vector<1x16xf32> to vector<16xf32>
      %swap3A_537 = vector.shape_cast %get3A_532 : vector<16xf32> to vector<1x16xf32>
      tpu.vector_store %arg7[%swap3A_533, %swap3A_534], %swap3A_537 {add = true, strides = array<i32>} : memref<32x768xf32, #tpu.memory_space<vmem>>, vector<1x16xf32>,
      %get3A_538 = arith.index_cast %scan3A_224 : i32 to index
      %get3A_539 = arith.constant 560 : index
      %get3A_540 = tpu.vector_load %arg10[%get3A_538, %get3A_539] {strides = array<i32>} : memref<32x768xf32, #tpu.memory_space<vmem>>, vector<1x16xf32>,
      %get3A_541 = vector.shape_cast %get3A_540 : vector<1x16xf32> to vector<16xf32>
      %swap3A_542 = arith.index_cast %scan3A_224 : i32 to index
      %swap3A_543 = arith.constant 560 : index
      %swap3A_544 = tpu.vector_load %arg7[%swap3A_542, %swap3A_543] {strides = array<i32>} : memref<32x768xf32, #tpu.memory_space<vmem>>, vector<1x16xf32>,
      %swap3A_545 = vector.shape_cast %swap3A_544 : vector<1x16xf32> to vector<16xf32>
      %swap3A_546 = vector.shape_cast %get3A_541 : vector<16xf32> to vector<1x16xf32>
      tpu.vector_store %arg7[%swap3A_542, %swap3A_543], %swap3A_546 {add = true, strides = array<i32>} : memref<32x768xf32, #tpu.memory_space<vmem>>, vector<1x16xf32>,
      %get3A_547 = arith.index_cast %scan3A_224 : i32 to index
      %get3A_548 = arith.constant 576 : index
      %get3A_549 = tpu.vector_load %arg10[%get3A_547, %get3A_548] {strides = array<i32>} : memref<32x768xf32, #tpu.memory_space<vmem>>, vector<1x16xf32>,
      %get3A_550 = vector.shape_cast %get3A_549 : vector<1x16xf32> to vector<16xf32>
      %swap3A_551 = arith.index_cast %scan3A_224 : i32 to index
      %swap3A_552 = arith.constant 576 : index
      %swap3A_553 = tpu.vector_load %arg7[%swap3A_551, %swap3A_552] {strides = array<i32>} : memref<32x768xf32, #tpu.memory_space<vmem>>, vector<1x16xf32>,
      %swap3A_554 = vector.shape_cast %swap3A_553 : vector<1x16xf32> to vector<16xf32>
      %swap3A_555 = vector.shape_cast %get3A_550 : vector<16xf32> to vector<1x16xf32>
      tpu.vector_store %arg7[%swap3A_551, %swap3A_552], %swap3A_555 {add = true, strides = array<i32>} : memref<32x768xf32, #tpu.memory_space<vmem>>, vector<1x16xf32>,
      %get3A_556 = arith.index_cast %scan3A_224 : i32 to index
      %get3A_557 = arith.constant 592 : index
      %get3A_558 = tpu.vector_load %arg10[%get3A_556, %get3A_557] {strides = array<i32>} : memref<32x768xf32, #tpu.memory_space<vmem>>, vector<1x16xf32>,
      %get3A_559 = vector.shape_cast %get3A_558 : vector<1x16xf32> to vector<16xf32>
      %swap3A_560 = arith.index_cast %scan3A_224 : i32 to index
      %swap3A_561 = arith.constant 592 : index
      %swap3A_562 = tpu.vector_load %arg7[%swap3A_560, %swap3A_561] {strides = array<i32>} : memref<32x768xf32, #tpu.memory_space<vmem>>, vector<1x16xf32>,
      %swap3A_563 = vector.shape_cast %swap3A_562 : vector<1x16xf32> to vector<16xf32>
      %swap3A_564 = vector.shape_cast %get3A_559 : vector<16xf32> to vector<1x16xf32>
      tpu.vector_store %arg7[%swap3A_560, %swap3A_561], %swap3A_564 {add = true, strides = array<i32>} : memref<32x768xf32, #tpu.memory_space<vmem>>, vector<1x16xf32>,
      %get3A_565 = arith.index_cast %scan3A_224 : i32 to index
      %get3A_566 = arith.constant 608 : index
      %get3A_567 = tpu.vector_load %arg10[%get3A_565, %get3A_566] {strides = array<i32>} : memref<32x768xf32, #tpu.memory_space<vmem>>, vector<1x16xf32>,
      %get3A_568 = vector.shape_cast %get3A_567 : vector<1x16xf32> to vector<16xf32>
      %swap3A_569 = arith.index_cast %scan3A_224 : i32 to index
      %swap3A_570 = arith.constant 608 : index
      %swap3A_571 = tpu.vector_load %arg7[%swap3A_569, %swap3A_570] {strides = array<i32>} : memref<32x768xf32, #tpu.memory_space<vmem>>, vector<1x16xf32>,
      %swap3A_572 = vector.shape_cast %swap3A_571 : vector<1x16xf32> to vector<16xf32>
      %swap3A_573 = vector.shape_cast %get3A_568 : vector<16xf32> to vector<1x16xf32>
      tpu.vector_store %arg7[%swap3A_569, %swap3A_570], %swap3A_573 {add = true, strides = array<i32>} : memref<32x768xf32, #tpu.memory_space<vmem>>, vector<1x16xf32>,
      %get3A_574 = arith.index_cast %scan3A_224 : i32 to index
      %get3A_575 = arith.constant 624 : index
      %get3A_576 = tpu.vector_load %arg10[%get3A_574, %get3A_575] {strides = array<i32>} : memref<32x768xf32, #tpu.memory_space<vmem>>, vector<1x16xf32>,
      %get3A_577 = vector.shape_cast %get3A_576 : vector<1x16xf32> to vector<16xf32>
      %swap3A_578 = arith.index_cast %scan3A_224 : i32 to index
      %swap3A_579 = arith.constant 624 : index
      %swap3A_580 = tpu.vector_load %arg7[%swap3A_578, %swap3A_579] {strides = array<i32>} : memref<32x768xf32, #tpu.memory_space<vmem>>, vector<1x16xf32>,
      %swap3A_581 = vector.shape_cast %swap3A_580 : vector<1x16xf32> to vector<16xf32>
      %swap3A_582 = vector.shape_cast %get3A_577 : vector<16xf32> to vector<1x16xf32>
      tpu.vector_store %arg7[%swap3A_578, %swap3A_579], %swap3A_582 {add = true, strides = array<i32>} : memref<32x768xf32, #tpu.memory_space<vmem>>, vector<1x16xf32>,
      %get3A_583 = arith.index_cast %scan3A_224 : i32 to index
      %get3A_584 = arith.constant 640 : index
      %get3A_585 = tpu.vector_load %arg10[%get3A_583, %get3A_584] {strides = array<i32>} : memref<32x768xf32, #tpu.memory_space<vmem>>, vector<1x16xf32>,
      %get3A_586 = vector.shape_cast %get3A_585 : vector<1x16xf32> to vector<16xf32>
      %swap3A_587 = arith.index_cast %scan3A_224 : i32 to index
      %swap3A_588 = arith.constant 640 : index
      %swap3A_589 = tpu.vector_load %arg7[%swap3A_587, %swap3A_588] {strides = array<i32>} : memref<32x768xf32, #tpu.memory_space<vmem>>, vector<1x16xf32>,
      %swap3A_590 = vector.shape_cast %swap3A_589 : vector<1x16xf32> to vector<16xf32>
      %swap3A_591 = vector.shape_cast %get3A_586 : vector<16xf32> to vector<1x16xf32>
      tpu.vector_store %arg7[%swap3A_587, %swap3A_588], %swap3A_591 {add = true, strides = array<i32>} : memref<32x768xf32, #tpu.memory_space<vmem>>, vector<1x16xf32>,
      %get3A_592 = arith.index_cast %scan3A_224 : i32 to index
      %get3A_593 = arith.constant 656 : index
      %get3A_594 = tpu.vector_load %arg10[%get3A_592, %get3A_593] {strides = array<i32>} : memref<32x768xf32, #tpu.memory_space<vmem>>, vector<1x16xf32>,
      %get3A_595 = vector.shape_cast %get3A_594 : vector<1x16xf32> to vector<16xf32>
      %swap3A_596 = arith.index_cast %scan3A_224 : i32 to index
      %swap3A_597 = arith.constant 656 : index
      %swap3A_598 = tpu.vector_load %arg7[%swap3A_596, %swap3A_597] {strides = array<i32>} : memref<32x768xf32, #tpu.memory_space<vmem>>, vector<1x16xf32>,
      %swap3A_599 = vector.shape_cast %swap3A_598 : vector<1x16xf32> to vector<16xf32>
      %swap3A_600 = vector.shape_cast %get3A_595 : vector<16xf32> to vector<1x16xf32>
      tpu.vector_store %arg7[%swap3A_596, %swap3A_597], %swap3A_600 {add = true, strides = array<i32>} : memref<32x768xf32, #tpu.memory_space<vmem>>, vector<1x16xf32>,
      %get3A_601 = arith.index_cast %scan3A_224 : i32 to index
      %get3A_602 = arith.constant 672 : index
      %get3A_603 = tpu.vector_load %arg10[%get3A_601, %get3A_602] {strides = array<i32>} : memref<32x768xf32, #tpu.memory_space<vmem>>, vector<1x16xf32>,
      %get3A_604 = vector.shape_cast %get3A_603 : vector<1x16xf32> to vector<16xf32>
      %swap3A_605 = arith.index_cast %scan3A_224 : i32 to index
      %swap3A_606 = arith.constant 672 : index
      %swap3A_607 = tpu.vector_load %arg7[%swap3A_605, %swap3A_606] {strides = array<i32>} : memref<32x768xf32, #tpu.memory_space<vmem>>, vector<1x16xf32>,
      %swap3A_608 = vector.shape_cast %swap3A_607 : vector<1x16xf32> to vector<16xf32>
      %swap3A_609 = vector.shape_cast %get3A_604 : vector<16xf32> to vector<1x16xf32>
      tpu.vector_store %arg7[%swap3A_605, %swap3A_606], %swap3A_609 {add = true, strides = array<i32>} : memref<32x768xf32, #tpu.memory_space<vmem>>, vector<1x16xf32>,
      %get3A_610 = arith.index_cast %scan3A_224 : i32 to index
      %get3A_611 = arith.constant 688 : index
      %get3A_612 = tpu.vector_load %arg10[%get3A_610, %get3A_611] {strides = array<i32>} : memref<32x768xf32, #tpu.memory_space<vmem>>, vector<1x16xf32>,
      %get3A_613 = vector.shape_cast %get3A_612 : vector<1x16xf32> to vector<16xf32>
      %swap3A_614 = arith.index_cast %scan3A_224 : i32 to index
      %swap3A_615 = arith.constant 688 : index
      %swap3A_616 = tpu.vector_load %arg7[%swap3A_614, %swap3A_615] {strides = array<i32>} : memref<32x768xf32, #tpu.memory_space<vmem>>, vector<1x16xf32>,
      %swap3A_617 = vector.shape_cast %swap3A_616 : vector<1x16xf32> to vector<16xf32>
      %swap3A_618 = vector.shape_cast %get3A_613 : vector<16xf32> to vector<1x16xf32>
      tpu.vector_store %arg7[%swap3A_614, %swap3A_615], %swap3A_618 {add = true, strides = array<i32>} : memref<32x768xf32, #tpu.memory_space<vmem>>, vector<1x16xf32>,
      %get3A_619 = arith.index_cast %scan3A_224 : i32 to index
      %get3A_620 = arith.constant 704 : index
      %get3A_621 = tpu.vector_load %arg10[%get3A_619, %get3A_620] {strides = array<i32>} : memref<32x768xf32, #tpu.memory_space<vmem>>, vector<1x16xf32>,
      %get3A_622 = vector.shape_cast %get3A_621 : vector<1x16xf32> to vector<16xf32>
      %swap3A_623 = arith.index_cast %scan3A_224 : i32 to index
      %swap3A_624 = arith.constant 704 : index
      %swap3A_625 = tpu.vector_load %arg7[%swap3A_623, %swap3A_624] {strides = array<i32>} : memref<32x768xf32, #tpu.memory_space<vmem>>, vector<1x16xf32>,
      %swap3A_626 = vector.shape_cast %swap3A_625 : vector<1x16xf32> to vector<16xf32>
      %swap3A_627 = vector.shape_cast %get3A_622 : vector<16xf32> to vector<1x16xf32>
      tpu.vector_store %arg7[%swap3A_623, %swap3A_624], %swap3A_627 {add = true, strides = array<i32>} : memref<32x768xf32, #tpu.memory_space<vmem>>, vector<1x16xf32>,
      %get3A_628 = arith.index_cast %scan3A_224 : i32 to index
      %get3A_629 = arith.constant 720 : index
      %get3A_630 = tpu.vector_load %arg10[%get3A_628, %get3A_629] {strides = array<i32>} : memref<32x768xf32, #tpu.memory_space<vmem>>, vector<1x16xf32>,
      %get3A_631 = vector.shape_cast %get3A_630 : vector<1x16xf32> to vector<16xf32>
      %swap3A_632 = arith.index_cast %scan3A_224 : i32 to index
      %swap3A_633 = arith.constant 720 : index
      %swap3A_634 = tpu.vector_load %arg7[%swap3A_632, %swap3A_633] {strides = array<i32>} : memref<32x768xf32, #tpu.memory_space<vmem>>, vector<1x16xf32>,
      %swap3A_635 = vector.shape_cast %swap3A_634 : vector<1x16xf32> to vector<16xf32>
      %swap3A_636 = vector.shape_cast %get3A_631 : vector<16xf32> to vector<1x16xf32>
      tpu.vector_store %arg7[%swap3A_632, %swap3A_633], %swap3A_636 {add = true, strides = array<i32>} : memref<32x768xf32, #tpu.memory_space<vmem>>, vector<1x16xf32>,
      %get3A_637 = arith.index_cast %scan3A_224 : i32 to index
      %get3A_638 = arith.constant 736 : index
      %get3A_639 = tpu.vector_load %arg10[%get3A_637, %get3A_638] {strides = array<i32>} : memref<32x768xf32, #tpu.memory_space<vmem>>, vector<1x16xf32>,
      %get3A_640 = vector.shape_cast %get3A_639 : vector<1x16xf32> to vector<16xf32>
      %swap3A_641 = arith.index_cast %scan3A_224 : i32 to index
      %swap3A_642 = arith.constant 736 : index
      %swap3A_643 = tpu.vector_load %arg7[%swap3A_641, %swap3A_642] {strides = array<i32>} : memref<32x768xf32, #tpu.memory_space<vmem>>, vector<1x16xf32>,
      %swap3A_644 = vector.shape_cast %swap3A_643 : vector<1x16xf32> to vector<16xf32>
      %swap3A_645 = vector.shape_cast %get3A_640 : vector<16xf32> to vector<1x16xf32>
      tpu.vector_store %arg7[%swap3A_641, %swap3A_642], %swap3A_645 {add = true, strides = array<i32>} : memref<32x768xf32, #tpu.memory_space<vmem>>, vector<1x16xf32>,
      %get3A_646 = arith.index_cast %scan3A_224 : i32 to index
      %get3A_647 = arith.constant 752 : index
      %get3A_648 = tpu.vector_load %arg10[%get3A_646, %get3A_647] {strides = array<i32>} : memref<32x768xf32, #tpu.memory_space<vmem>>, vector<1x16xf32>,
      %get3A_649 = vector.shape_cast %get3A_648 : vector<1x16xf32> to vector<16xf32>
      %swap3A_650 = arith.index_cast %scan3A_224 : i32 to index
      %swap3A_651 = arith.constant 752 : index
      %swap3A_652 = tpu.vector_load %arg7[%swap3A_650, %swap3A_651] {strides = array<i32>} : memref<32x768xf32, #tpu.memory_space<vmem>>, vector<1x16xf32>,
      %swap3A_653 = vector.shape_cast %swap3A_652 : vector<1x16xf32> to vector<16xf32>
      %swap3A_654 = vector.shape_cast %get3A_649 : vector<16xf32> to vector<1x16xf32>
      tpu.vector_store %arg7[%swap3A_650, %swap3A_651], %swap3A_654 {add = true, strides = array<i32>} : memref<32x768xf32, #tpu.memory_space<vmem>>, vector<1x16xf32>,
    }
    %scan3A_205 = arith.constant 32 : i32
    %add3A_206 = arith.constant 3072 : i32
    %add3A_207 = arith.addi %add3A_206, %mul3A_2 : i32
    %dma_start3A_208 = arith.constant 0 : i32
    %dma_start3A_209 = tpu.memref_slice %arg5[%add3A_207, %dma_start3A_208] : memref<4096x768xf32, #tpu.memory_space<hbm>> -> memref<32x768xf32, #tpu.memory_space<hbm>>
    %dma_start3A_210 = arith.constant 0 : i32
    %dma_start3A_211 = tpu.memref_slice %arg5[%add3A_207, %dma_start3A_210] : memref<4096x768xf32, #tpu.memory_space<hbm>> -> memref<32x768xf32, #tpu.memory_space<hbm>>
    tpu.enqueue_dma source(%arg7 : memref<32x768xf32, #tpu.memory_space<vmem>>) target(%dma_start3A_211 : memref<32x768xf32, #tpu.memory_space<hbm>>) target_semaphore(%arg14 : memref<!tpu.dma_semaphore, #tpu.memory_space<semaphore_mem>>)
    %dma_wait3A_212 = arith.constant 0 : i32
    %dma_wait3A_213 = tpu.memref_slice %arg5[%add3A_207, %dma_wait3A_212] : memref<4096x768xf32, #tpu.memory_space<hbm>> -> memref<32x768xf32, #tpu.memory_space<hbm>>
    %dma_wait3A_214 = arith.constant 0 : i32
    %dma_wait3A_215 = tpu.memref_slice %arg5[%add3A_207, %dma_wait3A_214] : memref<4096x768xf32, #tpu.memory_space<hbm>> -> memref<32x768xf32, #tpu.memory_space<hbm>>
    tpu.wait_dma2 semaphore(%arg14 : memref<!tpu.dma_semaphore, #tpu.memory_space<semaphore_mem>>) src(%arg7 : memref<32x768xf32, #tpu.memory_space<vmem>>) dst(%dma_wait3A_215 : memref<32x768xf32, #tpu.memory_space<hbm>>)
    %dma_wait3A_216 = arith.constant 0 : i32
    %dma_wait3A_217 = tpu.memref_slice %arg5[%add3A_169, %dma_wait3A_216] : memref<4096x768xf32, #tpu.memory_space<hbm>> -> memref<32x768xf32, #tpu.memory_space<hbm>>
    %dma_wait3A_218 = arith.constant 0 : i32
    %dma_wait3A_219 = tpu.memref_slice %arg5[%add3A_169, %dma_wait3A_218] : memref<4096x768xf32, #tpu.memory_space<hbm>> -> memref<32x768xf32, #tpu.memory_space<hbm>>
    tpu.wait_dma2 semaphore(%arg15 : memref<!tpu.dma_semaphore, #tpu.memory_space<semaphore_mem>>) src(%arg8 : memref<32x768xf32, #tpu.memory_space<vmem>>) dst(%dma_wait3A_219 : memref<32x768xf32, #tpu.memory_space<hbm>>)
    %dma_wait3A_220 = arith.constant 0 : i32
    %dma_wait3A_221 = tpu.memref_slice %arg5[%add3A_188, %dma_wait3A_220] : memref<4096x768xf32, #tpu.memory_space<hbm>> -> memref<32x768xf32, #tpu.memory_space<hbm>>
    %dma_wait3A_222 = arith.constant 0 : i32
    %dma_wait3A_223 = tpu.memref_slice %arg5[%add3A_188, %dma_wait3A_222] : memref<4096x768xf32, #tpu.memory_space<hbm>> -> memref<32x768xf32, #tpu.memory_space<hbm>>
    tpu.wait_dma2 semaphore(%arg16 : memref<!tpu.dma_semaphore, #tpu.memory_space<semaphore_mem>>) src(%arg9 : memref<32x768xf32, #tpu.memory_space<vmem>>) dst(%dma_wait3A_223 : memref<32x768xf32, #tpu.memory_space<hbm>>)
    return
  }
}

</mosaic_0001>

<sc_bundles>
// kernel: kernel.3.cloned.1.call-start
scs
__scs_entry_jumppad:
0x0: {  	(pc) =	sbr.rel $0x88, $3  }
0x1: {  	(tag) =	ssettag $0x0;
	lr =	simm.s32 $0x1  }
0x2: {  	[smem:$0x3F9E] =	sst lr;
	_ =	strace $0xD0000000  }
0x3: {  	_ = 	snop  }
0x4: {  	_ = 	snop  }
0x5: {  	_ = 	snop  }
0x6: {  	_ = 	snop  }
0x7: {  	_ = 	snop  }
__scs_overlays_trampoline_lowered:
0x8: {  	[smem:$0x3FAD] =	sst s0  }
0x9: {  	[smem:$0x3FAE] =	sst s1  }
0xa: {  	[smem:$0x3FAF] =	sst s2  }
0xb: {  	[smem:$0x3FB0] =	sst s3  }
0xc: {  	[smem:$0x3FB1] =	sst s4  }
0xd: {  	[smem:$0x3FB2] =	sst s5  }
0xe: {  	[smem:$0x3FB3] =	sst s6  }
0xf: {  	[smem:$0x3FB4] =	sst s7  }
0x10: {  	[smem:$0x3FB5] =	sst s8  }
0x11: {  	[smem:$0x3FB6] =	sst s9;
	s0 =	simm.s32 @!p0 $0x0  }
0x12: {  	s1 =	sld [smem:$0x3F9C];
	s0 =	simm.s32 @p0 $0x1  }
0x13: {  	[smem:$0x3FB7] =	sst s0;
	s0 =	simm.s32 @!p1 $0x0  }
0x14: {  	s2 =	sld [smem:$0x3F9B];
	s0 =	simm.s32 @p1 $0x1  }
0x15: {  	[smem:$0x3FB8] =	sst s0;
	s0 =	simm.s32 @!p2 $0x0  }
0x16: {  	s3 =	sld [smem:$0x3FDB];
	s0 =	simm.s32 @p2 $0x1  }
0x17: {  	s4 =	simm.s32 $0x1BF5;
	[smem:$0x3FBA] =	sst s0  }
0x18: {  	s0 =	sld [smem:$0x3F9D];
	_ =	swait.ge [sflag:s4], $0x0  }
0x19: {  	s7 =	sld [smem:$0x3F9E]  }
0x1a: {  	s8 =	sadd.s32 $0xFFFFE003, lr  }
0x1b: {  	s9 =	sadd.s32 $0xFFFFFEF7, lr;
	s5 =	simm.s32 $0xFFFFFFFF;
	p2 =	slt.u32 s8, $0xFFFFF086  }
0x1c: {  	p1 =	slt.u32 s9, $0xF7A;
	s5 =	simm.s32 @!p2 $0x0  }
0x1d: {  	s5 =	simm.s32 @p1 $0x1;
	p0 =	seq.s32 s7, s2  }
0x1e: {  	s7 =	smul.u32 @!p0 $0xF7A, s2;
	p2 =	seq.s32 @!p0 s5, $0x0  }
0x1f: {  	s9 =	smul.u32 $0xF7A, s1;
	s8 =	simm.s32 @!p0 $0x1BF5;
	p2 =	por !p2, p0  }
0x20: {  	[sflag:s8] =	ssyncset.s32 @!p0 $0xFFFFF086;
	s6 =	sadd.s32 @!p0 s3, s7;
	s7 =	simm.s32 @!p0 $0x108  }
0x21: {  	s3 =	sadd.s32 s3, s9;
	s6 =	sadd.s32 @!p0 $0x88, s6;
	s7 =	simm.s32 @p2 $0x1082  }
0x22: {  	[simem:s7], [sflag:s8] =	dma.local @!p0 [hbm:s6], $0xF7A  }
0x23: {  	s9 =	sor.u32 $0xD0000000, s2;
	s6 =	simm.s32 $0x108;
	_ =	swait.ge @!p0 [sflag:s8], $0x0  }
0x24: {  	s3 =	sadd.s32 $0x88, s3;
	s6 =	simm.s32 @!p1 $0x1082;
	[sflag:s4] =	ssyncset.s32 $0xFFFFF086  }
0x25: {  	[simem:s6], [sflag:s4] =	dma.local [hbm:s3], $0xF7A  }
0x26: {  	[smem:$0x3F9E] =	sst s1;
	(tag) =	ssettag s2;
	_ =	strace s9  }
0x27: {  	s1 =	sld [smem:$0x3FAE]  }
0x28: {  	s2 =	sld [smem:$0x3FAF]  }
0x29: {  	s4 =	sld [smem:$0x3FB1]  }
0x2a: {  	p0 =	seq.s32 s5, $0x0;
	s5 =	sld [smem:$0x3FB2]  }
0x2b: {  	s6 =	sld [smem:$0x3FB3]  }
0x2c: {  	s7 =	sld [smem:$0x3FB4]  }
0x2d: {  	s3 =	simm.s32 $0x108;
	s8 =	sld [smem:$0x3FB5]  }
0x2e: {  	s3 =	simm.s32 @!p0 $0x1082;
	s9 =	sld [smem:$0x3FB6]  }
0x2f: {  	lr =	sadd.s32 s0, s3;
	s0 =	sld [smem:$0x3FAD]  }
0x30: {  	s3 =	sld [smem:$0x3FB0]  }
0x31: {  	[smem:$0x3FB9] =	sst s10  }
0x32: {  	s10 =	sld [smem:$0x3FB7];
	_ =	sdelay $0x3  }
0x33: {  	p0 =	seq.s32 s10, $0x1;
	s10 =	sld [smem:$0x3FB9];
	_ =	sdelay $0x3  }
0x34: {  	[smem:$0x3FB9] =	sst s10  }
0x35: {  	s10 =	sld [smem:$0x3FB8];
	_ =	sdelay $0x3  }
0x36: {  	p1 =	seq.s32 s10, $0x1;
	s10 =	sld [smem:$0x3FB9];
	_ =	sdelay $0x3  }
0x37: {  	[smem:$0x3FB9] =	sst s10  }
0x38: {  	s10 =	sld [smem:$0x3FBA]  }
0x39: {  	_ = 	snop;
	(pc) =	sbr.ind lr, $3  }
0x3a: {  	_ = 	snop  }
0x3b: {  	_ = 	snop  }
0x3c: {  	p2 =	seq.s32 s10, $0x1;
	s10 =	sld [smem:$0x3FB9]  }
0x3d: {  	_ =	shalt  }
0x3e: {  	_ =	shalt  }
0x3f: {  	_ =	shalt  }
0x40: {  	_ =	shalt  }
0x41: {  	_ =	shalt  }
0x42: {  	_ =	shalt  }
0x43: {  	_ =	shalt  }
0x44: {  	_ =	shalt  }
0x45: {  	_ =	shalt  }
0x46: {  	_ =	shalt  }
0x47: {  	_ =	shalt  }
0x48: {  	_ =	shalt  }
0x49: {  	_ =	shalt  }
0x4a: {  	_ =	shalt  }
0x4b: {  	_ =	shalt  }
0x4c: {  	_ =	shalt  }
0x4d: {  	_ =	shalt  }
0x4e: {  	_ =	shalt  }
0x4f: {  	_ =	shalt  }
0x50: {  	_ =	shalt  }
0x51: {  	_ =	shalt  }
0x52: {  	_ =	shalt  }
0x53: {  	_ =	shalt  }
0x54: {  	_ =	shalt  }
0x55: {  	_ =	shalt  }
0x56: {  	_ =	shalt  }
0x57: {  	_ =	shalt  }
0x58: {  	_ =	shalt  }
0x59: {  	_ =	shalt  }
0x5a: {  	_ =	shalt  }
0x5b: {  	_ =	shalt  }
0x5c: {  	_ =	shalt  }
0x5d: {  	_ =	shalt  }
0x5e: {  	_ =	shalt  }
0x5f: {  	_ =	shalt  }
0x60: {  	_ =	shalt  }
0x61: {  	_ =	shalt  }
0x62: {  	_ =	shalt  }
0x63: {  	_ =	shalt  }
0x64: {  	_ =	shalt  }
0x65: {  	_ =	shalt  }
0x66: {  	_ =	shalt  }
0x67: {  	_ =	shalt  }
0x68: {  	_ =	shalt  }
0x69: {  	_ =	shalt  }
0x6a: {  	_ =	shalt  }
0x6b: {  	_ =	shalt  }
0x6c: {  	_ =	shalt  }
0x6d: {  	_ =	shalt  }
0x6e: {  	_ =	shalt  }
0x6f: {  	_ =	shalt  }
0x70: {  	_ =	shalt  }
0x71: {  	_ =	shalt  }
0x72: {  	_ =	shalt  }
0x73: {  	_ =	shalt  }
0x74: {  	_ =	shalt  }
0x75: {  	_ =	shalt  }
0x76: {  	_ =	shalt  }
0x77: {  	_ =	shalt  }
0x78: {  	_ =	shalt  }
0x79: {  	_ =	shalt  }
0x7a: {  	_ =	shalt  }
0x7b: {  	_ =	shalt  }
0x7c: {  	_ =	shalt  }
0x7d: {  	_ =	shalt  }
0x7e: {  	_ =	shalt  }
0x7f: {  	_ =	shalt  }
0x80: {  	_ =	shalt  }
0x81: {  	_ =	shalt  }
0x82: {  	_ =	shalt  }
0x83: {  	_ =	shalt  }
0x84: {  	_ =	shalt  }
0x85: {  	_ =	shalt  }
0x86: {  	_ =	shalt  }
0x87: {  	_ =	shalt  }
.Lfunc_end0:
.L_simem_size_0:
called_computation_lowered:
.L_overlay_start_0:
0x88: {  	s2 =	sld [smem:$0x3FD9]  }
0x89: {  	s3 =	sld [smem:$0x3FFE];
	_ =	sdelay $0x1  }
0x8a: {  	s1 =	srdreg.scid  }
0x8b: {  	s0 =	sand.u32 $0x1, s1  }
0x8c: {  	s18 =	sshll.u32 s0, $0xA;
	s2 =	sadd.s32 s3, s2  }
0x8d: {  	s2 =	sadd.s32 s2, s18  }
0x8e: {  	[smem:$0x3FC5] =	sst s2  }
0x8f: {  	_ = 	snop  }
0x90: {  	s2 =	sld [smem:$0x3FC9]  }
0x91: {  	s19 =	sld [smem:$0x3FC8]  }
0x92: {  	s4 =	sld [smem:$0x3FC7]  }
0x93: {  	s5 =	sld [smem:$0x3FD0];
	(tm) =	ssettm $0x1  }
0x94: {  	s6 =	sld [smem:$0x3FFB];
	_ =	sdelay $0x3  }
0x95: {  	_ =	strace s6  }
0x96: {  	s6 =	sld [smem:$0x3FFC];
	_ =	sdelay $0x3  }
0x97: {  	_ =	strace s6  }
0x98: {  	s6 =	sld [smem:$0x3FFD];
	_ =	sdelay $0x3  }
0x99: {  	_ =	strace s6  }
0x9a: {  	_ =	strace $0x8FFFFFFF  }
0x9b: {  	s20 =	sld [smem:$0x3FDB];
	_ =	sdelay $0x1  }
0x9c: {  	s7 =	simm.s32 $_scs_section_size  }
0x9d: {  	s8 =	simm.s32 $_size__tile_overlayer_lowered;
	s9 =	simm.s32 $_tile_overlayer_lowered  }
0x9e: {  	s23 =	simm.s32 $0x1BFF;
	s22 =	sshll.u32 s9, $0x1;
	s6 =	sadd.s32 s7, s20  }
0x9f: {  	s10 =	simm.s32 $0x0;
	s21 =	sshll.u32 s8, $0x1;
	s8 =	sadd.s32 s22, s6  }
0xa0: {  	[timem:s10], [sflag:s23] =	dma.local [hbm:s8], s21  }
0xa1: {  	_ =	swait.ge [sflag:s23], s21  }
0xa2: {  	s7 =	ssub.s32 $0x0, s21;
	[sflag:s23] =	ssyncset.done $0x0  }
0xa3: {  	[sflag:s23] =	ssyncadd.s32 s7;
	_ =	sdelay $0x1  }
0xa4: {  	s24 =	simm.s32 $0x1B8B  }
0xa5: {  	_ =	swait.ge [sflag:s24], $0x1  }
0xa6: {  	[sflag:s24] =	ssyncset.done $0x0  }
0xa7: {  	s25 =	simm.s32 $0x1B8E;
	[sflag:s24] =	ssyncadd.s32 $0xFFFFFFFF  }
0xa8: {  	s26 =	simm.s32 $execute0_lowered;
	[smem:$0x3FD2] =	sst s25  }
0xa9: {  	s7 =	sshll.u32 s26, $0x1;
	_ =	strace $0x80000046;
	[dreg:$0x1] =	wrdreg $0xFFFFFFFF  }
0xaa: {  	s28 =	simm.s32 $_size_execute0_lowered;
	s6 =	sadd.s32 s6, s7;
	[dreg:$0x0] =	wrdreg $0x0  }
0xab: {  	s7 =	sshll.u32 s28, $0x1;
	[dreg:$0x2] =	wrdreg s6  }
0xac: {  	[dreg:$0x3] =	wrdreg s7  }
0xad: {  	[dreg:$0x4] =	wrdreg $0xC0  }
0xae: {  	_ =	task [dreg:s10], $0x5FFFF  }
0xaf: {  	[dreg:$0x1] =	wrdreg $0xFFFFFFFF  }
0xb0: {  	[dreg:$0x0] =	wrdreg $0x60  }
0xb1: {  	[dreg:$0x2] =	wrdreg s2  }
0xb2: {  	[dreg:$0x3] =	wrdreg s19  }
0xb3: {  	[dreg:$0x4] =	wrdreg s4  }
0xb4: {  	[dreg:$0x5] =	wrdreg s5  }
0xb5: {  	[dreg:$0x6] =	wrdreg $0x9  }
0xb6: {  	_ =	task.clear_ibuf [dreg:s10], $0x7FFFF;
	_ =	strace $0x90000046  }
0xb7: {  	s29 =	simm.s32 $0x9;
	_ =	strace $0x80000048  }
0xb8: {  	_ =	swait.ge [sflag:s29], $0x1  }
0xb9: {  	[sflag:s29] =	ssyncadd.s32 $0xFFFFFFFF  }
0xba: {  	_ =	strace $0x90000048  }
0xbb: {  	_ =	sfence  }
0xbc: {  	s30 =	sld [smem:$0x0];
	_ =	sdelay $0x2  }
0xbd: {  	s31 =	sshll.u32 s1, $0xD;
	s1 =	sshrl.u32 s1, $0x2  }
0xbe: {  	s3 =	sand.u32 $0x4000, s31;
	s1 =	sadd.s32 s1, s30  }
0xbf: {  	s0 =	sor.u32 s3, s0;
	s1 =	sshll.u32 s1, $0x11  }
0xc0: {  	s0 =	sor.u32 s1, s0  }
0xc1: {  	s0 =	sadd.s32 $0x8F2B, s0  }
0xc2: {  	[sflag:s0] =	ssyncadd.remote.s32 $0x1  }
0xc3: {  	_ =	sfence.sel $0xFFFF  }
0xc4: {  	[dreg:$0x0] =	wrdreg $0xFFFFFFFF;
	(pc) =	sbr.abs _section_cstart, $3  }
0xc5: {  	[dreg:$0x1] =	wrdreg $0xFFFFFFFF  }
0xc6: {  	_ =	task.clear_ibuf [dreg:s10], $0x2FFFF;
	_ =	strace $0x9FFFFFFF  }
0xc7: {  	(tm) =	ssettm $0x7FFFFFFF  }
tec
execute0_lowered:
.L_overlay_start_1:
0x0: {  	(tag) =	ssettag $0x1  }
0x1: {  	s0 =	rddreg [dreg:$0x0]  }
0x2: {  	s1 =	rddreg [dreg:$0x1]  }
0x3: {  	s2 =	rddreg [dreg:$0x2]  }
0x4: {  	s4 =	rddreg [dreg:$0x3]  }
0x5: {  	s3 =	srdreg.scid;
	s6 =	stileid.u32;
	s20 =	simm.s32 $0x8  }
0x6: {  	s21 =	simm.s32 $0x200;
	s16 =	simm.s32 $0x6200;
	s19 =	simm.s32 $0x7  }
0x7: {  	s17 =	simm.s32 $0xC200;
	s18 =	simm.s32 $0x1;
	s22 =	simm.s32 $0x4  }
0x8: {  	s23 =	simm.s32 $0x2;
	s24 =	simm.s32 $0x3;
	s25 =	simm.s32 $0x5  }
0x9: {  	s26 =	simm.s32 $0x6;
	s28 =	simm.s32 $0x0;
	s5 =	sand.u32 $0x1, s3  }
0xa: {  	s3 =	simm.s32 $0x0;
	s6 =	sshll.u32 s6, $0x6;
	s7 =	sshll.u32 s5, $0x5  }
0xb: {  	[smem:$0x7FF] =	sst s3;
	s5 =	ssub.s32 $0x2, s5;
	s6 =	sor.u32 s7, s6  }
0xc: {  	_ =	strace $0x80000047;
	s10 =	sshrl.u32 s5, $0x1;
	s7 =	sshll.u32 s6, $0x2  }
0xd: {  	s8 =	sshrl.u32 s6, $0x3;
	s6 =	sand.u32 $0x60, s6;
	s15 =	ssub.s32 s5, s10  }
0xe: {  	s9 =	sand.u32 $0xE00, s7;
	s11 =	smul.u32 $0x300, s8;
	s15 =	smax.u32 s15, $0x1  }
0xf: {  	s29 =	sor.u32 s6, s9;
	s6 =	sor.u32 s6, s7;
	s9 =	sadd.s32 $0x100, s1  }
0x10: {  	s30 =	sshrl.u32 s29, $0x3;
	s2 =	sadd.s32 s2, s11;
	s31 =	sshrl.u32 s6, $0x3  }
0x11: {  	s10 =	sadd.s32 s4, s11;
	s11 =	sadd.s32 $0x200, s1;
	[dreg:$0x5] =	wrdreg s2  }
0x12: {  	v2 =	vlaneseq.u32;
	s5 =	sadd.s32 s0, s30;
	s2 =	sor.u32 $0x30, s31;
	s12 =	sadd.s32 $0x18000, s10  }
0x13: {  	vm0 =	vmmov $0xffff;
	v1 =	vshrl.u32 v2, $0x3;
	s13 =	sadd.s32 $0x30000, s10;
	s14 =	sadd.s32 $0x48000, s10;
	s6 =	sadd.s32 $0x10, s5  }
0x14: {  	v0 =	vand.u32 $0x7, v2;
	v2 =	vor.u32 $0x8, v2;
	v1 =	vmul.u32 $0x8, v1;
	s7 =	sadd.s32 $0x20, s5;
	s8 =	sadd.s32 s0, s2;
	s2 =	simm.s32 $0x5A00  }
.LBB2_1:
0x15: {  	s0 =	rddreg [dreg:$0x5];
	s4 =	simm.s32 $0x12200  }
0x16: {  	[tilespmem:s4], [sflag:$0x7] =	stream.linear.gather [hbm4b:s0+s3], $0x6000, $0x38;
	[tilespmem:$0x18200] =	vst v63  }
0x17: {  	_ = 	snop  }
0x18: {  	[tilespmem:s3], [sflag:$0x8] =	stream.linear.gather [hbm4b:s5+s3], $0x20, $0x38;
	[tilespmem:$0x18200] =	vst v63  }
0x19: {  	s4 =	simm.s32 $0x80  }
0x1a: {  	[tilespmem:s4], [sflag:$0x8] =	stream.linear.gather [hbm4b:s6+s3], $0x20, $0x38;
	[tilespmem:$0x18200] =	vst v63  }
0x1b: {  	s4 =	simm.s32 $0x100  }
0x1c: {  	[tilespmem:s4], [sflag:$0x8] =	stream.linear.gather [hbm4b:s7+s3], $0x20, $0x38;
	[tilespmem:$0x18200] =	vst v63  }
0x1d: {  	s4 =	simm.s32 $0x180  }
0x1e: {  	[tilespmem:s4], [sflag:$0x8] =	stream.linear.gather [hbm4b:s8+s3], $0x20, $0x38;
	[tilespmem:$0x18200] =	vst v63  }
0x1f: {  	_ =	swait.ge [sflag:s20], $0x20  }
0x20: {  	[sflag:s20] =	ssyncset.done $0x0  }
0x21: {  	[sflag:s20] =	ssyncadd.s32 $0xFFFFFFE0  }
0x22: {  	v3 =	vld [tilespmem:$0x0];
	_ =	sdelay $0x4  }
0x23: {  	v4 =	vshrl.u32 v3, $0x3  }
0x24: {  	v4 =	vmul.u32 $0x30, v4  }
0x25: {  	v3 =	vand.u32 $0x7, v3  }
0x26: {  	v3 =	vor.u32 v3, v4  }
0x27: {  	v4 =	vperm.xlane v3, v0;
	_ =	sdelay $0x1  }
0x28: {  	v4 =	vadd.s32 v1, v4;
	_ =	sdelay $0x3  }
0x29: {  	v3 =	vperm.xlane v3, v2  }
0x2a: {  	[tilespmem:s21], [sflag:$0x1] =	stream.indirect_vreg.gather [hbm4b:s1+s3], $0x80, v4, vm0, $0xb8;
	[tilespmem:$0x18200] =	vst v63  }
0x2b: {  	s4 =	simm.s32 $0xA00;
	v3 =	vadd.s32 v1, v3  }
0x2c: {  	[tilespmem:s4], [sflag:$0x1] =	stream.indirect_vreg.gather [hbm4b:s9+s3], $0x80, v4, vm0, $0xb8;
	[tilespmem:$0x18200] =	vst v63  }
0x2d: {  	s4 =	simm.s32 $0x1200  }
0x2e: {  	[tilespmem:s4], [sflag:$0x1] =	stream.indirect_vreg.gather [hbm4b:s11+s3], $0x80, v4, vm0, $0xb8;
	[tilespmem:$0x18200] =	vst v63  }
0x2f: {  	s4 =	simm.s32 $0x1A00  }
0x30: {  	[tilespmem:s4], [sflag:$0x1] =	stream.indirect_vreg.gather [hbm4b:s1+s3], $0x80, v3, vm0, $0xb8;
	[tilespmem:$0x18200] =	vst v63  }
0x31: {  	s4 =	simm.s32 $0x2200  }
0x32: {  	[tilespmem:s4], [sflag:$0x1] =	stream.indirect_vreg.gather [hbm4b:s9+s3], $0x80, v3, vm0, $0xb8;
	[tilespmem:$0x18200] =	vst v63  }
0x33: {  	s4 =	simm.s32 $0x2A00  }
0x34: {  	[tilespmem:s4], [sflag:$0x1] =	stream.indirect_vreg.gather [hbm4b:s11+s3], $0x80, v3, vm0, $0xb8;
	[tilespmem:$0x18200] =	vst v63  }
0x35: {  	v3 =	vld [tilespmem:$0x10];
	_ =	sdelay $0x4  }
0x36: {  	v4 =	vshrl.u32 v3, $0x3  }
0x37: {  	v4 =	vmul.u32 $0x30, v4  }
0x38: {  	v3 =	vand.u32 $0x7, v3  }
0x39: {  	v3 =	vor.u32 v3, v4  }
0x3a: {  	v4 =	vperm.xlane v3, v0;
	_ =	sdelay $0x1  }
0x3b: {  	v4 =	vadd.s32 v1, v4;
	_ =	sdelay $0x3  }
0x3c: {  	s4 =	simm.s32 $0x3200;
	v3 =	vperm.xlane v3, v2  }
0x3d: {  	[tilespmem:s4], [sflag:$0x1] =	stream.indirect_vreg.gather [hbm4b:s1+s3], $0x80, v4, vm0, $0xb8;
	[tilespmem:$0x18200] =	vst v63  }
0x3e: {  	v3 =	vadd.s32 v1, v3;
	s4 =	simm.s32 $0x3A00  }
0x3f: {  	[tilespmem:s4], [sflag:$0x1] =	stream.indirect_vreg.gather [hbm4b:s9+s3], $0x80, v4, vm0, $0xb8;
	[tilespmem:$0x18200] =	vst v63  }
0x40: {  	s4 =	simm.s32 $0x4200  }
0x41: {  	[tilespmem:s4], [sflag:$0x1] =	stream.indirect_vreg.gather [hbm4b:s11+s3], $0x80, v4, vm0, $0xb8;
	[tilespmem:$0x18200] =	vst v63  }
0x42: {  	s4 =	simm.s32 $0x4A00  }
0x43: {  	[tilespmem:s4], [sflag:$0x1] =	stream.indirect_vreg.gather [hbm4b:s1+s3], $0x80, v3, vm0, $0xb8;
	[tilespmem:$0x18200] =	vst v63  }
0x44: {  	s4 =	simm.s32 $0x5200  }
0x45: {  	[tilespmem:s4], [sflag:$0x1] =	stream.indirect_vreg.gather [hbm4b:s9+s3], $0x80, v3, vm0, $0xb8;
	[tilespmem:$0x18200] =	vst v63  }
0x46: {  	_ = 	snop  }
0x47: {  	[tilespmem:s2], [sflag:$0x1] =	stream.indirect_vreg.gather [hbm4b:s11+s3], $0x80, v3, vm0, $0xb8;
	[tilespmem:$0x18200] =	vst v63  }
0x48: {  	_ =	swait.ge [sflag:s20], $0x20  }
0x49: {  	[sflag:s20] =	ssyncset.done $0x0  }
0x4a: {  	[sflag:s20] =	ssyncadd.s32 $0xFFFFFFE0  }
0x4b: {  	v3 =	vld [tilespmem:$0x80];
	_ =	sdelay $0x4  }
0x4c: {  	v4 =	vshrl.u32 v3, $0x3  }
0x4d: {  	v4 =	vmul.u32 $0x30, v4  }
0x4e: {  	v3 =	vand.u32 $0x7, v3  }
0x4f: {  	v3 =	vor.u32 v3, v4  }
0x50: {  	v4 =	vperm.xlane v3, v0;
	_ =	sdelay $0x1  }
0x51: {  	v4 =	vadd.s32 v1, v4;
	_ =	sdelay $0x3  }
0x52: {  	v3 =	vperm.xlane v3, v2  }
0x53: {  	[tilespmem:s16], [sflag:$0x2] =	stream.indirect_vreg.gather [hbm4b:s1+s3], $0x80, v4, vm0, $0xb8;
	[tilespmem:$0x18200] =	vst v63  }
0x54: {  	s4 =	simm.s32 $0x6A00;
	v3 =	vadd.s32 v1, v3  }
0x55: {  	[tilespmem:s4], [sflag:$0x2] =	stream.indirect_vreg.gather [hbm4b:s9+s3], $0x80, v4, vm0, $0xb8;
	[tilespmem:$0x18200] =	vst v63  }
0x56: {  	s4 =	simm.s32 $0x7200  }
0x57: {  	[tilespmem:s4], [sflag:$0x2] =	stream.indirect_vreg.gather [hbm4b:s11+s3], $0x80, v4, vm0, $0xb8;
	[tilespmem:$0x18200] =	vst v63  }
0x58: {  	s4 =	simm.s32 $0x7A00  }
0x59: {  	[tilespmem:s4], [sflag:$0x2] =	stream.indirect_vreg.gather [hbm4b:s1+s3], $0x80, v3, vm0, $0xb8;
	[tilespmem:$0x18200] =	vst v63  }
0x5a: {  	s4 =	simm.s32 $0x8200  }
0x5b: {  	[tilespmem:s4], [sflag:$0x2] =	stream.indirect_vreg.gather [hbm4b:s9+s3], $0x80, v3, vm0, $0xb8;
	[tilespmem:$0x18200] =	vst v63  }
0x5c: {  	s4 =	simm.s32 $0x8A00  }
0x5d: {  	[tilespmem:s4], [sflag:$0x2] =	stream.indirect_vreg.gather [hbm4b:s11+s3], $0x80, v3, vm0, $0xb8;
	[tilespmem:$0x18200] =	vst v63  }
0x5e: {  	v3 =	vld [tilespmem:$0x90];
	_ =	sdelay $0x4  }
0x5f: {  	v4 =	vshrl.u32 v3, $0x3  }
0x60: {  	v4 =	vmul.u32 $0x30, v4  }
0x61: {  	v3 =	vand.u32 $0x7, v3  }
0x62: {  	v3 =	vor.u32 v3, v4  }
0x63: {  	v4 =	vperm.xlane v3, v0;
	_ =	sdelay $0x1  }
0x64: {  	v4 =	vadd.s32 v1, v4;
	_ =	sdelay $0x3  }
0x65: {  	s4 =	simm.s32 $0x9200;
	v3 =	vperm.xlane v3, v2  }
0x66: {  	[tilespmem:s4], [sflag:$0x2] =	stream.indirect_vreg.gather [hbm4b:s1+s3], $0x80, v4, vm0, $0xb8;
	[tilespmem:$0x18200] =	vst v63  }
0x67: {  	v3 =	vadd.s32 v1, v3;
	s4 =	simm.s32 $0x9A00  }
0x68: {  	[tilespmem:s4], [sflag:$0x2] =	stream.indirect_vreg.gather [hbm4b:s9+s3], $0x80, v4, vm0, $0xb8;
	[tilespmem:$0x18200] =	vst v63  }
0x69: {  	s4 =	simm.s32 $0xA200  }
0x6a: {  	[tilespmem:s4], [sflag:$0x2] =	stream.indirect_vreg.gather [hbm4b:s11+s3], $0x80, v4, vm0, $0xb8;
	[tilespmem:$0x18200] =	vst v63  }
0x6b: {  	s4 =	simm.s32 $0xAA00  }
0x6c: {  	[tilespmem:s4], [sflag:$0x2] =	stream.indirect_vreg.gather [hbm4b:s1+s3], $0x80, v3, vm0, $0xb8;
	[tilespmem:$0x18200] =	vst v63  }
0x6d: {  	s4 =	simm.s32 $0xB200  }
0x6e: {  	[tilespmem:s4], [sflag:$0x2] =	stream.indirect_vreg.gather [hbm4b:s9+s3], $0x80, v3, vm0, $0xb8;
	[tilespmem:$0x18200] =	vst v63  }
0x6f: {  	s4 =	simm.s32 $0xBA00  }
0x70: {  	[tilespmem:s4], [sflag:$0x2] =	stream.indirect_vreg.gather [hbm4b:s11+s3], $0x80, v3, vm0, $0xb8;
	[tilespmem:$0x18200] =	vst v63  }
0x71: {  	_ =	swait.ge [sflag:s19], $0x6000  }
0x72: {  	[sflag:s19] =	ssyncset.done $0x0  }
0x73: {  	[sflag:s19] =	ssyncadd.s32 $0xFFFFA000  }
0x74: {  	_ =	swait.ge [sflag:s20], $0x20  }
0x75: {  	[sflag:s20] =	ssyncset.done $0x0  }
0x76: {  	[sflag:s20] =	ssyncadd.s32 $0xFFFFFFE0  }
0x77: {  	v3 =	vld [tilespmem:$0x100];
	_ =	sdelay $0x4  }
0x78: {  	v4 =	vshrl.u32 v3, $0x3  }
0x79: {  	v4 =	vmul.u32 $0x30, v4  }
0x7a: {  	v3 =	vand.u32 $0x7, v3  }
0x7b: {  	v3 =	vor.u32 v3, v4  }
0x7c: {  	v4 =	vperm.xlane v3, v0;
	_ =	sdelay $0x1  }
0x7d: {  	v4 =	vadd.s32 v1, v4;
	_ =	sdelay $0x3  }
0x7e: {  	v3 =	vperm.xlane v3, v2  }
0x7f: {  	[tilespmem:s17], [sflag:$0x3] =	stream.indirect_vreg.gather [hbm4b:s1+s3], $0x80, v4, vm0, $0xb8;
	[tilespmem:$0x18200] =	vst v63  }
0x80: {  	s4 =	simm.s32 $0xCA00;
	v3 =	vadd.s32 v1, v3  }
0x81: {  	[tilespmem:s4], [sflag:$0x3] =	stream.indirect_vreg.gather [hbm4b:s9+s3], $0x80, v4, vm0, $0xb8;
	[tilespmem:$0x18200] =	vst v63  }
0x82: {  	s4 =	simm.s32 $0xD200  }
0x83: {  	[tilespmem:s4], [sflag:$0x3] =	stream.indirect_vreg.gather [hbm4b:s11+s3], $0x80, v4, vm0, $0xb8;
	[tilespmem:$0x18200] =	vst v63  }
0x84: {  	s4 =	simm.s32 $0xDA00  }
0x85: {  	[tilespmem:s4], [sflag:$0x3] =	stream.indirect_vreg.gather [hbm4b:s1+s3], $0x80, v3, vm0, $0xb8;
	[tilespmem:$0x18200] =	vst v63  }
0x86: {  	s4 =	simm.s32 $0xE200  }
0x87: {  	[tilespmem:s4], [sflag:$0x3] =	stream.indirect_vreg.gather [hbm4b:s9+s3], $0x80, v3, vm0, $0xb8;
	[tilespmem:$0x18200] =	vst v63  }
0x88: {  	s4 =	simm.s32 $0xEA00  }
0x89: {  	[tilespmem:s4], [sflag:$0x3] =	stream.indirect_vreg.gather [hbm4b:s11+s3], $0x80, v3, vm0, $0xb8;
	[tilespmem:$0x18200] =	vst v63  }
0x8a: {  	v3 =	vld [tilespmem:$0x110];
	_ =	sdelay $0x4  }
0x8b: {  	v4 =	vshrl.u32 v3, $0x3  }
0x8c: {  	v4 =	vmul.u32 $0x30, v4  }
0x8d: {  	v3 =	vand.u32 $0x7, v3  }
0x8e: {  	v3 =	vor.u32 v3, v4  }
0x8f: {  	v4 =	vperm.xlane v3, v0;
	_ =	sdelay $0x1  }
0x90: {  	v4 =	vadd.s32 v1, v4;
	_ =	sdelay $0x3  }
0x91: {  	s4 =	simm.s32 $0xF200;
	v3 =	vperm.xlane v3, v2  }
0x92: {  	[tilespmem:s4], [sflag:$0x3] =	stream.indirect_vreg.gather [hbm4b:s1+s3], $0x80, v4, vm0, $0xb8;
	[tilespmem:$0x18200] =	vst v63  }
0x93: {  	v3 =	vadd.s32 v1, v3;
	s4 =	simm.s32 $0xFA00  }
0x94: {  	[tilespmem:s4], [sflag:$0x3] =	stream.indirect_vreg.gather [hbm4b:s9+s3], $0x80, v4, vm0, $0xb8;
	[tilespmem:$0x18200] =	vst v63  }
0x95: {  	s4 =	simm.s32 $0x10200  }
0x96: {  	[tilespmem:s4], [sflag:$0x3] =	stream.indirect_vreg.gather [hbm4b:s11+s3], $0x80, v4, vm0, $0xb8;
	[tilespmem:$0x18200] =	vst v63  }
0x97: {  	s4 =	simm.s32 $0x10A00  }
0x98: {  	[tilespmem:s4], [sflag:$0x3] =	stream.indirect_vreg.gather [hbm4b:s1+s3], $0x80, v3, vm0, $0xb8;
	[tilespmem:$0x18200] =	vst v63  }
0x99: {  	s4 =	simm.s32 $0x11200  }
0x9a: {  	[tilespmem:s4], [sflag:$0x3] =	stream.indirect_vreg.gather [hbm4b:s9+s3], $0x80, v3, vm0, $0xb8;
	[tilespmem:$0x18200] =	vst v63  }
0x9b: {  	s0 =	simm.s32 $0x0;
	s4 =	simm.s32 $0x11A00  }
0x9c: {  	[tilespmem:s4], [sflag:$0x3] =	stream.indirect_vreg.gather [hbm4b:s11+s3], $0x80, v3, vm0, $0xb8;
	[tilespmem:$0x18200] =	vst v63  }
0x9d: {  	s4 =	smul.u32 $0x1800, s0;
	_ =	swait.ge [sflag:s18], $0x6000  }
0x9e: {  	s29 =	sand.u32 $0x380, s3;
	[sflag:s18] =	ssyncset.done $0x0  }
0x9f: {  	s29 =	sor.u32 s29, s4;
	[sflag:s18] =	ssyncadd.s32 $0xFFFFA000  }
0xa0: {  	v3 =	vld [tilespmem:s29+$0x13670]  }
0xa1: {  	v6 =	vld [tilespmem:s29+$0x12200]  }
0xa2: {  	v7 =	vld [tilespmem:s29+$0x12210]  }
0xa3: {  	v8 =	vld [tilespmem:s29+$0x12220]  }
0xa4: {  	v9 =	vld [tilespmem:s29+$0x12230]  }
0xa5: {  	v10 =	vld [tilespmem:s29+$0x12240]  }
0xa6: {  	v11 =	vld [tilespmem:s29+$0x12250]  }
0xa7: {  	v12 =	vld [tilespmem:s29+$0x12260]  }
0xa8: {  	v13 =	vld [tilespmem:s29+$0x12270]  }
0xa9: {  	v14 =	vld [tilespmem:s29+$0x12600]  }
0xaa: {  	v15 =	vld [tilespmem:s29+$0x12610]  }
0xab: {  	v16 =	vld [tilespmem:s29+$0x12620]  }
0xac: {  	v17 =	vld [tilespmem:s29+$0x12630]  }
0xad: {  	v18 =	vld [tilespmem:s29+$0x12640]  }
0xae: {  	v19 =	vld [tilespmem:s29+$0x12650]  }
0xaf: {  	v20 =	vld [tilespmem:s29+$0x12660]  }
0xb0: {  	v21 =	vld [tilespmem:s29+$0x12670]  }
0xb1: {  	v22 =	vld [tilespmem:s29+$0x12A00]  }
0xb2: {  	v23 =	vld [tilespmem:s29+$0x12A10]  }
0xb3: {  	v24 =	vld [tilespmem:s29+$0x12A20]  }
0xb4: {  	v25 =	vld [tilespmem:s29+$0x12A30]  }
0xb5: {  	v26 =	vld [tilespmem:s29+$0x12A40]  }
0xb6: {  	v27 =	vld [tilespmem:s29+$0x12A50]  }
0xb7: {  	v28 =	vld [tilespmem:s29+$0x12A60]  }
0xb8: {  	v29 =	vld [tilespmem:s29+$0x12A70]  }
0xb9: {  	v30 =	vld [tilespmem:s29+$0x12E00]  }
0xba: {  	v31 =	vld [tilespmem:s29+$0x12E10]  }
0xbb: {  	v32 =	vld [tilespmem:s29+$0x12E20]  }
0xbc: {  	v33 =	vld [tilespmem:s29+$0x12E30]  }
0xbd: {  	v34 =	vld [tilespmem:s29+$0x12E40]  }
0xbe: {  	v35 =	vld [tilespmem:s29+$0x12E50]  }
0xbf: {  	v36 =	vld [tilespmem:s29+$0x12E60]  }
0xc0: {  	v37 =	vld [tilespmem:s29+$0x12E70]  }
0xc1: {  	v38 =	vld [tilespmem:s29+$0x13200]  }
0xc2: {  	v39 =	vld [tilespmem:s29+$0x13210]  }
0xc3: {  	v40 =	vld [tilespmem:s29+$0x13220]  }
0xc4: {  	v41 =	vld [tilespmem:s29+$0x13230]  }
0xc5: {  	v42 =	vld [tilespmem:s29+$0x13240]  }
0xc6: {  	v43 =	vld [tilespmem:s29+$0x13250]  }
0xc7: {  	v44 =	vld [tilespmem:s29+$0x13260]  }
0xc8: {  	v45 =	vld [tilespmem:s29+$0x13270]  }
0xc9: {  	v46 =	vld [tilespmem:s29+$0x13600]  }
0xca: {  	v47 =	vld [tilespmem:s29+$0x13610]  }
0xcb: {  	v48 =	vld [tilespmem:s29+$0x13620]  }
0xcc: {  	v49 =	vld [tilespmem:s29+$0x13630]  }
0xcd: {  	v5 =	vld [tilespmem:s29+$0x13640]  }
0xce: {  	v4 =	vld [tilespmem:s29+$0x13650]  }
0xcf: {  	[tilespmem:s29+$0x1670] =	vst.add.f32.msk $0xffff, v3  }
0xd0: {  	v3 =	vld [tilespmem:s29+$0x13660]  }
0xd1: {  	[tilespmem:s29+$0x200] =	vst.add.f32.msk $0xffff, v6  }
0xd2: {  	[tilespmem:s29+$0x210] =	vst.add.f32.msk $0xffff, v7  }
0xd3: {  	[tilespmem:s29+$0x220] =	vst.add.f32.msk $0xffff, v8  }
0xd4: {  	[tilespmem:s29+$0x230] =	vst.add.f32.msk $0xffff, v9  }
0xd5: {  	[tilespmem:s29+$0x240] =	vst.add.f32.msk $0xffff, v10  }
0xd6: {  	[tilespmem:s29+$0x250] =	vst.add.f32.msk $0xffff, v11  }
0xd7: {  	[tilespmem:s29+$0x260] =	vst.add.f32.msk $0xffff, v12  }
0xd8: {  	[tilespmem:s29+$0x270] =	vst.add.f32.msk $0xffff, v13  }
0xd9: {  	[tilespmem:s29+$0x600] =	vst.add.f32.msk $0xffff, v14  }
0xda: {  	[tilespmem:s29+$0x610] =	vst.add.f32.msk $0xffff, v15  }
0xdb: {  	[tilespmem:s29+$0x620] =	vst.add.f32.msk $0xffff, v16  }
0xdc: {  	[tilespmem:s29+$0x630] =	vst.add.f32.msk $0xffff, v17  }
0xdd: {  	[tilespmem:s29+$0x640] =	vst.add.f32.msk $0xffff, v18  }
0xde: {  	[tilespmem:s29+$0x650] =	vst.add.f32.msk $0xffff, v19  }
0xdf: {  	[tilespmem:s29+$0x660] =	vst.add.f32.msk $0xffff, v20  }
0xe0: {  	[tilespmem:s29+$0x670] =	vst.add.f32.msk $0xffff, v21  }
0xe1: {  	[tilespmem:s29+$0xA00] =	vst.add.f32.msk $0xffff, v22  }
0xe2: {  	[tilespmem:s29+$0xA10] =	vst.add.f32.msk $0xffff, v23  }
0xe3: {  	[tilespmem:s29+$0xA20] =	vst.add.f32.msk $0xffff, v24  }
0xe4: {  	[tilespmem:s29+$0xA30] =	vst.add.f32.msk $0xffff, v25  }
0xe5: {  	[tilespmem:s29+$0xA40] =	vst.add.f32.msk $0xffff, v26  }
0xe6: {  	[tilespmem:s29+$0xA50] =	vst.add.f32.msk $0xffff, v27  }
0xe7: {  	[tilespmem:s29+$0xA60] =	vst.add.f32.msk $0xffff, v28  }
0xe8: {  	[tilespmem:s29+$0xA70] =	vst.add.f32.msk $0xffff, v29  }
0xe9: {  	[tilespmem:s29+$0xE00] =	vst.add.f32.msk $0xffff, v30  }
0xea: {  	[tilespmem:s29+$0xE10] =	vst.add.f32.msk $0xffff, v31  }
0xeb: {  	[tilespmem:s29+$0xE20] =	vst.add.f32.msk $0xffff, v32  }
0xec: {  	[tilespmem:s29+$0xE30] =	vst.add.f32.msk $0xffff, v33  }
0xed: {  	[tilespmem:s29+$0xE40] =	vst.add.f32.msk $0xffff, v34  }
0xee: {  	[tilespmem:s29+$0xE50] =	vst.add.f32.msk $0xffff, v35  }
0xef: {  	[tilespmem:s29+$0xE60] =	vst.add.f32.msk $0xffff, v36  }
0xf0: {  	[tilespmem:s29+$0xE70] =	vst.add.f32.msk $0xffff, v37  }
0xf1: {  	[tilespmem:s29+$0x1200] =	vst.add.f32.msk $0xffff, v38  }
0xf2: {  	[tilespmem:s29+$0x1210] =	vst.add.f32.msk $0xffff, v39  }
0xf3: {  	[tilespmem:s29+$0x1220] =	vst.add.f32.msk $0xffff, v40  }
0xf4: {  	[tilespmem:s29+$0x1230] =	vst.add.f32.msk $0xffff, v41  }
0xf5: {  	[tilespmem:s29+$0x1240] =	vst.add.f32.msk $0xffff, v42  }
0xf6: {  	[tilespmem:s29+$0x1250] =	vst.add.f32.msk $0xffff, v43  }
0xf7: {  	[tilespmem:s29+$0x1260] =	vst.add.f32.msk $0xffff, v44  }
0xf8: {  	[tilespmem:s29+$0x1270] =	vst.add.f32.msk $0xffff, v45  }
0xf9: {  	[tilespmem:s29+$0x1600] =	vst.add.f32.msk $0xffff, v46  }
0xfa: {  	[tilespmem:s29+$0x1610] =	vst.add.f32.msk $0xffff, v47  }
0xfb: {  	[tilespmem:s29+$0x1620] =	vst.add.f32.msk $0xffff, v48  }
0xfc: {  	s31 =	simm.s32 $0x2;
	s30 =	simm.s32 $0x0;
	s4 =	simm.s32 $0x0;
	[tilespmem:s29+$0x1630] =	vst.add.f32.msk $0xffff, v49  }
.LBB2_2:
0xfd: {  	p0 =	sne.s32 s31, $0x1F;
	s4 =	smul.u32 $0x1800, s4;
	[tilespmem:s29+$0x1640] =	vst.add.f32.msk $0xffff, v5;
	s30 =	sadd.s32 $0x80, s30  }
0xfe: {  	s0 =	sand.u32 $0x380, s30;
	[tilespmem:s29+$0x1650] =	vst.add.f32.msk $0xffff, v4  }
0xff: {  	[tilespmem:s29+$0x1660] =	vst.add.f32.msk $0xffff, v3;
	s29 =	sor.u32 s0, s4  }
0x100: {  	v3 =	vld [tilespmem:s29+$0x13670]  }
0x101: {  	v6 =	vld [tilespmem:s29+$0x12200]  }
0x102: {  	v7 =	vld [tilespmem:s29+$0x12210]  }
0x103: {  	v8 =	vld [tilespmem:s29+$0x12220]  }
0x104: {  	v9 =	vld [tilespmem:s29+$0x12230]  }
0x105: {  	[tilespmem:s29+$0x1670] =	vst.add.f32.msk $0xffff, v3  }
0x106: {  	v10 =	vld [tilespmem:s29+$0x12240]  }
0x107: {  	v11 =	vld [tilespmem:s29+$0x12250]  }
0x108: {  	v12 =	vld [tilespmem:s29+$0x12260]  }
0x109: {  	v13 =	vld [tilespmem:s29+$0x12270]  }
0x10a: {  	v14 =	vld [tilespmem:s29+$0x12600]  }
0x10b: {  	v15 =	vld [tilespmem:s29+$0x12610]  }
0x10c: {  	v16 =	vld [tilespmem:s29+$0x12620]  }
0x10d: {  	v17 =	vld [tilespmem:s29+$0x12630]  }
0x10e: {  	v18 =	vld [tilespmem:s29+$0x12640]  }
0x10f: {  	v19 =	vld [tilespmem:s29+$0x12650]  }
0x110: {  	v20 =	vld [tilespmem:s29+$0x12660]  }
0x111: {  	v21 =	vld [tilespmem:s29+$0x12670]  }
0x112: {  	v22 =	vld [tilespmem:s29+$0x12A00]  }
0x113: {  	v23 =	vld [tilespmem:s29+$0x12A10]  }
0x114: {  	v24 =	vld [tilespmem:s29+$0x12A20]  }
0x115: {  	v25 =	vld [tilespmem:s29+$0x12A30]  }
0x116: {  	v26 =	vld [tilespmem:s29+$0x12A40]  }
0x117: {  	v27 =	vld [tilespmem:s29+$0x12A50]  }
0x118: {  	v28 =	vld [tilespmem:s29+$0x12A60]  }
0x119: {  	v29 =	vld [tilespmem:s29+$0x12A70]  }
0x11a: {  	v30 =	vld [tilespmem:s29+$0x12E00]  }
0x11b: {  	v31 =	vld [tilespmem:s29+$0x12E10]  }
0x11c: {  	v32 =	vld [tilespmem:s29+$0x12E20]  }
0x11d: {  	v33 =	vld [tilespmem:s29+$0x12E30]  }
0x11e: {  	v34 =	vld [tilespmem:s29+$0x12E40]  }
0x11f: {  	v35 =	vld [tilespmem:s29+$0x12E50]  }
0x120: {  	v36 =	vld [tilespmem:s29+$0x12E60]  }
0x121: {  	v37 =	vld [tilespmem:s29+$0x12E70]  }
0x122: {  	v38 =	vld [tilespmem:s29+$0x13200]  }
0x123: {  	v39 =	vld [tilespmem:s29+$0x13210]  }
0x124: {  	v40 =	vld [tilespmem:s29+$0x13220]  }
0x125: {  	v41 =	vld [tilespmem:s29+$0x13230]  }
0x126: {  	v42 =	vld [tilespmem:s29+$0x13240]  }
0x127: {  	v43 =	vld [tilespmem:s29+$0x13250]  }
0x128: {  	v44 =	vld [tilespmem:s29+$0x13260]  }
0x129: {  	v45 =	vld [tilespmem:s29+$0x13270]  }
0x12a: {  	v46 =	vld [tilespmem:s29+$0x13600]  }
0x12b: {  	v47 =	vld [tilespmem:s29+$0x13610]  }
0x12c: {  	v48 =	vld [tilespmem:s29+$0x13620]  }
0x12d: {  	v49 =	vld [tilespmem:s29+$0x13630]  }
0x12e: {  	v5 =	vld [tilespmem:s29+$0x13640]  }
0x12f: {  	v4 =	vld [tilespmem:s29+$0x13650]  }
0x130: {  	v3 =	vld [tilespmem:s29+$0x13660]  }
0x131: {  	[tilespmem:s29+$0x200] =	vst.add.f32.msk $0xffff, v6  }
0x132: {  	[tilespmem:s29+$0x210] =	vst.add.f32.msk $0xffff, v7  }
0x133: {  	[tilespmem:s29+$0x220] =	vst.add.f32.msk $0xffff, v8  }
0x134: {  	[tilespmem:s29+$0x230] =	vst.add.f32.msk $0xffff, v9  }
0x135: {  	[tilespmem:s29+$0x240] =	vst.add.f32.msk $0xffff, v10  }
0x136: {  	[tilespmem:s29+$0x250] =	vst.add.f32.msk $0xffff, v11  }
0x137: {  	[tilespmem:s29+$0x260] =	vst.add.f32.msk $0xffff, v12  }
0x138: {  	[tilespmem:s29+$0x270] =	vst.add.f32.msk $0xffff, v13  }
0x139: {  	[tilespmem:s29+$0x600] =	vst.add.f32.msk $0xffff, v14  }
0x13a: {  	[tilespmem:s29+$0x610] =	vst.add.f32.msk $0xffff, v15  }
0x13b: {  	[tilespmem:s29+$0x620] =	vst.add.f32.msk $0xffff, v16  }
0x13c: {  	[tilespmem:s29+$0x630] =	vst.add.f32.msk $0xffff, v17  }
0x13d: {  	[tilespmem:s29+$0x640] =	vst.add.f32.msk $0xffff, v18  }
0x13e: {  	[tilespmem:s29+$0x650] =	vst.add.f32.msk $0xffff, v19  }
0x13f: {  	[tilespmem:s29+$0x660] =	vst.add.f32.msk $0xffff, v20  }
0x140: {  	[tilespmem:s29+$0x670] =	vst.add.f32.msk $0xffff, v21  }
0x141: {  	[tilespmem:s29+$0xA00] =	vst.add.f32.msk $0xffff, v22  }
0x142: {  	[tilespmem:s29+$0xA10] =	vst.add.f32.msk $0xffff, v23  }
0x143: {  	[tilespmem:s29+$0xA20] =	vst.add.f32.msk $0xffff, v24  }
0x144: {  	[tilespmem:s29+$0xA30] =	vst.add.f32.msk $0xffff, v25  }
0x145: {  	[tilespmem:s29+$0xA40] =	vst.add.f32.msk $0xffff, v26  }
0x146: {  	[tilespmem:s29+$0xA50] =	vst.add.f32.msk $0xffff, v27  }
0x147: {  	[tilespmem:s29+$0xA60] =	vst.add.f32.msk $0xffff, v28  }
0x148: {  	[tilespmem:s29+$0xA70] =	vst.add.f32.msk $0xffff, v29  }
0x149: {  	[tilespmem:s29+$0xE00] =	vst.add.f32.msk $0xffff, v30  }
0x14a: {  	[tilespmem:s29+$0xE10] =	vst.add.f32.msk $0xffff, v31  }
0x14b: {  	[tilespmem:s29+$0xE20] =	vst.add.f32.msk $0xffff, v32  }
0x14c: {  	[tilespmem:s29+$0xE30] =	vst.add.f32.msk $0xffff, v33  }
0x14d: {  	[tilespmem:s29+$0xE40] =	vst.add.f32.msk $0xffff, v34  }
0x14e: {  	[tilespmem:s29+$0xE50] =	vst.add.f32.msk $0xffff, v35  }
0x14f: {  	[tilespmem:s29+$0xE60] =	vst.add.f32.msk $0xffff, v36  }
0x150: {  	[tilespmem:s29+$0xE70] =	vst.add.f32.msk $0xffff, v37  }
0x151: {  	[tilespmem:s29+$0x1200] =	vst.add.f32.msk $0xffff, v38  }
0x152: {  	[tilespmem:s29+$0x1210] =	vst.add.f32.msk $0xffff, v39  }
0x153: {  	[tilespmem:s29+$0x1220] =	vst.add.f32.msk $0xffff, v40  }
0x154: {  	[tilespmem:s29+$0x1230] =	vst.add.f32.msk $0xffff, v41  }
0x155: {  	[tilespmem:s29+$0x1240] =	vst.add.f32.msk $0xffff, v42  }
0x156: {  	[tilespmem:s29+$0x1250] =	vst.add.f32.msk $0xffff, v43  }
0x157: {  	[tilespmem:s29+$0x1260] =	vst.add.f32.msk $0xffff, v44  }
.Ltmp0:
0x158: {  	[tilespmem:s29+$0x1270] =	vst.add.f32.msk $0xffff, v45;
	(pc) =	sbr.rel @p0 .LBB2_2-.Ltmp0, $4  }
0x159: {  	[tilespmem:s29+$0x1600] =	vst.add.f32.msk $0xffff, v46  }
0x15a: {  	[tilespmem:s29+$0x1610] =	vst.add.f32.msk $0xffff, v47  }
0x15b: {  	[tilespmem:s29+$0x1620] =	vst.add.f32.msk $0xffff, v48  }
0x15c: {  	s4 =	sshrl.u32 s31, $0x3;
	s31 =	sadd.s32 $0x1, s31;
	[tilespmem:s29+$0x1630] =	vst.add.f32.msk $0xffff, v49  }
0x15d: {  	s0 =	smul.u32 $0x1800, s4;
	[tilespmem:s29+$0x1640] =	vst.add.f32.msk $0xffff, v5;
	s4 =	sadd.s32 $0x80, s30  }
0x15e: {  	[tilespmem:s29+$0x1650] =	vst.add.f32.msk $0xffff, v4;
	s4 =	sand.u32 $0x380, s4  }
0x15f: {  	[tilespmem:s29+$0x1660] =	vst.add.f32.msk $0xffff, v3;
	s30 =	sor.u32 s4, s0  }
0x160: {  	v3 =	vld [tilespmem:s30+$0x13670]  }
0x161: {  	v4 =	vld [tilespmem:s30+$0x12200]  }
0x162: {  	v5 =	vld [tilespmem:s30+$0x12210]  }
0x163: {  	v6 =	vld [tilespmem:s30+$0x12220]  }
0x164: {  	v7 =	vld [tilespmem:s30+$0x12230]  }
0x165: {  	v8 =	vld [tilespmem:s30+$0x12250]  }
0x166: {  	v9 =	vld [tilespmem:s30+$0x12260]  }
0x167: {  	v10 =	vld [tilespmem:s30+$0x12270]  }
0x168: {  	v11 =	vld [tilespmem:s30+$0x12600]  }
0x169: {  	v12 =	vld [tilespmem:s30+$0x12610]  }
0x16a: {  	v13 =	vld [tilespmem:s30+$0x12620]  }
0x16b: {  	v14 =	vld [tilespmem:s30+$0x12630]  }
0x16c: {  	v15 =	vld [tilespmem:s30+$0x12640]  }
0x16d: {  	v16 =	vld [tilespmem:s30+$0x12650]  }
0x16e: {  	v17 =	vld [tilespmem:s30+$0x12660]  }
0x16f: {  	v18 =	vld [tilespmem:s30+$0x12670]  }
0x170: {  	v19 =	vld [tilespmem:s30+$0x12A00]  }
0x171: {  	v20 =	vld [tilespmem:s30+$0x12A10]  }
0x172: {  	v21 =	vld [tilespmem:s30+$0x12A20]  }
0x173: {  	v22 =	vld [tilespmem:s30+$0x12A30]  }
0x174: {  	v23 =	vld [tilespmem:s30+$0x12A40]  }
0x175: {  	v24 =	vld [tilespmem:s30+$0x12A50]  }
0x176: {  	v25 =	vld [tilespmem:s30+$0x12A60]  }
0x177: {  	v26 =	vld [tilespmem:s30+$0x12A70]  }
0x178: {  	v27 =	vld [tilespmem:s30+$0x12E00]  }
0x179: {  	v28 =	vld [tilespmem:s30+$0x12E10]  }
0x17a: {  	v29 =	vld [tilespmem:s30+$0x12E20]  }
0x17b: {  	v30 =	vld [tilespmem:s30+$0x12E30]  }
0x17c: {  	v31 =	vld [tilespmem:s30+$0x12E40]  }
0x17d: {  	v32 =	vld [tilespmem:s30+$0x12E50]  }
0x17e: {  	v33 =	vld [tilespmem:s30+$0x12E60]  }
0x17f: {  	v34 =	vld [tilespmem:s30+$0x12E70]  }
0x180: {  	v35 =	vld [tilespmem:s30+$0x13200]  }
0x181: {  	v36 =	vld [tilespmem:s30+$0x13210]  }
0x182: {  	v37 =	vld [tilespmem:s30+$0x13220]  }
0x183: {  	v38 =	vld [tilespmem:s30+$0x13230]  }
0x184: {  	v39 =	vld [tilespmem:s30+$0x13240]  }
0x185: {  	v40 =	vld [tilespmem:s30+$0x13250]  }
0x186: {  	v41 =	vld [tilespmem:s30+$0x13260]  }
0x187: {  	v42 =	vld [tilespmem:s30+$0x13270]  }
0x188: {  	v43 =	vld [tilespmem:s30+$0x13600]  }
0x189: {  	v44 =	vld [tilespmem:s30+$0x13610]  }
0x18a: {  	v45 =	vld [tilespmem:s30+$0x13620]  }
0x18b: {  	v46 =	vld [tilespmem:s30+$0x13630]  }
0x18c: {  	v47 =	vld [tilespmem:s30+$0x13640]  }
0x18d: {  	v48 =	vld [tilespmem:s30+$0x13650]  }
0x18e: {  	v49 =	vld [tilespmem:s30+$0x13660]  }
0x18f: {  	[tilespmem:s30+$0x1670] =	vst.add.f32.msk $0xffff, v3  }
0x190: {  	v3 =	vld [tilespmem:s30+$0x12240]  }
0x191: {  	[tilespmem:s30+$0x200] =	vst.add.f32.msk $0xffff, v4  }
0x192: {  	[tilespmem:s30+$0x210] =	vst.add.f32.msk $0xffff, v5  }
0x193: {  	[tilespmem:s30+$0x220] =	vst.add.f32.msk $0xffff, v6  }
0x194: {  	[tilespmem:s30+$0x230] =	vst.add.f32.msk $0xffff, v7  }
0x195: {  	[tilespmem:s30+$0x250] =	vst.add.f32.msk $0xffff, v8  }
0x196: {  	[tilespmem:s30+$0x260] =	vst.add.f32.msk $0xffff, v9  }
0x197: {  	[tilespmem:s30+$0x270] =	vst.add.f32.msk $0xffff, v10  }
0x198: {  	[tilespmem:s30+$0x600] =	vst.add.f32.msk $0xffff, v11  }
0x199: {  	[tilespmem:s30+$0x610] =	vst.add.f32.msk $0xffff, v12  }
0x19a: {  	[tilespmem:s30+$0x620] =	vst.add.f32.msk $0xffff, v13  }
0x19b: {  	[tilespmem:s30+$0x630] =	vst.add.f32.msk $0xffff, v14  }
0x19c: {  	[tilespmem:s30+$0x640] =	vst.add.f32.msk $0xffff, v15  }
0x19d: {  	[tilespmem:s30+$0x650] =	vst.add.f32.msk $0xffff, v16  }
0x19e: {  	[tilespmem:s30+$0x660] =	vst.add.f32.msk $0xffff, v17  }
0x19f: {  	[tilespmem:s30+$0x670] =	vst.add.f32.msk $0xffff, v18  }
0x1a0: {  	[tilespmem:s30+$0xA00] =	vst.add.f32.msk $0xffff, v19  }
0x1a1: {  	[tilespmem:s30+$0xA10] =	vst.add.f32.msk $0xffff, v20  }
0x1a2: {  	[tilespmem:s30+$0xA20] =	vst.add.f32.msk $0xffff, v21  }
0x1a3: {  	[tilespmem:s30+$0xA30] =	vst.add.f32.msk $0xffff, v22  }
0x1a4: {  	[tilespmem:s30+$0xA40] =	vst.add.f32.msk $0xffff, v23  }
0x1a5: {  	[tilespmem:s30+$0xA50] =	vst.add.f32.msk $0xffff, v24  }
0x1a6: {  	[tilespmem:s30+$0xA60] =	vst.add.f32.msk $0xffff, v25  }
0x1a7: {  	[tilespmem:s30+$0xA70] =	vst.add.f32.msk $0xffff, v26  }
0x1a8: {  	[tilespmem:s30+$0xE00] =	vst.add.f32.msk $0xffff, v27  }
0x1a9: {  	[tilespmem:s30+$0xE10] =	vst.add.f32.msk $0xffff, v28  }
0x1aa: {  	[tilespmem:s30+$0xE20] =	vst.add.f32.msk $0xffff, v29  }
0x1ab: {  	[tilespmem:s30+$0xE30] =	vst.add.f32.msk $0xffff, v30  }
0x1ac: {  	[tilespmem:s30+$0xE40] =	vst.add.f32.msk $0xffff, v31  }
0x1ad: {  	[tilespmem:s30+$0xE50] =	vst.add.f32.msk $0xffff, v32  }
0x1ae: {  	[tilespmem:s30+$0xE60] =	vst.add.f32.msk $0xffff, v33  }
0x1af: {  	[tilespmem:s30+$0xE70] =	vst.add.f32.msk $0xffff, v34  }
0x1b0: {  	[tilespmem:s30+$0x1200] =	vst.add.f32.msk $0xffff, v35  }
0x1b1: {  	[tilespmem:s30+$0x1210] =	vst.add.f32.msk $0xffff, v36  }
0x1b2: {  	[tilespmem:s30+$0x1220] =	vst.add.f32.msk $0xffff, v37  }
0x1b3: {  	[tilespmem:s30+$0x1230] =	vst.add.f32.msk $0xffff, v38  }
0x1b4: {  	[tilespmem:s30+$0x1240] =	vst.add.f32.msk $0xffff, v39  }
0x1b5: {  	[tilespmem:s30+$0x1250] =	vst.add.f32.msk $0xffff, v40  }
0x1b6: {  	[tilespmem:s30+$0x1260] =	vst.add.f32.msk $0xffff, v41  }
0x1b7: {  	[tilespmem:s30+$0x1270] =	vst.add.f32.msk $0xffff, v42  }
0x1b8: {  	[tilespmem:s30+$0x1600] =	vst.add.f32.msk $0xffff, v43  }
0x1b9: {  	[tilespmem:s30+$0x1610] =	vst.add.f32.msk $0xffff, v44  }
0x1ba: {  	[tilespmem:s30+$0x1620] =	vst.add.f32.msk $0xffff, v45  }
0x1bb: {  	[tilespmem:s30+$0x1630] =	vst.add.f32.msk $0xffff, v46  }
0x1bc: {  	[tilespmem:s30+$0x1640] =	vst.add.f32.msk $0xffff, v47  }
0x1bd: {  	[tilespmem:s30+$0x1650] =	vst.add.f32.msk $0xffff, v48  }
0x1be: {  	[tilespmem:s30+$0x1660] =	vst.add.f32.msk $0xffff, v49  }
0x1bf: {  	s29 =	simm.s32 $0x0;
	[tilespmem:s30+$0x240] =	vst.add.f32.msk $0xffff, v3  }
0x1c0: {  	[hbm4b:s10+s29] =	stream.linear.scatter [tilespmem:s21], [sflag:$0x4], $0x6000, $0x38;
	[tilespmem:$0x18200] =	vst v63  }
0x1c1: {  	_ =	swait.ge [sflag:s22], $0x6000  }
0x1c2: {  	[sflag:s22] =	ssyncset.done $0x0  }
0x1c3: {  	[sflag:s22] =	ssyncadd.s32 $0xFFFFA000  }
0x1c4: {  	_ =	swait.ge [sflag:s20], $0x20  }
0x1c5: {  	[sflag:s20] =	ssyncset.done $0x0  }
0x1c6: {  	[sflag:s20] =	ssyncadd.s32 $0xFFFFFFE0  }
0x1c7: {  	v3 =	vld [tilespmem:$0x180];
	_ =	sdelay $0x4  }
0x1c8: {  	v4 =	vshrl.u32 v3, $0x3  }
0x1c9: {  	v4 =	vmul.u32 $0x30, v4  }
0x1ca: {  	v3 =	vand.u32 $0x7, v3  }
0x1cb: {  	v3 =	vor.u32 v3, v4  }
0x1cc: {  	v4 =	vperm.xlane v3, v0;
	_ =	sdelay $0x1  }
0x1cd: {  	v4 =	vadd.s32 v1, v4;
	_ =	sdelay $0x3  }
0x1ce: {  	v3 =	vperm.xlane v3, v2  }
0x1cf: {  	[tilespmem:s21], [sflag:$0x1] =	stream.indirect_vreg.gather [hbm4b:s1+s29], $0x80, v4, vm0, $0xb8;
	[tilespmem:$0x18200] =	vst v63  }
0x1d0: {  	s4 =	simm.s32 $0xA00;
	v3 =	vadd.s32 v1, v3  }
0x1d1: {  	[tilespmem:s4], [sflag:$0x1] =	stream.indirect_vreg.gather [hbm4b:s9+s29], $0x80, v4, vm0, $0xb8;
	[tilespmem:$0x18200] =	vst v63  }
0x1d2: {  	s4 =	simm.s32 $0x1200  }
0x1d3: {  	[tilespmem:s4], [sflag:$0x1] =	stream.indirect_vreg.gather [hbm4b:s11+s29], $0x80, v4, vm0, $0xb8;
	[tilespmem:$0x18200] =	vst v63  }
0x1d4: {  	s4 =	simm.s32 $0x1A00  }
0x1d5: {  	[tilespmem:s4], [sflag:$0x1] =	stream.indirect_vreg.gather [hbm4b:s1+s29], $0x80, v3, vm0, $0xb8;
	[tilespmem:$0x18200] =	vst v63  }
0x1d6: {  	s4 =	simm.s32 $0x2200  }
0x1d7: {  	[tilespmem:s4], [sflag:$0x1] =	stream.indirect_vreg.gather [hbm4b:s9+s29], $0x80, v3, vm0, $0xb8;
	[tilespmem:$0x18200] =	vst v63  }
0x1d8: {  	s4 =	simm.s32 $0x2A00  }
0x1d9: {  	[tilespmem:s4], [sflag:$0x1] =	stream.indirect_vreg.gather [hbm4b:s11+s29], $0x80, v3, vm0, $0xb8;
	[tilespmem:$0x18200] =	vst v63  }
0x1da: {  	v3 =	vld [tilespmem:$0x190];
	_ =	sdelay $0x4  }
0x1db: {  	v4 =	vshrl.u32 v3, $0x3  }
0x1dc: {  	v4 =	vmul.u32 $0x30, v4  }
0x1dd: {  	v3 =	vand.u32 $0x7, v3  }
0x1de: {  	v3 =	vor.u32 v3, v4  }
0x1df: {  	v4 =	vperm.xlane v3, v0;
	_ =	sdelay $0x1  }
0x1e0: {  	v4 =	vadd.s32 v1, v4;
	_ =	sdelay $0x3  }
0x1e1: {  	s4 =	simm.s32 $0x3200;
	v3 =	vperm.xlane v3, v2  }
0x1e2: {  	[tilespmem:s4], [sflag:$0x1] =	stream.indirect_vreg.gather [hbm4b:s1+s29], $0x80, v4, vm0, $0xb8;
	[tilespmem:$0x18200] =	vst v63  }
0x1e3: {  	v3 =	vadd.s32 v1, v3;
	s4 =	simm.s32 $0x3A00  }
0x1e4: {  	[tilespmem:s4], [sflag:$0x1] =	stream.indirect_vreg.gather [hbm4b:s9+s29], $0x80, v4, vm0, $0xb8;
	[tilespmem:$0x18200] =	vst v63  }
0x1e5: {  	s4 =	simm.s32 $0x4200  }
0x1e6: {  	[tilespmem:s4], [sflag:$0x1] =	stream.indirect_vreg.gather [hbm4b:s11+s29], $0x80, v4, vm0, $0xb8;
	[tilespmem:$0x18200] =	vst v63  }
0x1e7: {  	s4 =	simm.s32 $0x4A00  }
0x1e8: {  	[tilespmem:s4], [sflag:$0x1] =	stream.indirect_vreg.gather [hbm4b:s1+s29], $0x80, v3, vm0, $0xb8;
	[tilespmem:$0x18200] =	vst v63  }
0x1e9: {  	s4 =	simm.s32 $0x5200  }
0x1ea: {  	[tilespmem:s4], [sflag:$0x1] =	stream.indirect_vreg.gather [hbm4b:s9+s29], $0x80, v3, vm0, $0xb8;
	[tilespmem:$0x18200] =	vst v63  }
0x1eb: {  	s4 =	simm.s32 $0x0  }
0x1ec: {  	[tilespmem:s2], [sflag:$0x1] =	stream.indirect_vreg.gather [hbm4b:s11+s29], $0x80, v3, vm0, $0xb8;
	[tilespmem:$0x18200] =	vst v63  }
0x1ed: {  	s0 =	smul.u32 $0x1800, s4;
	_ =	swait.ge [sflag:s23], $0x6000  }
0x1ee: {  	s4 =	sand.u32 $0x380, s29;
	[sflag:s23] =	ssyncset.done $0x0  }
0x1ef: {  	s30 =	sor.u32 s4, s0;
	[sflag:s23] =	ssyncadd.s32 $0xFFFFA000  }
0x1f0: {  	v3 =	vld [tilespmem:s30+$0x13670]  }
0x1f1: {  	v6 =	vld [tilespmem:s30+$0x12200]  }
0x1f2: {  	v7 =	vld [tilespmem:s30+$0x12210]  }
0x1f3: {  	v8 =	vld [tilespmem:s30+$0x12220]  }
0x1f4: {  	v9 =	vld [tilespmem:s30+$0x12230]  }
0x1f5: {  	v10 =	vld [tilespmem:s30+$0x12240]  }
0x1f6: {  	v11 =	vld [tilespmem:s30+$0x12250]  }
0x1f7: {  	v12 =	vld [tilespmem:s30+$0x12260]  }
0x1f8: {  	v13 =	vld [tilespmem:s30+$0x12270]  }
0x1f9: {  	v14 =	vld [tilespmem:s30+$0x12600]  }
0x1fa: {  	v15 =	vld [tilespmem:s30+$0x12610]  }
0x1fb: {  	v16 =	vld [tilespmem:s30+$0x12620]  }
0x1fc: {  	v17 =	vld [tilespmem:s30+$0x12630]  }
0x1fd: {  	v18 =	vld [tilespmem:s30+$0x12640]  }
0x1fe: {  	v19 =	vld [tilespmem:s30+$0x12650]  }
0x1ff: {  	v20 =	vld [tilespmem:s30+$0x12660]  }
0x200: {  	v21 =	vld [tilespmem:s30+$0x12670]  }
0x201: {  	v22 =	vld [tilespmem:s30+$0x12A00]  }
0x202: {  	v23 =	vld [tilespmem:s30+$0x12A10]  }
0x203: {  	v24 =	vld [tilespmem:s30+$0x12A20]  }
0x204: {  	v25 =	vld [tilespmem:s30+$0x12A30]  }
0x205: {  	v26 =	vld [tilespmem:s30+$0x12A40]  }
0x206: {  	v27 =	vld [tilespmem:s30+$0x12A50]  }
0x207: {  	v28 =	vld [tilespmem:s30+$0x12A60]  }
0x208: {  	v29 =	vld [tilespmem:s30+$0x12A70]  }
0x209: {  	v30 =	vld [tilespmem:s30+$0x12E00]  }
0x20a: {  	v31 =	vld [tilespmem:s30+$0x12E10]  }
0x20b: {  	v32 =	vld [tilespmem:s30+$0x12E20]  }
0x20c: {  	v33 =	vld [tilespmem:s30+$0x12E30]  }
0x20d: {  	v34 =	vld [tilespmem:s30+$0x12E40]  }
0x20e: {  	v35 =	vld [tilespmem:s30+$0x12E50]  }
0x20f: {  	v36 =	vld [tilespmem:s30+$0x12E60]  }
0x210: {  	v37 =	vld [tilespmem:s30+$0x12E70]  }
0x211: {  	v52 =	vld [tilespmem:s30+$0x13200]  }
0x212: {  	v53 =	vld [tilespmem:s30+$0x13210]  }
0x213: {  	v54 =	vld [tilespmem:s30+$0x13220]  }
0x214: {  	v55 =	vld [tilespmem:s30+$0x13230]  }
0x215: {  	v56 =	vld [tilespmem:s30+$0x13240]  }
0x216: {  	v57 =	vld [tilespmem:s30+$0x13250]  }
0x217: {  	v58 =	vld [tilespmem:s30+$0x13260]  }
0x218: {  	v59 =	vld [tilespmem:s30+$0x13270]  }
0x219: {  	v60 =	vld [tilespmem:s30+$0x13600]  }
0x21a: {  	v61 =	vld [tilespmem:s30+$0x13610]  }
0x21b: {  	v62 =	vld [tilespmem:s30+$0x13620]  }
0x21c: {  	v63 =	vld [tilespmem:s30+$0x13630]  }
0x21d: {  	v5 =	vld [tilespmem:s30+$0x13640]  }
0x21e: {  	v4 =	vld [tilespmem:s30+$0x13650]  }
0x21f: {  	[tilespmem:s30+$0x7670] =	vst.add.f32.msk $0xffff, v3  }
0x220: {  	v3 =	vld [tilespmem:s30+$0x13660]  }
0x221: {  	[tilespmem:s30+$0x6200] =	vst.add.f32.msk $0xffff, v6  }
0x222: {  	[tilespmem:s30+$0x6210] =	vst.add.f32.msk $0xffff, v7  }
0x223: {  	[tilespmem:s30+$0x6220] =	vst.add.f32.msk $0xffff, v8  }
0x224: {  	[tilespmem:s30+$0x6230] =	vst.add.f32.msk $0xffff, v9  }
0x225: {  	[tilespmem:s30+$0x6240] =	vst.add.f32.msk $0xffff, v10  }
0x226: {  	[tilespmem:s30+$0x6250] =	vst.add.f32.msk $0xffff, v11  }
0x227: {  	[tilespmem:s30+$0x6260] =	vst.add.f32.msk $0xffff, v12  }
0x228: {  	[tilespmem:s30+$0x6270] =	vst.add.f32.msk $0xffff, v13  }
0x229: {  	[tilespmem:s30+$0x6600] =	vst.add.f32.msk $0xffff, v14  }
0x22a: {  	[tilespmem:s30+$0x6610] =	vst.add.f32.msk $0xffff, v15  }
0x22b: {  	[tilespmem:s30+$0x6620] =	vst.add.f32.msk $0xffff, v16  }
0x22c: {  	[tilespmem:s30+$0x6630] =	vst.add.f32.msk $0xffff, v17  }
0x22d: {  	[tilespmem:s30+$0x6640] =	vst.add.f32.msk $0xffff, v18  }
0x22e: {  	[tilespmem:s30+$0x6650] =	vst.add.f32.msk $0xffff, v19  }
0x22f: {  	[tilespmem:s30+$0x6660] =	vst.add.f32.msk $0xffff, v20  }
0x230: {  	[tilespmem:s30+$0x6670] =	vst.add.f32.msk $0xffff, v21  }
0x231: {  	[tilespmem:s30+$0x6A00] =	vst.add.f32.msk $0xffff, v22  }
0x232: {  	[tilespmem:s30+$0x6A10] =	vst.add.f32.msk $0xffff, v23  }
0x233: {  	[tilespmem:s30+$0x6A20] =	vst.add.f32.msk $0xffff, v24  }
0x234: {  	[tilespmem:s30+$0x6A30] =	vst.add.f32.msk $0xffff, v25  }
0x235: {  	[tilespmem:s30+$0x6A40] =	vst.add.f32.msk $0xffff, v26  }
0x236: {  	[tilespmem:s30+$0x6A50] =	vst.add.f32.msk $0xffff, v27  }
0x237: {  	[tilespmem:s30+$0x6A60] =	vst.add.f32.msk $0xffff, v28  }
0x238: {  	[tilespmem:s30+$0x6A70] =	vst.add.f32.msk $0xffff, v29  }
0x239: {  	[tilespmem:s30+$0x6E00] =	vst.add.f32.msk $0xffff, v30  }
0x23a: {  	[tilespmem:s30+$0x6E10] =	vst.add.f32.msk $0xffff, v31  }
0x23b: {  	[tilespmem:s30+$0x6E20] =	vst.add.f32.msk $0xffff, v32  }
0x23c: {  	[tilespmem:s30+$0x6E30] =	vst.add.f32.msk $0xffff, v33  }
0x23d: {  	[tilespmem:s30+$0x6E40] =	vst.add.f32.msk $0xffff, v34  }
0x23e: {  	[tilespmem:s30+$0x6E50] =	vst.add.f32.msk $0xffff, v35  }
0x23f: {  	[tilespmem:s30+$0x6E60] =	vst.add.f32.msk $0xffff, v36  }
0x240: {  	[tilespmem:s30+$0x6E70] =	vst.add.f32.msk $0xffff, v37  }
0x241: {  	[tilespmem:s30+$0x7200] =	vst.add.f32.msk $0xffff, v52  }
0x242: {  	[tilespmem:s30+$0x7210] =	vst.add.f32.msk $0xffff, v53  }
0x243: {  	[tilespmem:s30+$0x7220] =	vst.add.f32.msk $0xffff, v54  }
0x244: {  	[tilespmem:s30+$0x7230] =	vst.add.f32.msk $0xffff, v55  }
0x245: {  	[tilespmem:s30+$0x7240] =	vst.add.f32.msk $0xffff, v56  }
0x246: {  	[tilespmem:s30+$0x7250] =	vst.add.f32.msk $0xffff, v57  }
0x247: {  	[tilespmem:s30+$0x7260] =	vst.add.f32.msk $0xffff, v58  }
0x248: {  	[tilespmem:s30+$0x7270] =	vst.add.f32.msk $0xffff, v59  }
0x249: {  	[tilespmem:s30+$0x7600] =	vst.add.f32.msk $0xffff, v60  }
0x24a: {  	[tilespmem:s30+$0x7610] =	vst.add.f32.msk $0xffff, v61  }
0x24b: {  	[tilespmem:s30+$0x7620] =	vst.add.f32.msk $0xffff, v62  }
0x24c: {  	s31 =	simm.s32 $0x2;
	s4 =	simm.s32 $0x0;
	[tilespmem:s30+$0x7630] =	vst.add.f32.msk $0xffff, v63  }
.LBB2_4:
0x24d: {  	p0 =	sne.s32 s31, $0x1F;
	s0 =	smul.u32 $0x1800, s4;
	[tilespmem:s30+$0x7640] =	vst.add.f32.msk $0xffff, v5;
	s29 =	sadd.s32 $0x80, s29  }
0x24e: {  	s4 =	sand.u32 $0x380, s29;
	[tilespmem:s30+$0x7650] =	vst.add.f32.msk $0xffff, v4  }
0x24f: {  	[tilespmem:s30+$0x7660] =	vst.add.f32.msk $0xffff, v3;
	s30 =	sor.u32 s4, s0  }
0x250: {  	v3 =	vld [tilespmem:s30+$0x13670]  }
0x251: {  	v6 =	vld [tilespmem:s30+$0x12200]  }
0x252: {  	v7 =	vld [tilespmem:s30+$0x12210]  }
0x253: {  	v8 =	vld [tilespmem:s30+$0x12220]  }
0x254: {  	v9 =	vld [tilespmem:s30+$0x12230]  }
0x255: {  	[tilespmem:s30+$0x7670] =	vst.add.f32.msk $0xffff, v3  }
0x256: {  	v10 =	vld [tilespmem:s30+$0x12240]  }
0x257: {  	v11 =	vld [tilespmem:s30+$0x12250]  }
0x258: {  	v12 =	vld [tilespmem:s30+$0x12260]  }
0x259: {  	v13 =	vld [tilespmem:s30+$0x12270]  }
0x25a: {  	v14 =	vld [tilespmem:s30+$0x12600]  }
0x25b: {  	v15 =	vld [tilespmem:s30+$0x12610]  }
0x25c: {  	v16 =	vld [tilespmem:s30+$0x12620]  }
0x25d: {  	v17 =	vld [tilespmem:s30+$0x12630]  }
0x25e: {  	v18 =	vld [tilespmem:s30+$0x12640]  }
0x25f: {  	v19 =	vld [tilespmem:s30+$0x12650]  }
0x260: {  	v20 =	vld [tilespmem:s30+$0x12660]  }
0x261: {  	v21 =	vld [tilespmem:s30+$0x12670]  }
0x262: {  	v22 =	vld [tilespmem:s30+$0x12A00]  }
0x263: {  	v23 =	vld [tilespmem:s30+$0x12A10]  }
0x264: {  	v24 =	vld [tilespmem:s30+$0x12A20]  }
0x265: {  	v25 =	vld [tilespmem:s30+$0x12A30]  }
0x266: {  	v26 =	vld [tilespmem:s30+$0x12A40]  }
0x267: {  	v27 =	vld [tilespmem:s30+$0x12A50]  }
0x268: {  	v28 =	vld [tilespmem:s30+$0x12A60]  }
0x269: {  	v29 =	vld [tilespmem:s30+$0x12A70]  }
0x26a: {  	v30 =	vld [tilespmem:s30+$0x12E00]  }
0x26b: {  	v31 =	vld [tilespmem:s30+$0x12E10]  }
0x26c: {  	v32 =	vld [tilespmem:s30+$0x12E20]  }
0x26d: {  	v33 =	vld [tilespmem:s30+$0x12E30]  }
0x26e: {  	v34 =	vld [tilespmem:s30+$0x12E40]  }
0x26f: {  	v35 =	vld [tilespmem:s30+$0x12E50]  }
0x270: {  	v36 =	vld [tilespmem:s30+$0x12E60]  }
0x271: {  	v37 =	vld [tilespmem:s30+$0x12E70]  }
0x272: {  	v38 =	vld [tilespmem:s30+$0x13200]  }
0x273: {  	v39 =	vld [tilespmem:s30+$0x13210]  }
0x274: {  	v40 =	vld [tilespmem:s30+$0x13220]  }
0x275: {  	v41 =	vld [tilespmem:s30+$0x13230]  }
0x276: {  	v42 =	vld [tilespmem:s30+$0x13240]  }
0x277: {  	v43 =	vld [tilespmem:s30+$0x13250]  }
0x278: {  	v44 =	vld [tilespmem:s30+$0x13260]  }
0x279: {  	v45 =	vld [tilespmem:s30+$0x13270]  }
0x27a: {  	v46 =	vld [tilespmem:s30+$0x13600]  }
0x27b: {  	v47 =	vld [tilespmem:s30+$0x13610]  }
0x27c: {  	v48 =	vld [tilespmem:s30+$0x13620]  }
0x27d: {  	v49 =	vld [tilespmem:s30+$0x13630]  }
0x27e: {  	v5 =	vld [tilespmem:s30+$0x13640]  }
0x27f: {  	v4 =	vld [tilespmem:s30+$0x13650]  }
0x280: {  	v3 =	vld [tilespmem:s30+$0x13660]  }
0x281: {  	[tilespmem:s30+$0x6200] =	vst.add.f32.msk $0xffff, v6  }
0x282: {  	[tilespmem:s30+$0x6210] =	vst.add.f32.msk $0xffff, v7  }
0x283: {  	[tilespmem:s30+$0x6220] =	vst.add.f32.msk $0xffff, v8  }
0x284: {  	[tilespmem:s30+$0x6230] =	vst.add.f32.msk $0xffff, v9  }
0x285: {  	[tilespmem:s30+$0x6240] =	vst.add.f32.msk $0xffff, v10  }
0x286: {  	[tilespmem:s30+$0x6250] =	vst.add.f32.msk $0xffff, v11  }
0x287: {  	[tilespmem:s30+$0x6260] =	vst.add.f32.msk $0xffff, v12  }
0x288: {  	[tilespmem:s30+$0x6270] =	vst.add.f32.msk $0xffff, v13  }
0x289: {  	[tilespmem:s30+$0x6600] =	vst.add.f32.msk $0xffff, v14  }
0x28a: {  	[tilespmem:s30+$0x6610] =	vst.add.f32.msk $0xffff, v15  }
0x28b: {  	[tilespmem:s30+$0x6620] =	vst.add.f32.msk $0xffff, v16  }
0x28c: {  	[tilespmem:s30+$0x6630] =	vst.add.f32.msk $0xffff, v17  }
0x28d: {  	[tilespmem:s30+$0x6640] =	vst.add.f32.msk $0xffff, v18  }
0x28e: {  	[tilespmem:s30+$0x6650] =	vst.add.f32.msk $0xffff, v19  }
0x28f: {  	[tilespmem:s30+$0x6660] =	vst.add.f32.msk $0xffff, v20  }
0x290: {  	[tilespmem:s30+$0x6670] =	vst.add.f32.msk $0xffff, v21  }
0x291: {  	[tilespmem:s30+$0x6A00] =	vst.add.f32.msk $0xffff, v22  }
0x292: {  	[tilespmem:s30+$0x6A10] =	vst.add.f32.msk $0xffff, v23  }
0x293: {  	[tilespmem:s30+$0x6A20] =	vst.add.f32.msk $0xffff, v24  }
0x294: {  	[tilespmem:s30+$0x6A30] =	vst.add.f32.msk $0xffff, v25  }
0x295: {  	[tilespmem:s30+$0x6A40] =	vst.add.f32.msk $0xffff, v26  }
0x296: {  	[tilespmem:s30+$0x6A50] =	vst.add.f32.msk $0xffff, v27  }
0x297: {  	[tilespmem:s30+$0x6A60] =	vst.add.f32.msk $0xffff, v28  }
0x298: {  	[tilespmem:s30+$0x6A70] =	vst.add.f32.msk $0xffff, v29  }
0x299: {  	[tilespmem:s30+$0x6E00] =	vst.add.f32.msk $0xffff, v30  }
0x29a: {  	[tilespmem:s30+$0x6E10] =	vst.add.f32.msk $0xffff, v31  }
0x29b: {  	[tilespmem:s30+$0x6E20] =	vst.add.f32.msk $0xffff, v32  }
0x29c: {  	[tilespmem:s30+$0x6E30] =	vst.add.f32.msk $0xffff, v33  }
0x29d: {  	[tilespmem:s30+$0x6E40] =	vst.add.f32.msk $0xffff, v34  }
0x29e: {  	[tilespmem:s30+$0x6E50] =	vst.add.f32.msk $0xffff, v35  }
0x29f: {  	[tilespmem:s30+$0x6E60] =	vst.add.f32.msk $0xffff, v36  }
0x2a0: {  	[tilespmem:s30+$0x6E70] =	vst.add.f32.msk $0xffff, v37  }
0x2a1: {  	[tilespmem:s30+$0x7200] =	vst.add.f32.msk $0xffff, v38  }
0x2a2: {  	[tilespmem:s30+$0x7210] =	vst.add.f32.msk $0xffff, v39  }
0x2a3: {  	[tilespmem:s30+$0x7220] =	vst.add.f32.msk $0xffff, v40  }
0x2a4: {  	[tilespmem:s30+$0x7230] =	vst.add.f32.msk $0xffff, v41  }
0x2a5: {  	[tilespmem:s30+$0x7240] =	vst.add.f32.msk $0xffff, v42  }
0x2a6: {  	[tilespmem:s30+$0x7250] =	vst.add.f32.msk $0xffff, v43  }
0x2a7: {  	[tilespmem:s30+$0x7260] =	vst.add.f32.msk $0xffff, v44  }
.Ltmp1:
0x2a8: {  	[tilespmem:s30+$0x7270] =	vst.add.f32.msk $0xffff, v45;
	(pc) =	sbr.rel @p0 .LBB2_4-.Ltmp1, $4  }
0x2a9: {  	[tilespmem:s30+$0x7600] =	vst.add.f32.msk $0xffff, v46  }
0x2aa: {  	[tilespmem:s30+$0x7610] =	vst.add.f32.msk $0xffff, v47  }
0x2ab: {  	[tilespmem:s30+$0x7620] =	vst.add.f32.msk $0xffff, v48  }
0x2ac: {  	s4 =	sshrl.u32 s31, $0x3;
	s31 =	sadd.s32 $0x1, s31;
	[tilespmem:s30+$0x7630] =	vst.add.f32.msk $0xffff, v49  }
0x2ad: {  	s0 =	smul.u32 $0x1800, s4;
	[tilespmem:s30+$0x7640] =	vst.add.f32.msk $0xffff, v5;
	s4 =	sadd.s32 $0x80, s29  }
0x2ae: {  	[tilespmem:s30+$0x7650] =	vst.add.f32.msk $0xffff, v4;
	s4 =	sand.u32 $0x380, s4  }
0x2af: {  	[tilespmem:s30+$0x7660] =	vst.add.f32.msk $0xffff, v3;
	s29 =	sor.u32 s4, s0  }
0x2b0: {  	v3 =	vld [tilespmem:s29+$0x13670]  }
0x2b1: {  	v4 =	vld [tilespmem:s29+$0x12200]  }
0x2b2: {  	v5 =	vld [tilespmem:s29+$0x12210]  }
0x2b3: {  	v6 =	vld [tilespmem:s29+$0x12220]  }
0x2b4: {  	v7 =	vld [tilespmem:s29+$0x12230]  }
0x2b5: {  	v8 =	vld [tilespmem:s29+$0x12250]  }
0x2b6: {  	v9 =	vld [tilespmem:s29+$0x12260]  }
0x2b7: {  	v10 =	vld [tilespmem:s29+$0x12270]  }
0x2b8: {  	v11 =	vld [tilespmem:s29+$0x12600]  }
0x2b9: {  	v12 =	vld [tilespmem:s29+$0x12610]  }
0x2ba: {  	v13 =	vld [tilespmem:s29+$0x12620]  }
0x2bb: {  	v14 =	vld [tilespmem:s29+$0x12630]  }
0x2bc: {  	v15 =	vld [tilespmem:s29+$0x12640]  }
0x2bd: {  	v16 =	vld [tilespmem:s29+$0x12650]  }
0x2be: {  	v17 =	vld [tilespmem:s29+$0x12660]  }
0x2bf: {  	v18 =	vld [tilespmem:s29+$0x12670]  }
0x2c0: {  	v19 =	vld [tilespmem:s29+$0x12A00]  }
0x2c1: {  	v20 =	vld [tilespmem:s29+$0x12A10]  }
0x2c2: {  	v21 =	vld [tilespmem:s29+$0x12A20]  }
0x2c3: {  	v22 =	vld [tilespmem:s29+$0x12A30]  }
0x2c4: {  	v23 =	vld [tilespmem:s29+$0x12A40]  }
0x2c5: {  	v24 =	vld [tilespmem:s29+$0x12A50]  }
0x2c6: {  	v25 =	vld [tilespmem:s29+$0x12A60]  }
0x2c7: {  	v26 =	vld [tilespmem:s29+$0x12A70]  }
0x2c8: {  	v27 =	vld [tilespmem:s29+$0x12E00]  }
0x2c9: {  	v28 =	vld [tilespmem:s29+$0x12E10]  }
0x2ca: {  	v29 =	vld [tilespmem:s29+$0x12E20]  }
0x2cb: {  	v30 =	vld [tilespmem:s29+$0x12E30]  }
0x2cc: {  	v31 =	vld [tilespmem:s29+$0x12E40]  }
0x2cd: {  	v32 =	vld [tilespmem:s29+$0x12E50]  }
0x2ce: {  	v33 =	vld [tilespmem:s29+$0x12E60]  }
0x2cf: {  	v34 =	vld [tilespmem:s29+$0x12E70]  }
0x2d0: {  	v35 =	vld [tilespmem:s29+$0x13200]  }
0x2d1: {  	v36 =	vld [tilespmem:s29+$0x13210]  }
0x2d2: {  	v37 =	vld [tilespmem:s29+$0x13220]  }
0x2d3: {  	v38 =	vld [tilespmem:s29+$0x13230]  }
0x2d4: {  	v39 =	vld [tilespmem:s29+$0x13240]  }
0x2d5: {  	v40 =	vld [tilespmem:s29+$0x13250]  }
0x2d6: {  	v41 =	vld [tilespmem:s29+$0x13260]  }
0x2d7: {  	v42 =	vld [tilespmem:s29+$0x13270]  }
0x2d8: {  	v43 =	vld [tilespmem:s29+$0x13600]  }
0x2d9: {  	v44 =	vld [tilespmem:s29+$0x13610]  }
0x2da: {  	v45 =	vld [tilespmem:s29+$0x13620]  }
0x2db: {  	v46 =	vld [tilespmem:s29+$0x13630]  }
0x2dc: {  	v47 =	vld [tilespmem:s29+$0x13640]  }
0x2dd: {  	v48 =	vld [tilespmem:s29+$0x13650]  }
0x2de: {  	v49 =	vld [tilespmem:s29+$0x13660]  }
0x2df: {  	[tilespmem:s29+$0x7670] =	vst.add.f32.msk $0xffff, v3  }
0x2e0: {  	v3 =	vld [tilespmem:s29+$0x12240]  }
0x2e1: {  	[tilespmem:s29+$0x6200] =	vst.add.f32.msk $0xffff, v4  }
0x2e2: {  	[tilespmem:s29+$0x6210] =	vst.add.f32.msk $0xffff, v5  }
0x2e3: {  	[tilespmem:s29+$0x6220] =	vst.add.f32.msk $0xffff, v6  }
0x2e4: {  	[tilespmem:s29+$0x6230] =	vst.add.f32.msk $0xffff, v7  }
0x2e5: {  	[tilespmem:s29+$0x6250] =	vst.add.f32.msk $0xffff, v8  }
0x2e6: {  	[tilespmem:s29+$0x6260] =	vst.add.f32.msk $0xffff, v9  }
0x2e7: {  	[tilespmem:s29+$0x6270] =	vst.add.f32.msk $0xffff, v10  }
0x2e8: {  	[tilespmem:s29+$0x6600] =	vst.add.f32.msk $0xffff, v11  }
0x2e9: {  	[tilespmem:s29+$0x6610] =	vst.add.f32.msk $0xffff, v12  }
0x2ea: {  	[tilespmem:s29+$0x6620] =	vst.add.f32.msk $0xffff, v13  }
0x2eb: {  	[tilespmem:s29+$0x6630] =	vst.add.f32.msk $0xffff, v14  }
0x2ec: {  	[tilespmem:s29+$0x6640] =	vst.add.f32.msk $0xffff, v15  }
0x2ed: {  	[tilespmem:s29+$0x6650] =	vst.add.f32.msk $0xffff, v16  }
0x2ee: {  	[tilespmem:s29+$0x6660] =	vst.add.f32.msk $0xffff, v17  }
0x2ef: {  	[tilespmem:s29+$0x6670] =	vst.add.f32.msk $0xffff, v18  }
0x2f0: {  	[tilespmem:s29+$0x6A00] =	vst.add.f32.msk $0xffff, v19  }
0x2f1: {  	[tilespmem:s29+$0x6A10] =	vst.add.f32.msk $0xffff, v20  }
0x2f2: {  	[tilespmem:s29+$0x6A20] =	vst.add.f32.msk $0xffff, v21  }
0x2f3: {  	[tilespmem:s29+$0x6A30] =	vst.add.f32.msk $0xffff, v22  }
0x2f4: {  	[tilespmem:s29+$0x6A40] =	vst.add.f32.msk $0xffff, v23  }
0x2f5: {  	[tilespmem:s29+$0x6A50] =	vst.add.f32.msk $0xffff, v24  }
0x2f6: {  	[tilespmem:s29+$0x6A60] =	vst.add.f32.msk $0xffff, v25  }
0x2f7: {  	[tilespmem:s29+$0x6A70] =	vst.add.f32.msk $0xffff, v26  }
0x2f8: {  	[tilespmem:s29+$0x6E00] =	vst.add.f32.msk $0xffff, v27  }
0x2f9: {  	[tilespmem:s29+$0x6E10] =	vst.add.f32.msk $0xffff, v28  }
0x2fa: {  	[tilespmem:s29+$0x6E20] =	vst.add.f32.msk $0xffff, v29  }
0x2fb: {  	[tilespmem:s29+$0x6E30] =	vst.add.f32.msk $0xffff, v30  }
0x2fc: {  	[tilespmem:s29+$0x6E40] =	vst.add.f32.msk $0xffff, v31  }
0x2fd: {  	[tilespmem:s29+$0x6E50] =	vst.add.f32.msk $0xffff, v32  }
0x2fe: {  	[tilespmem:s29+$0x6E60] =	vst.add.f32.msk $0xffff, v33  }
0x2ff: {  	[tilespmem:s29+$0x6E70] =	vst.add.f32.msk $0xffff, v34  }
0x300: {  	[tilespmem:s29+$0x7200] =	vst.add.f32.msk $0xffff, v35  }
0x301: {  	[tilespmem:s29+$0x7210] =	vst.add.f32.msk $0xffff, v36  }
0x302: {  	[tilespmem:s29+$0x7220] =	vst.add.f32.msk $0xffff, v37  }
0x303: {  	[tilespmem:s29+$0x7230] =	vst.add.f32.msk $0xffff, v38  }
0x304: {  	[tilespmem:s29+$0x7240] =	vst.add.f32.msk $0xffff, v39  }
0x305: {  	[tilespmem:s29+$0x7250] =	vst.add.f32.msk $0xffff, v40  }
0x306: {  	[tilespmem:s29+$0x7260] =	vst.add.f32.msk $0xffff, v41  }
0x307: {  	[tilespmem:s29+$0x7270] =	vst.add.f32.msk $0xffff, v42  }
0x308: {  	[tilespmem:s29+$0x7600] =	vst.add.f32.msk $0xffff, v43  }
0x309: {  	[tilespmem:s29+$0x7610] =	vst.add.f32.msk $0xffff, v44  }
0x30a: {  	[tilespmem:s29+$0x7620] =	vst.add.f32.msk $0xffff, v45  }
0x30b: {  	[tilespmem:s29+$0x7630] =	vst.add.f32.msk $0xffff, v46  }
0x30c: {  	[tilespmem:s29+$0x7640] =	vst.add.f32.msk $0xffff, v47  }
0x30d: {  	[tilespmem:s29+$0x7650] =	vst.add.f32.msk $0xffff, v48  }
0x30e: {  	[tilespmem:s29+$0x7660] =	vst.add.f32.msk $0xffff, v49  }
0x30f: {  	s4 =	simm.s32 $0x0;
	[tilespmem:s29+$0x6240] =	vst.add.f32.msk $0xffff, v3;
	s29 =	simm.s32 $0x0  }
0x310: {  	[hbm4b:s12+s29] =	stream.linear.scatter [tilespmem:s16], [sflag:$0x5], $0x6000, $0x38;
	[tilespmem:$0x18200] =	vst v63  }
0x311: {  	s0 =	smul.u32 $0x1800, s4;
	_ =	swait.ge [sflag:s24], $0x6000  }
0x312: {  	s4 =	sand.u32 $0x380, s29;
	[sflag:s24] =	ssyncset.done $0x0  }
0x313: {  	s30 =	sor.u32 s4, s0;
	[sflag:s24] =	ssyncadd.s32 $0xFFFFA000  }
0x314: {  	v3 =	vld [tilespmem:s30+$0x13670]  }
0x315: {  	v6 =	vld [tilespmem:s30+$0x12200]  }
0x316: {  	v7 =	vld [tilespmem:s30+$0x12210]  }
0x317: {  	v8 =	vld [tilespmem:s30+$0x12220]  }
0x318: {  	v9 =	vld [tilespmem:s30+$0x12230]  }
0x319: {  	v10 =	vld [tilespmem:s30+$0x12240]  }
0x31a: {  	v11 =	vld [tilespmem:s30+$0x12250]  }
0x31b: {  	v12 =	vld [tilespmem:s30+$0x12260]  }
0x31c: {  	v13 =	vld [tilespmem:s30+$0x12270]  }
0x31d: {  	v14 =	vld [tilespmem:s30+$0x12600]  }
0x31e: {  	v15 =	vld [tilespmem:s30+$0x12610]  }
0x31f: {  	v16 =	vld [tilespmem:s30+$0x12620]  }
0x320: {  	v17 =	vld [tilespmem:s30+$0x12630]  }
0x321: {  	v18 =	vld [tilespmem:s30+$0x12640]  }
0x322: {  	v19 =	vld [tilespmem:s30+$0x12650]  }
0x323: {  	v20 =	vld [tilespmem:s30+$0x12660]  }
0x324: {  	v21 =	vld [tilespmem:s30+$0x12670]  }
0x325: {  	v22 =	vld [tilespmem:s30+$0x12A00]  }
0x326: {  	v23 =	vld [tilespmem:s30+$0x12A10]  }
0x327: {  	v24 =	vld [tilespmem:s30+$0x12A20]  }
0x328: {  	v25 =	vld [tilespmem:s30+$0x12A30]  }
0x329: {  	v26 =	vld [tilespmem:s30+$0x12A40]  }
0x32a: {  	v27 =	vld [tilespmem:s30+$0x12A50]  }
0x32b: {  	v28 =	vld [tilespmem:s30+$0x12A60]  }
0x32c: {  	v29 =	vld [tilespmem:s30+$0x12A70]  }
0x32d: {  	v30 =	vld [tilespmem:s30+$0x12E00]  }
0x32e: {  	v31 =	vld [tilespmem:s30+$0x12E10]  }
0x32f: {  	v32 =	vld [tilespmem:s30+$0x12E20]  }
0x330: {  	v33 =	vld [tilespmem:s30+$0x12E30]  }
0x331: {  	v34 =	vld [tilespmem:s30+$0x12E40]  }
0x332: {  	v35 =	vld [tilespmem:s30+$0x12E50]  }
0x333: {  	v36 =	vld [tilespmem:s30+$0x12E60]  }
0x334: {  	v37 =	vld [tilespmem:s30+$0x12E70]  }
0x335: {  	v52 =	vld [tilespmem:s30+$0x13200]  }
0x336: {  	v53 =	vld [tilespmem:s30+$0x13210]  }
0x337: {  	v54 =	vld [tilespmem:s30+$0x13220]  }
0x338: {  	v55 =	vld [tilespmem:s30+$0x13230]  }
0x339: {  	v56 =	vld [tilespmem:s30+$0x13240]  }
0x33a: {  	v57 =	vld [tilespmem:s30+$0x13250]  }
0x33b: {  	v58 =	vld [tilespmem:s30+$0x13260]  }
0x33c: {  	v59 =	vld [tilespmem:s30+$0x13270]  }
0x33d: {  	v60 =	vld [tilespmem:s30+$0x13600]  }
0x33e: {  	v61 =	vld [tilespmem:s30+$0x13610]  }
0x33f: {  	v62 =	vld [tilespmem:s30+$0x13620]  }
0x340: {  	v63 =	vld [tilespmem:s30+$0x13630]  }
0x341: {  	v5 =	vld [tilespmem:s30+$0x13640]  }
0x342: {  	v4 =	vld [tilespmem:s30+$0x13650]  }
0x343: {  	[tilespmem:s30+$0xD670] =	vst.add.f32.msk $0xffff, v3  }
0x344: {  	v3 =	vld [tilespmem:s30+$0x13660]  }
0x345: {  	[tilespmem:s30+$0xC200] =	vst.add.f32.msk $0xffff, v6  }
0x346: {  	[tilespmem:s30+$0xC210] =	vst.add.f32.msk $0xffff, v7  }
0x347: {  	[tilespmem:s30+$0xC220] =	vst.add.f32.msk $0xffff, v8  }
0x348: {  	[tilespmem:s30+$0xC230] =	vst.add.f32.msk $0xffff, v9  }
0x349: {  	[tilespmem:s30+$0xC240] =	vst.add.f32.msk $0xffff, v10  }
0x34a: {  	[tilespmem:s30+$0xC250] =	vst.add.f32.msk $0xffff, v11  }
0x34b: {  	[tilespmem:s30+$0xC260] =	vst.add.f32.msk $0xffff, v12  }
0x34c: {  	[tilespmem:s30+$0xC270] =	vst.add.f32.msk $0xffff, v13  }
0x34d: {  	[tilespmem:s30+$0xC600] =	vst.add.f32.msk $0xffff, v14  }
0x34e: {  	[tilespmem:s30+$0xC610] =	vst.add.f32.msk $0xffff, v15  }
0x34f: {  	[tilespmem:s30+$0xC620] =	vst.add.f32.msk $0xffff, v16  }
0x350: {  	[tilespmem:s30+$0xC630] =	vst.add.f32.msk $0xffff, v17  }
0x351: {  	[tilespmem:s30+$0xC640] =	vst.add.f32.msk $0xffff, v18  }
0x352: {  	[tilespmem:s30+$0xC650] =	vst.add.f32.msk $0xffff, v19  }
0x353: {  	[tilespmem:s30+$0xC660] =	vst.add.f32.msk $0xffff, v20  }
0x354: {  	[tilespmem:s30+$0xC670] =	vst.add.f32.msk $0xffff, v21  }
0x355: {  	[tilespmem:s30+$0xCA00] =	vst.add.f32.msk $0xffff, v22  }
0x356: {  	[tilespmem:s30+$0xCA10] =	vst.add.f32.msk $0xffff, v23  }
0x357: {  	[tilespmem:s30+$0xCA20] =	vst.add.f32.msk $0xffff, v24  }
0x358: {  	[tilespmem:s30+$0xCA30] =	vst.add.f32.msk $0xffff, v25  }
0x359: {  	[tilespmem:s30+$0xCA40] =	vst.add.f32.msk $0xffff, v26  }
0x35a: {  	[tilespmem:s30+$0xCA50] =	vst.add.f32.msk $0xffff, v27  }
0x35b: {  	[tilespmem:s30+$0xCA60] =	vst.add.f32.msk $0xffff, v28  }
0x35c: {  	[tilespmem:s30+$0xCA70] =	vst.add.f32.msk $0xffff, v29  }
0x35d: {  	[tilespmem:s30+$0xCE00] =	vst.add.f32.msk $0xffff, v30  }
0x35e: {  	[tilespmem:s30+$0xCE10] =	vst.add.f32.msk $0xffff, v31  }
0x35f: {  	[tilespmem:s30+$0xCE20] =	vst.add.f32.msk $0xffff, v32  }
0x360: {  	[tilespmem:s30+$0xCE30] =	vst.add.f32.msk $0xffff, v33  }
0x361: {  	[tilespmem:s30+$0xCE40] =	vst.add.f32.msk $0xffff, v34  }
0x362: {  	[tilespmem:s30+$0xCE50] =	vst.add.f32.msk $0xffff, v35  }
0x363: {  	[tilespmem:s30+$0xCE60] =	vst.add.f32.msk $0xffff, v36  }
0x364: {  	[tilespmem:s30+$0xCE70] =	vst.add.f32.msk $0xffff, v37  }
0x365: {  	[tilespmem:s30+$0xD200] =	vst.add.f32.msk $0xffff, v52  }
0x366: {  	[tilespmem:s30+$0xD210] =	vst.add.f32.msk $0xffff, v53  }
0x367: {  	[tilespmem:s30+$0xD220] =	vst.add.f32.msk $0xffff, v54  }
0x368: {  	[tilespmem:s30+$0xD230] =	vst.add.f32.msk $0xffff, v55  }
0x369: {  	[tilespmem:s30+$0xD240] =	vst.add.f32.msk $0xffff, v56  }
0x36a: {  	[tilespmem:s30+$0xD250] =	vst.add.f32.msk $0xffff, v57  }
0x36b: {  	[tilespmem:s30+$0xD260] =	vst.add.f32.msk $0xffff, v58  }
0x36c: {  	[tilespmem:s30+$0xD270] =	vst.add.f32.msk $0xffff, v59  }
0x36d: {  	[tilespmem:s30+$0xD600] =	vst.add.f32.msk $0xffff, v60  }
0x36e: {  	[tilespmem:s30+$0xD610] =	vst.add.f32.msk $0xffff, v61  }
0x36f: {  	[tilespmem:s30+$0xD620] =	vst.add.f32.msk $0xffff, v62  }
0x370: {  	s31 =	simm.s32 $0x2;
	s4 =	simm.s32 $0x0;
	[tilespmem:s30+$0xD630] =	vst.add.f32.msk $0xffff, v63  }
.LBB2_6:
0x371: {  	p0 =	sne.s32 s31, $0x1F;
	s0 =	smul.u32 $0x1800, s4;
	[tilespmem:s30+$0xD640] =	vst.add.f32.msk $0xffff, v5;
	s29 =	sadd.s32 $0x80, s29  }
0x372: {  	s4 =	sand.u32 $0x380, s29;
	[tilespmem:s30+$0xD650] =	vst.add.f32.msk $0xffff, v4  }
0x373: {  	[tilespmem:s30+$0xD660] =	vst.add.f32.msk $0xffff, v3;
	s30 =	sor.u32 s4, s0  }
0x374: {  	v3 =	vld [tilespmem:s30+$0x13670]  }
0x375: {  	v6 =	vld [tilespmem:s30+$0x12200]  }
0x376: {  	v7 =	vld [tilespmem:s30+$0x12210]  }
0x377: {  	v8 =	vld [tilespmem:s30+$0x12220]  }
0x378: {  	v9 =	vld [tilespmem:s30+$0x12230]  }
0x379: {  	[tilespmem:s30+$0xD670] =	vst.add.f32.msk $0xffff, v3  }
0x37a: {  	v10 =	vld [tilespmem:s30+$0x12240]  }
0x37b: {  	v11 =	vld [tilespmem:s30+$0x12250]  }
0x37c: {  	v12 =	vld [tilespmem:s30+$0x12260]  }
0x37d: {  	v13 =	vld [tilespmem:s30+$0x12270]  }
0x37e: {  	v14 =	vld [tilespmem:s30+$0x12600]  }
0x37f: {  	v15 =	vld [tilespmem:s30+$0x12610]  }
0x380: {  	v16 =	vld [tilespmem:s30+$0x12620]  }
0x381: {  	v17 =	vld [tilespmem:s30+$0x12630]  }
0x382: {  	v18 =	vld [tilespmem:s30+$0x12640]  }
0x383: {  	v19 =	vld [tilespmem:s30+$0x12650]  }
0x384: {  	v20 =	vld [tilespmem:s30+$0x12660]  }
0x385: {  	v21 =	vld [tilespmem:s30+$0x12670]  }
0x386: {  	v22 =	vld [tilespmem:s30+$0x12A00]  }
0x387: {  	v23 =	vld [tilespmem:s30+$0x12A10]  }
0x388: {  	v24 =	vld [tilespmem:s30+$0x12A20]  }
0x389: {  	v25 =	vld [tilespmem:s30+$0x12A30]  }
0x38a: {  	v26 =	vld [tilespmem:s30+$0x12A40]  }
0x38b: {  	v27 =	vld [tilespmem:s30+$0x12A50]  }
0x38c: {  	v28 =	vld [tilespmem:s30+$0x12A60]  }
0x38d: {  	v29 =	vld [tilespmem:s30+$0x12A70]  }
0x38e: {  	v30 =	vld [tilespmem:s30+$0x12E00]  }
0x38f: {  	v31 =	vld [tilespmem:s30+$0x12E10]  }
0x390: {  	v32 =	vld [tilespmem:s30+$0x12E20]  }
0x391: {  	v33 =	vld [tilespmem:s30+$0x12E30]  }
0x392: {  	v34 =	vld [tilespmem:s30+$0x12E40]  }
0x393: {  	v35 =	vld [tilespmem:s30+$0x12E50]  }
0x394: {  	v36 =	vld [tilespmem:s30+$0x12E60]  }
0x395: {  	v37 =	vld [tilespmem:s30+$0x12E70]  }
0x396: {  	v38 =	vld [tilespmem:s30+$0x13200]  }
0x397: {  	v39 =	vld [tilespmem:s30+$0x13210]  }
0x398: {  	v40 =	vld [tilespmem:s30+$0x13220]  }
0x399: {  	v41 =	vld [tilespmem:s30+$0x13230]  }
0x39a: {  	v42 =	vld [tilespmem:s30+$0x13240]  }
0x39b: {  	v43 =	vld [tilespmem:s30+$0x13250]  }
0x39c: {  	v44 =	vld [tilespmem:s30+$0x13260]  }
0x39d: {  	v45 =	vld [tilespmem:s30+$0x13270]  }
0x39e: {  	v46 =	vld [tilespmem:s30+$0x13600]  }
0x39f: {  	v47 =	vld [tilespmem:s30+$0x13610]  }
0x3a0: {  	v48 =	vld [tilespmem:s30+$0x13620]  }
0x3a1: {  	v49 =	vld [tilespmem:s30+$0x13630]  }
0x3a2: {  	v5 =	vld [tilespmem:s30+$0x13640]  }
0x3a3: {  	v4 =	vld [tilespmem:s30+$0x13650]  }
0x3a4: {  	v3 =	vld [tilespmem:s30+$0x13660]  }
0x3a5: {  	[tilespmem:s30+$0xC200] =	vst.add.f32.msk $0xffff, v6  }
0x3a6: {  	[tilespmem:s30+$0xC210] =	vst.add.f32.msk $0xffff, v7  }
0x3a7: {  	[tilespmem:s30+$0xC220] =	vst.add.f32.msk $0xffff, v8  }
0x3a8: {  	[tilespmem:s30+$0xC230] =	vst.add.f32.msk $0xffff, v9  }
0x3a9: {  	[tilespmem:s30+$0xC240] =	vst.add.f32.msk $0xffff, v10  }
0x3aa: {  	[tilespmem:s30+$0xC250] =	vst.add.f32.msk $0xffff, v11  }
0x3ab: {  	[tilespmem:s30+$0xC260] =	vst.add.f32.msk $0xffff, v12  }
0x3ac: {  	[tilespmem:s30+$0xC270] =	vst.add.f32.msk $0xffff, v13  }
0x3ad: {  	[tilespmem:s30+$0xC600] =	vst.add.f32.msk $0xffff, v14  }
0x3ae: {  	[tilespmem:s30+$0xC610] =	vst.add.f32.msk $0xffff, v15  }
0x3af: {  	[tilespmem:s30+$0xC620] =	vst.add.f32.msk $0xffff, v16  }
0x3b0: {  	[tilespmem:s30+$0xC630] =	vst.add.f32.msk $0xffff, v17  }
0x3b1: {  	[tilespmem:s30+$0xC640] =	vst.add.f32.msk $0xffff, v18  }
0x3b2: {  	[tilespmem:s30+$0xC650] =	vst.add.f32.msk $0xffff, v19  }
0x3b3: {  	[tilespmem:s30+$0xC660] =	vst.add.f32.msk $0xffff, v20  }
0x3b4: {  	[tilespmem:s30+$0xC670] =	vst.add.f32.msk $0xffff, v21  }
0x3b5: {  	[tilespmem:s30+$0xCA00] =	vst.add.f32.msk $0xffff, v22  }
0x3b6: {  	[tilespmem:s30+$0xCA10] =	vst.add.f32.msk $0xffff, v23  }
0x3b7: {  	[tilespmem:s30+$0xCA20] =	vst.add.f32.msk $0xffff, v24  }
0x3b8: {  	[tilespmem:s30+$0xCA30] =	vst.add.f32.msk $0xffff, v25  }
0x3b9: {  	[tilespmem:s30+$0xCA40] =	vst.add.f32.msk $0xffff, v26  }
0x3ba: {  	[tilespmem:s30+$0xCA50] =	vst.add.f32.msk $0xffff, v27  }
0x3bb: {  	[tilespmem:s30+$0xCA60] =	vst.add.f32.msk $0xffff, v28  }
0x3bc: {  	[tilespmem:s30+$0xCA70] =	vst.add.f32.msk $0xffff, v29  }
0x3bd: {  	[tilespmem:s30+$0xCE00] =	vst.add.f32.msk $0xffff, v30  }
0x3be: {  	[tilespmem:s30+$0xCE10] =	vst.add.f32.msk $0xffff, v31  }
0x3bf: {  	[tilespmem:s30+$0xCE20] =	vst.add.f32.msk $0xffff, v32  }
0x3c0: {  	[tilespmem:s30+$0xCE30] =	vst.add.f32.msk $0xffff, v33  }
0x3c1: {  	[tilespmem:s30+$0xCE40] =	vst.add.f32.msk $0xffff, v34  }
0x3c2: {  	[tilespmem:s30+$0xCE50] =	vst.add.f32.msk $0xffff, v35  }
0x3c3: {  	[tilespmem:s30+$0xCE60] =	vst.add.f32.msk $0xffff, v36  }
0x3c4: {  	[tilespmem:s30+$0xCE70] =	vst.add.f32.msk $0xffff, v37  }
0x3c5: {  	[tilespmem:s30+$0xD200] =	vst.add.f32.msk $0xffff, v38  }
0x3c6: {  	[tilespmem:s30+$0xD210] =	vst.add.f32.msk $0xffff, v39  }
0x3c7: {  	[tilespmem:s30+$0xD220] =	vst.add.f32.msk $0xffff, v40  }
0x3c8: {  	[tilespmem:s30+$0xD230] =	vst.add.f32.msk $0xffff, v41  }
0x3c9: {  	[tilespmem:s30+$0xD240] =	vst.add.f32.msk $0xffff, v42  }
0x3ca: {  	[tilespmem:s30+$0xD250] =	vst.add.f32.msk $0xffff, v43  }
0x3cb: {  	[tilespmem:s30+$0xD260] =	vst.add.f32.msk $0xffff, v44  }
.Ltmp2:
0x3cc: {  	[tilespmem:s30+$0xD270] =	vst.add.f32.msk $0xffff, v45;
	(pc) =	sbr.rel @p0 .LBB2_6-.Ltmp2, $4  }
0x3cd: {  	[tilespmem:s30+$0xD600] =	vst.add.f32.msk $0xffff, v46  }
0x3ce: {  	[tilespmem:s30+$0xD610] =	vst.add.f32.msk $0xffff, v47  }
0x3cf: {  	[tilespmem:s30+$0xD620] =	vst.add.f32.msk $0xffff, v48  }
0x3d0: {  	s4 =	sshrl.u32 s31, $0x3;
	s31 =	sadd.s32 $0x1, s31;
	[tilespmem:s30+$0xD630] =	vst.add.f32.msk $0xffff, v49  }
0x3d1: {  	s0 =	smul.u32 $0x1800, s4;
	[tilespmem:s30+$0xD640] =	vst.add.f32.msk $0xffff, v5;
	s4 =	sadd.s32 $0x80, s29  }
0x3d2: {  	[tilespmem:s30+$0xD650] =	vst.add.f32.msk $0xffff, v4;
	s4 =	sand.u32 $0x380, s4  }
0x3d3: {  	[tilespmem:s30+$0xD660] =	vst.add.f32.msk $0xffff, v3;
	s29 =	sor.u32 s4, s0  }
0x3d4: {  	v3 =	vld [tilespmem:s29+$0x13670]  }
0x3d5: {  	v4 =	vld [tilespmem:s29+$0x12200]  }
0x3d6: {  	v5 =	vld [tilespmem:s29+$0x12210]  }
0x3d7: {  	v6 =	vld [tilespmem:s29+$0x12220]  }
0x3d8: {  	v7 =	vld [tilespmem:s29+$0x12230]  }
0x3d9: {  	v8 =	vld [tilespmem:s29+$0x12250]  }
0x3da: {  	v9 =	vld [tilespmem:s29+$0x12260]  }
0x3db: {  	v10 =	vld [tilespmem:s29+$0x12270]  }
0x3dc: {  	v11 =	vld [tilespmem:s29+$0x12600]  }
0x3dd: {  	v12 =	vld [tilespmem:s29+$0x12610]  }
0x3de: {  	v13 =	vld [tilespmem:s29+$0x12620]  }
0x3df: {  	v14 =	vld [tilespmem:s29+$0x12630]  }
0x3e0: {  	v15 =	vld [tilespmem:s29+$0x12640]  }
0x3e1: {  	v16 =	vld [tilespmem:s29+$0x12650]  }
0x3e2: {  	v17 =	vld [tilespmem:s29+$0x12660]  }
0x3e3: {  	v18 =	vld [tilespmem:s29+$0x12670]  }
0x3e4: {  	v19 =	vld [tilespmem:s29+$0x12A00]  }
0x3e5: {  	v20 =	vld [tilespmem:s29+$0x12A10]  }
0x3e6: {  	v21 =	vld [tilespmem:s29+$0x12A20]  }
0x3e7: {  	v22 =	vld [tilespmem:s29+$0x12A30]  }
0x3e8: {  	v23 =	vld [tilespmem:s29+$0x12A40]  }
0x3e9: {  	v24 =	vld [tilespmem:s29+$0x12A50]  }
0x3ea: {  	v25 =	vld [tilespmem:s29+$0x12A60]  }
0x3eb: {  	v26 =	vld [tilespmem:s29+$0x12A70]  }
0x3ec: {  	v27 =	vld [tilespmem:s29+$0x12E00]  }
0x3ed: {  	v28 =	vld [tilespmem:s29+$0x12E10]  }
0x3ee: {  	v29 =	vld [tilespmem:s29+$0x12E20]  }
0x3ef: {  	v30 =	vld [tilespmem:s29+$0x12E30]  }
0x3f0: {  	v31 =	vld [tilespmem:s29+$0x12E40]  }
0x3f1: {  	v32 =	vld [tilespmem:s29+$0x12E50]  }
0x3f2: {  	v33 =	vld [tilespmem:s29+$0x12E60]  }
0x3f3: {  	v34 =	vld [tilespmem:s29+$0x12E70]  }
0x3f4: {  	v35 =	vld [tilespmem:s29+$0x13200]  }
0x3f5: {  	v36 =	vld [tilespmem:s29+$0x13210]  }
0x3f6: {  	v37 =	vld [tilespmem:s29+$0x13220]  }
0x3f7: {  	v38 =	vld [tilespmem:s29+$0x13230]  }
0x3f8: {  	v39 =	vld [tilespmem:s29+$0x13240]  }
0x3f9: {  	v40 =	vld [tilespmem:s29+$0x13250]  }
0x3fa: {  	v41 =	vld [tilespmem:s29+$0x13260]  }
0x3fb: {  	v42 =	vld [tilespmem:s29+$0x13270]  }
0x3fc: {  	v43 =	vld [tilespmem:s29+$0x13600]  }
0x3fd: {  	v44 =	vld [tilespmem:s29+$0x13610]  }
0x3fe: {  	v45 =	vld [tilespmem:s29+$0x13620]  }
0x3ff: {  	v46 =	vld [tilespmem:s29+$0x13630]  }
0x400: {  	v47 =	vld [tilespmem:s29+$0x13640]  }
0x401: {  	v48 =	vld [tilespmem:s29+$0x13650]  }
0x402: {  	v49 =	vld [tilespmem:s29+$0x13660]  }
0x403: {  	[tilespmem:s29+$0xD670] =	vst.add.f32.msk $0xffff, v3  }
0x404: {  	v3 =	vld [tilespmem:s29+$0x12240]  }
0x405: {  	[tilespmem:s29+$0xC200] =	vst.add.f32.msk $0xffff, v4  }
0x406: {  	[tilespmem:s29+$0xC210] =	vst.add.f32.msk $0xffff, v5  }
0x407: {  	[tilespmem:s29+$0xC220] =	vst.add.f32.msk $0xffff, v6  }
0x408: {  	[tilespmem:s29+$0xC230] =	vst.add.f32.msk $0xffff, v7  }
0x409: {  	[tilespmem:s29+$0xC250] =	vst.add.f32.msk $0xffff, v8  }
0x40a: {  	[tilespmem:s29+$0xC260] =	vst.add.f32.msk $0xffff, v9  }
0x40b: {  	[tilespmem:s29+$0xC270] =	vst.add.f32.msk $0xffff, v10  }
0x40c: {  	[tilespmem:s29+$0xC600] =	vst.add.f32.msk $0xffff, v11  }
0x40d: {  	[tilespmem:s29+$0xC610] =	vst.add.f32.msk $0xffff, v12  }
0x40e: {  	[tilespmem:s29+$0xC620] =	vst.add.f32.msk $0xffff, v13  }
0x40f: {  	[tilespmem:s29+$0xC630] =	vst.add.f32.msk $0xffff, v14  }
0x410: {  	[tilespmem:s29+$0xC640] =	vst.add.f32.msk $0xffff, v15  }
0x411: {  	[tilespmem:s29+$0xC650] =	vst.add.f32.msk $0xffff, v16  }
0x412: {  	[tilespmem:s29+$0xC660] =	vst.add.f32.msk $0xffff, v17  }
0x413: {  	[tilespmem:s29+$0xC670] =	vst.add.f32.msk $0xffff, v18  }
0x414: {  	[tilespmem:s29+$0xCA00] =	vst.add.f32.msk $0xffff, v19  }
0x415: {  	[tilespmem:s29+$0xCA10] =	vst.add.f32.msk $0xffff, v20  }
0x416: {  	[tilespmem:s29+$0xCA20] =	vst.add.f32.msk $0xffff, v21  }
0x417: {  	[tilespmem:s29+$0xCA30] =	vst.add.f32.msk $0xffff, v22  }
0x418: {  	[tilespmem:s29+$0xCA40] =	vst.add.f32.msk $0xffff, v23  }
0x419: {  	[tilespmem:s29+$0xCA50] =	vst.add.f32.msk $0xffff, v24  }
0x41a: {  	[tilespmem:s29+$0xCA60] =	vst.add.f32.msk $0xffff, v25  }
0x41b: {  	[tilespmem:s29+$0xCA70] =	vst.add.f32.msk $0xffff, v26  }
0x41c: {  	[tilespmem:s29+$0xCE00] =	vst.add.f32.msk $0xffff, v27  }
0x41d: {  	[tilespmem:s29+$0xCE10] =	vst.add.f32.msk $0xffff, v28  }
0x41e: {  	[tilespmem:s29+$0xCE20] =	vst.add.f32.msk $0xffff, v29  }
0x41f: {  	[tilespmem:s29+$0xCE30] =	vst.add.f32.msk $0xffff, v30  }
0x420: {  	[tilespmem:s29+$0xCE40] =	vst.add.f32.msk $0xffff, v31  }
0x421: {  	[tilespmem:s29+$0xCE50] =	vst.add.f32.msk $0xffff, v32  }
0x422: {  	[tilespmem:s29+$0xCE60] =	vst.add.f32.msk $0xffff, v33  }
0x423: {  	[tilespmem:s29+$0xCE70] =	vst.add.f32.msk $0xffff, v34  }
0x424: {  	[tilespmem:s29+$0xD200] =	vst.add.f32.msk $0xffff, v35  }
0x425: {  	[tilespmem:s29+$0xD210] =	vst.add.f32.msk $0xffff, v36  }
0x426: {  	[tilespmem:s29+$0xD220] =	vst.add.f32.msk $0xffff, v37  }
0x427: {  	[tilespmem:s29+$0xD230] =	vst.add.f32.msk $0xffff, v38  }
0x428: {  	[tilespmem:s29+$0xD240] =	vst.add.f32.msk $0xffff, v39  }
0x429: {  	[tilespmem:s29+$0xD250] =	vst.add.f32.msk $0xffff, v40  }
0x42a: {  	[tilespmem:s29+$0xD260] =	vst.add.f32.msk $0xffff, v41  }
0x42b: {  	[tilespmem:s29+$0xD270] =	vst.add.f32.msk $0xffff, v42  }
0x42c: {  	[tilespmem:s29+$0xD600] =	vst.add.f32.msk $0xffff, v43  }
0x42d: {  	[tilespmem:s29+$0xD610] =	vst.add.f32.msk $0xffff, v44  }
0x42e: {  	[tilespmem:s29+$0xD620] =	vst.add.f32.msk $0xffff, v45  }
0x42f: {  	[tilespmem:s29+$0xD630] =	vst.add.f32.msk $0xffff, v46  }
0x430: {  	[tilespmem:s29+$0xD640] =	vst.add.f32.msk $0xffff, v47  }
0x431: {  	[tilespmem:s29+$0xD650] =	vst.add.f32.msk $0xffff, v48  }
0x432: {  	[tilespmem:s29+$0xD660] =	vst.add.f32.msk $0xffff, v49  }
0x433: {  	s4 =	simm.s32 $0x0;
	[tilespmem:s29+$0xC240] =	vst.add.f32.msk $0xffff, v3;
	s29 =	simm.s32 $0x0  }
0x434: {  	[hbm4b:s13+s29] =	stream.linear.scatter [tilespmem:s17], [sflag:$0x6], $0x6000, $0x38;
	[tilespmem:$0x18200] =	vst v63  }
0x435: {  	s0 =	smul.u32 $0x1800, s4;
	_ =	swait.ge [sflag:s18], $0x6000  }
0x436: {  	s4 =	sand.u32 $0x380, s29;
	[sflag:s18] =	ssyncset.done $0x0  }
0x437: {  	s30 =	sor.u32 s4, s0;
	[sflag:s18] =	ssyncadd.s32 $0xFFFFA000  }
0x438: {  	v3 =	vld [tilespmem:s30+$0x13670]  }
0x439: {  	v6 =	vld [tilespmem:s30+$0x12200]  }
0x43a: {  	v7 =	vld [tilespmem:s30+$0x12210]  }
0x43b: {  	v8 =	vld [tilespmem:s30+$0x12220]  }
0x43c: {  	v9 =	vld [tilespmem:s30+$0x12230]  }
0x43d: {  	v10 =	vld [tilespmem:s30+$0x12240]  }
0x43e: {  	v11 =	vld [tilespmem:s30+$0x12250]  }
0x43f: {  	v12 =	vld [tilespmem:s30+$0x12260]  }
0x440: {  	v13 =	vld [tilespmem:s30+$0x12270]  }
0x441: {  	v14 =	vld [tilespmem:s30+$0x12600]  }
0x442: {  	v15 =	vld [tilespmem:s30+$0x12610]  }
0x443: {  	v16 =	vld [tilespmem:s30+$0x12620]  }
0x444: {  	v17 =	vld [tilespmem:s30+$0x12630]  }
0x445: {  	v18 =	vld [tilespmem:s30+$0x12640]  }
0x446: {  	v19 =	vld [tilespmem:s30+$0x12650]  }
0x447: {  	v20 =	vld [tilespmem:s30+$0x12660]  }
0x448: {  	v21 =	vld [tilespmem:s30+$0x12670]  }
0x449: {  	v22 =	vld [tilespmem:s30+$0x12A00]  }
0x44a: {  	v23 =	vld [tilespmem:s30+$0x12A10]  }
0x44b: {  	v24 =	vld [tilespmem:s30+$0x12A20]  }
0x44c: {  	v25 =	vld [tilespmem:s30+$0x12A30]  }
0x44d: {  	v26 =	vld [tilespmem:s30+$0x12A40]  }
0x44e: {  	v27 =	vld [tilespmem:s30+$0x12A50]  }
0x44f: {  	v28 =	vld [tilespmem:s30+$0x12A60]  }
0x450: {  	v29 =	vld [tilespmem:s30+$0x12A70]  }
0x451: {  	v30 =	vld [tilespmem:s30+$0x12E00]  }
0x452: {  	v31 =	vld [tilespmem:s30+$0x12E10]  }
0x453: {  	v32 =	vld [tilespmem:s30+$0x12E20]  }
0x454: {  	v33 =	vld [tilespmem:s30+$0x12E30]  }
0x455: {  	v34 =	vld [tilespmem:s30+$0x12E40]  }
0x456: {  	v35 =	vld [tilespmem:s30+$0x12E50]  }
0x457: {  	v36 =	vld [tilespmem:s30+$0x12E60]  }
0x458: {  	v37 =	vld [tilespmem:s30+$0x12E70]  }
0x459: {  	v52 =	vld [tilespmem:s30+$0x13200]  }
0x45a: {  	v53 =	vld [tilespmem:s30+$0x13210]  }
0x45b: {  	v54 =	vld [tilespmem:s30+$0x13220]  }
0x45c: {  	v55 =	vld [tilespmem:s30+$0x13230]  }
0x45d: {  	v56 =	vld [tilespmem:s30+$0x13240]  }
0x45e: {  	v57 =	vld [tilespmem:s30+$0x13250]  }
0x45f: {  	v58 =	vld [tilespmem:s30+$0x13260]  }
0x460: {  	v59 =	vld [tilespmem:s30+$0x13270]  }
0x461: {  	v60 =	vld [tilespmem:s30+$0x13600]  }
0x462: {  	v61 =	vld [tilespmem:s30+$0x13610]  }
0x463: {  	v62 =	vld [tilespmem:s30+$0x13620]  }
0x464: {  	v63 =	vld [tilespmem:s30+$0x13630]  }
0x465: {  	v5 =	vld [tilespmem:s30+$0x13640]  }
0x466: {  	v4 =	vld [tilespmem:s30+$0x13650]  }
0x467: {  	[tilespmem:s30+$0x1670] =	vst.add.f32.msk $0xffff, v3  }
0x468: {  	v3 =	vld [tilespmem:s30+$0x13660]  }
0x469: {  	[tilespmem:s30+$0x200] =	vst.add.f32.msk $0xffff, v6  }
0x46a: {  	[tilespmem:s30+$0x210] =	vst.add.f32.msk $0xffff, v7  }
0x46b: {  	[tilespmem:s30+$0x220] =	vst.add.f32.msk $0xffff, v8  }
0x46c: {  	[tilespmem:s30+$0x230] =	vst.add.f32.msk $0xffff, v9  }
0x46d: {  	[tilespmem:s30+$0x240] =	vst.add.f32.msk $0xffff, v10  }
0x46e: {  	[tilespmem:s30+$0x250] =	vst.add.f32.msk $0xffff, v11  }
0x46f: {  	[tilespmem:s30+$0x260] =	vst.add.f32.msk $0xffff, v12  }
0x470: {  	[tilespmem:s30+$0x270] =	vst.add.f32.msk $0xffff, v13  }
0x471: {  	[tilespmem:s30+$0x600] =	vst.add.f32.msk $0xffff, v14  }
0x472: {  	[tilespmem:s30+$0x610] =	vst.add.f32.msk $0xffff, v15  }
0x473: {  	[tilespmem:s30+$0x620] =	vst.add.f32.msk $0xffff, v16  }
0x474: {  	[tilespmem:s30+$0x630] =	vst.add.f32.msk $0xffff, v17  }
0x475: {  	[tilespmem:s30+$0x640] =	vst.add.f32.msk $0xffff, v18  }
0x476: {  	[tilespmem:s30+$0x650] =	vst.add.f32.msk $0xffff, v19  }
0x477: {  	[tilespmem:s30+$0x660] =	vst.add.f32.msk $0xffff, v20  }
0x478: {  	[tilespmem:s30+$0x670] =	vst.add.f32.msk $0xffff, v21  }
0x479: {  	[tilespmem:s30+$0xA00] =	vst.add.f32.msk $0xffff, v22  }
0x47a: {  	[tilespmem:s30+$0xA10] =	vst.add.f32.msk $0xffff, v23  }
0x47b: {  	[tilespmem:s30+$0xA20] =	vst.add.f32.msk $0xffff, v24  }
0x47c: {  	[tilespmem:s30+$0xA30] =	vst.add.f32.msk $0xffff, v25  }
0x47d: {  	[tilespmem:s30+$0xA40] =	vst.add.f32.msk $0xffff, v26  }
0x47e: {  	[tilespmem:s30+$0xA50] =	vst.add.f32.msk $0xffff, v27  }
0x47f: {  	[tilespmem:s30+$0xA60] =	vst.add.f32.msk $0xffff, v28  }
0x480: {  	[tilespmem:s30+$0xA70] =	vst.add.f32.msk $0xffff, v29  }
0x481: {  	[tilespmem:s30+$0xE00] =	vst.add.f32.msk $0xffff, v30  }
0x482: {  	[tilespmem:s30+$0xE10] =	vst.add.f32.msk $0xffff, v31  }
0x483: {  	[tilespmem:s30+$0xE20] =	vst.add.f32.msk $0xffff, v32  }
0x484: {  	[tilespmem:s30+$0xE30] =	vst.add.f32.msk $0xffff, v33  }
0x485: {  	[tilespmem:s30+$0xE40] =	vst.add.f32.msk $0xffff, v34  }
0x486: {  	[tilespmem:s30+$0xE50] =	vst.add.f32.msk $0xffff, v35  }
0x487: {  	[tilespmem:s30+$0xE60] =	vst.add.f32.msk $0xffff, v36  }
0x488: {  	[tilespmem:s30+$0xE70] =	vst.add.f32.msk $0xffff, v37  }
0x489: {  	[tilespmem:s30+$0x1200] =	vst.add.f32.msk $0xffff, v52  }
0x48a: {  	[tilespmem:s30+$0x1210] =	vst.add.f32.msk $0xffff, v53  }
0x48b: {  	[tilespmem:s30+$0x1220] =	vst.add.f32.msk $0xffff, v54  }
0x48c: {  	[tilespmem:s30+$0x1230] =	vst.add.f32.msk $0xffff, v55  }
0x48d: {  	[tilespmem:s30+$0x1240] =	vst.add.f32.msk $0xffff, v56  }
0x48e: {  	[tilespmem:s30+$0x1250] =	vst.add.f32.msk $0xffff, v57  }
0x48f: {  	[tilespmem:s30+$0x1260] =	vst.add.f32.msk $0xffff, v58  }
0x490: {  	[tilespmem:s30+$0x1270] =	vst.add.f32.msk $0xffff, v59  }
0x491: {  	[tilespmem:s30+$0x1600] =	vst.add.f32.msk $0xffff, v60  }
0x492: {  	[tilespmem:s30+$0x1610] =	vst.add.f32.msk $0xffff, v61  }
0x493: {  	[tilespmem:s30+$0x1620] =	vst.add.f32.msk $0xffff, v62  }
0x494: {  	s31 =	simm.s32 $0x2;
	s4 =	simm.s32 $0x0;
	[tilespmem:s30+$0x1630] =	vst.add.f32.msk $0xffff, v63  }
.LBB2_8:
0x495: {  	p0 =	sne.s32 s31, $0x1F;
	s0 =	smul.u32 $0x1800, s4;
	[tilespmem:s30+$0x1640] =	vst.add.f32.msk $0xffff, v5;
	s29 =	sadd.s32 $0x80, s29  }
0x496: {  	s4 =	sand.u32 $0x380, s29;
	[tilespmem:s30+$0x1650] =	vst.add.f32.msk $0xffff, v4  }
0x497: {  	[tilespmem:s30+$0x1660] =	vst.add.f32.msk $0xffff, v3;
	s30 =	sor.u32 s4, s0  }
0x498: {  	v3 =	vld [tilespmem:s30+$0x13670]  }
0x499: {  	v6 =	vld [tilespmem:s30+$0x12200]  }
0x49a: {  	v7 =	vld [tilespmem:s30+$0x12210]  }
0x49b: {  	v8 =	vld [tilespmem:s30+$0x12220]  }
0x49c: {  	v9 =	vld [tilespmem:s30+$0x12230]  }
0x49d: {  	[tilespmem:s30+$0x1670] =	vst.add.f32.msk $0xffff, v3  }
0x49e: {  	v10 =	vld [tilespmem:s30+$0x12240]  }
0x49f: {  	v11 =	vld [tilespmem:s30+$0x12250]  }
0x4a0: {  	v12 =	vld [tilespmem:s30+$0x12260]  }
0x4a1: {  	v13 =	vld [tilespmem:s30+$0x12270]  }
0x4a2: {  	v14 =	vld [tilespmem:s30+$0x12600]  }
0x4a3: {  	v15 =	vld [tilespmem:s30+$0x12610]  }
0x4a4: {  	v16 =	vld [tilespmem:s30+$0x12620]  }
0x4a5: {  	v17 =	vld [tilespmem:s30+$0x12630]  }
0x4a6: {  	v18 =	vld [tilespmem:s30+$0x12640]  }
0x4a7: {  	v19 =	vld [tilespmem:s30+$0x12650]  }
0x4a8: {  	v20 =	vld [tilespmem:s30+$0x12660]  }
0x4a9: {  	v21 =	vld [tilespmem:s30+$0x12670]  }
0x4aa: {  	v22 =	vld [tilespmem:s30+$0x12A00]  }
0x4ab: {  	v23 =	vld [tilespmem:s30+$0x12A10]  }
0x4ac: {  	v24 =	vld [tilespmem:s30+$0x12A20]  }
0x4ad: {  	v25 =	vld [tilespmem:s30+$0x12A30]  }
0x4ae: {  	v26 =	vld [tilespmem:s30+$0x12A40]  }
0x4af: {  	v27 =	vld [tilespmem:s30+$0x12A50]  }
0x4b0: {  	v28 =	vld [tilespmem:s30+$0x12A60]  }
0x4b1: {  	v29 =	vld [tilespmem:s30+$0x12A70]  }
0x4b2: {  	v30 =	vld [tilespmem:s30+$0x12E00]  }
0x4b3: {  	v31 =	vld [tilespmem:s30+$0x12E10]  }
0x4b4: {  	v32 =	vld [tilespmem:s30+$0x12E20]  }
0x4b5: {  	v33 =	vld [tilespmem:s30+$0x12E30]  }
0x4b6: {  	v34 =	vld [tilespmem:s30+$0x12E40]  }
0x4b7: {  	v35 =	vld [tilespmem:s30+$0x12E50]  }
0x4b8: {  	v36 =	vld [tilespmem:s30+$0x12E60]  }
0x4b9: {  	v37 =	vld [tilespmem:s30+$0x12E70]  }
0x4ba: {  	v38 =	vld [tilespmem:s30+$0x13200]  }
0x4bb: {  	v39 =	vld [tilespmem:s30+$0x13210]  }
0x4bc: {  	v40 =	vld [tilespmem:s30+$0x13220]  }
0x4bd: {  	v41 =	vld [tilespmem:s30+$0x13230]  }
0x4be: {  	v42 =	vld [tilespmem:s30+$0x13240]  }
0x4bf: {  	v43 =	vld [tilespmem:s30+$0x13250]  }
0x4c0: {  	v44 =	vld [tilespmem:s30+$0x13260]  }
0x4c1: {  	v45 =	vld [tilespmem:s30+$0x13270]  }
0x4c2: {  	v46 =	vld [tilespmem:s30+$0x13600]  }
0x4c3: {  	v47 =	vld [tilespmem:s30+$0x13610]  }
0x4c4: {  	v48 =	vld [tilespmem:s30+$0x13620]  }
0x4c5: {  	v49 =	vld [tilespmem:s30+$0x13630]  }
0x4c6: {  	v5 =	vld [tilespmem:s30+$0x13640]  }
0x4c7: {  	v4 =	vld [tilespmem:s30+$0x13650]  }
0x4c8: {  	v3 =	vld [tilespmem:s30+$0x13660]  }
0x4c9: {  	[tilespmem:s30+$0x200] =	vst.add.f32.msk $0xffff, v6  }
0x4ca: {  	[tilespmem:s30+$0x210] =	vst.add.f32.msk $0xffff, v7  }
0x4cb: {  	[tilespmem:s30+$0x220] =	vst.add.f32.msk $0xffff, v8  }
0x4cc: {  	[tilespmem:s30+$0x230] =	vst.add.f32.msk $0xffff, v9  }
0x4cd: {  	[tilespmem:s30+$0x240] =	vst.add.f32.msk $0xffff, v10  }
0x4ce: {  	[tilespmem:s30+$0x250] =	vst.add.f32.msk $0xffff, v11  }
0x4cf: {  	[tilespmem:s30+$0x260] =	vst.add.f32.msk $0xffff, v12  }
0x4d0: {  	[tilespmem:s30+$0x270] =	vst.add.f32.msk $0xffff, v13  }
0x4d1: {  	[tilespmem:s30+$0x600] =	vst.add.f32.msk $0xffff, v14  }
0x4d2: {  	[tilespmem:s30+$0x610] =	vst.add.f32.msk $0xffff, v15  }
0x4d3: {  	[tilespmem:s30+$0x620] =	vst.add.f32.msk $0xffff, v16  }
0x4d4: {  	[tilespmem:s30+$0x630] =	vst.add.f32.msk $0xffff, v17  }
0x4d5: {  	[tilespmem:s30+$0x640] =	vst.add.f32.msk $0xffff, v18  }
0x4d6: {  	[tilespmem:s30+$0x650] =	vst.add.f32.msk $0xffff, v19  }
0x4d7: {  	[tilespmem:s30+$0x660] =	vst.add.f32.msk $0xffff, v20  }
0x4d8: {  	[tilespmem:s30+$0x670] =	vst.add.f32.msk $0xffff, v21  }
0x4d9: {  	[tilespmem:s30+$0xA00] =	vst.add.f32.msk $0xffff, v22  }
0x4da: {  	[tilespmem:s30+$0xA10] =	vst.add.f32.msk $0xffff, v23  }
0x4db: {  	[tilespmem:s30+$0xA20] =	vst.add.f32.msk $0xffff, v24  }
0x4dc: {  	[tilespmem:s30+$0xA30] =	vst.add.f32.msk $0xffff, v25  }
0x4dd: {  	[tilespmem:s30+$0xA40] =	vst.add.f32.msk $0xffff, v26  }
0x4de: {  	[tilespmem:s30+$0xA50] =	vst.add.f32.msk $0xffff, v27  }
0x4df: {  	[tilespmem:s30+$0xA60] =	vst.add.f32.msk $0xffff, v28  }
0x4e0: {  	[tilespmem:s30+$0xA70] =	vst.add.f32.msk $0xffff, v29  }
0x4e1: {  	[tilespmem:s30+$0xE00] =	vst.add.f32.msk $0xffff, v30  }
0x4e2: {  	[tilespmem:s30+$0xE10] =	vst.add.f32.msk $0xffff, v31  }
0x4e3: {  	[tilespmem:s30+$0xE20] =	vst.add.f32.msk $0xffff, v32  }
0x4e4: {  	[tilespmem:s30+$0xE30] =	vst.add.f32.msk $0xffff, v33  }
0x4e5: {  	[tilespmem:s30+$0xE40] =	vst.add.f32.msk $0xffff, v34  }
0x4e6: {  	[tilespmem:s30+$0xE50] =	vst.add.f32.msk $0xffff, v35  }
0x4e7: {  	[tilespmem:s30+$0xE60] =	vst.add.f32.msk $0xffff, v36  }
0x4e8: {  	[tilespmem:s30+$0xE70] =	vst.add.f32.msk $0xffff, v37  }
0x4e9: {  	[tilespmem:s30+$0x1200] =	vst.add.f32.msk $0xffff, v38  }
0x4ea: {  	[tilespmem:s30+$0x1210] =	vst.add.f32.msk $0xffff, v39  }
0x4eb: {  	[tilespmem:s30+$0x1220] =	vst.add.f32.msk $0xffff, v40  }
0x4ec: {  	[tilespmem:s30+$0x1230] =	vst.add.f32.msk $0xffff, v41  }
0x4ed: {  	[tilespmem:s30+$0x1240] =	vst.add.f32.msk $0xffff, v42  }
0x4ee: {  	[tilespmem:s30+$0x1250] =	vst.add.f32.msk $0xffff, v43  }
0x4ef: {  	[tilespmem:s30+$0x1260] =	vst.add.f32.msk $0xffff, v44  }
.Ltmp3:
0x4f0: {  	[tilespmem:s30+$0x1270] =	vst.add.f32.msk $0xffff, v45;
	(pc) =	sbr.rel @p0 .LBB2_8-.Ltmp3, $4  }
0x4f1: {  	[tilespmem:s30+$0x1600] =	vst.add.f32.msk $0xffff, v46  }
0x4f2: {  	[tilespmem:s30+$0x1610] =	vst.add.f32.msk $0xffff, v47  }
0x4f3: {  	[tilespmem:s30+$0x1620] =	vst.add.f32.msk $0xffff, v48  }
0x4f4: {  	s4 =	sshrl.u32 s31, $0x3;
	s31 =	sadd.s32 $0x1, s31;
	[tilespmem:s30+$0x1630] =	vst.add.f32.msk $0xffff, v49  }
0x4f5: {  	s0 =	smul.u32 $0x1800, s4;
	[tilespmem:s30+$0x1640] =	vst.add.f32.msk $0xffff, v5;
	s29 =	sadd.s32 $0x80, s29  }
0x4f6: {  	[tilespmem:s30+$0x1650] =	vst.add.f32.msk $0xffff, v4;
	s4 =	sand.u32 $0x380, s29  }
0x4f7: {  	[tilespmem:s30+$0x1660] =	vst.add.f32.msk $0xffff, v3;
	s31 =	sor.u32 s4, s0  }
0x4f8: {  	v3 =	vld [tilespmem:s31+$0x13670]  }
0x4f9: {  	v4 =	vld [tilespmem:s31+$0x12200]  }
0x4fa: {  	v5 =	vld [tilespmem:s31+$0x12210]  }
0x4fb: {  	v6 =	vld [tilespmem:s31+$0x12220]  }
0x4fc: {  	v7 =	vld [tilespmem:s31+$0x12230]  }
0x4fd: {  	v8 =	vld [tilespmem:s31+$0x12250]  }
0x4fe: {  	v9 =	vld [tilespmem:s31+$0x12260]  }
0x4ff: {  	v10 =	vld [tilespmem:s31+$0x12270]  }
0x500: {  	v11 =	vld [tilespmem:s31+$0x12600]  }
0x501: {  	v12 =	vld [tilespmem:s31+$0x12610]  }
0x502: {  	v13 =	vld [tilespmem:s31+$0x12620]  }
0x503: {  	v14 =	vld [tilespmem:s31+$0x12630]  }
0x504: {  	v15 =	vld [tilespmem:s31+$0x12640]  }
0x505: {  	v16 =	vld [tilespmem:s31+$0x12650]  }
0x506: {  	v17 =	vld [tilespmem:s31+$0x12660]  }
0x507: {  	v18 =	vld [tilespmem:s31+$0x12670]  }
0x508: {  	v19 =	vld [tilespmem:s31+$0x12A00]  }
0x509: {  	v20 =	vld [tilespmem:s31+$0x12A10]  }
0x50a: {  	v21 =	vld [tilespmem:s31+$0x12A20]  }
0x50b: {  	v22 =	vld [tilespmem:s31+$0x12A30]  }
0x50c: {  	v23 =	vld [tilespmem:s31+$0x12A40]  }
0x50d: {  	v24 =	vld [tilespmem:s31+$0x12A50]  }
0x50e: {  	v25 =	vld [tilespmem:s31+$0x12A60]  }
0x50f: {  	v26 =	vld [tilespmem:s31+$0x12A70]  }
0x510: {  	v27 =	vld [tilespmem:s31+$0x12E00]  }
0x511: {  	v28 =	vld [tilespmem:s31+$0x12E10]  }
0x512: {  	v29 =	vld [tilespmem:s31+$0x12E20]  }
0x513: {  	v30 =	vld [tilespmem:s31+$0x12E30]  }
0x514: {  	v31 =	vld [tilespmem:s31+$0x12E40]  }
0x515: {  	v32 =	vld [tilespmem:s31+$0x12E50]  }
0x516: {  	v33 =	vld [tilespmem:s31+$0x12E60]  }
0x517: {  	v34 =	vld [tilespmem:s31+$0x12E70]  }
0x518: {  	v35 =	vld [tilespmem:s31+$0x13200]  }
0x519: {  	v36 =	vld [tilespmem:s31+$0x13210]  }
0x51a: {  	v37 =	vld [tilespmem:s31+$0x13220]  }
0x51b: {  	v38 =	vld [tilespmem:s31+$0x13230]  }
0x51c: {  	v39 =	vld [tilespmem:s31+$0x13240]  }
0x51d: {  	v40 =	vld [tilespmem:s31+$0x13250]  }
0x51e: {  	v41 =	vld [tilespmem:s31+$0x13260]  }
0x51f: {  	v42 =	vld [tilespmem:s31+$0x13270]  }
0x520: {  	v43 =	vld [tilespmem:s31+$0x13600]  }
0x521: {  	v44 =	vld [tilespmem:s31+$0x13610]  }
0x522: {  	v45 =	vld [tilespmem:s31+$0x13620]  }
0x523: {  	v46 =	vld [tilespmem:s31+$0x13630]  }
0x524: {  	v47 =	vld [tilespmem:s31+$0x13640]  }
0x525: {  	v48 =	vld [tilespmem:s31+$0x13650]  }
0x526: {  	v49 =	vld [tilespmem:s31+$0x13660]  }
0x527: {  	[tilespmem:s31+$0x1670] =	vst.add.f32.msk $0xffff, v3  }
0x528: {  	v3 =	vld [tilespmem:s31+$0x12240]  }
0x529: {  	[tilespmem:s31+$0x200] =	vst.add.f32.msk $0xffff, v4  }
0x52a: {  	[tilespmem:s31+$0x210] =	vst.add.f32.msk $0xffff, v5  }
0x52b: {  	[tilespmem:s31+$0x220] =	vst.add.f32.msk $0xffff, v6  }
0x52c: {  	[tilespmem:s31+$0x230] =	vst.add.f32.msk $0xffff, v7  }
0x52d: {  	[tilespmem:s31+$0x250] =	vst.add.f32.msk $0xffff, v8  }
0x52e: {  	[tilespmem:s31+$0x260] =	vst.add.f32.msk $0xffff, v9  }
0x52f: {  	[tilespmem:s31+$0x270] =	vst.add.f32.msk $0xffff, v10  }
0x530: {  	[tilespmem:s31+$0x600] =	vst.add.f32.msk $0xffff, v11  }
0x531: {  	[tilespmem:s31+$0x610] =	vst.add.f32.msk $0xffff, v12  }
0x532: {  	[tilespmem:s31+$0x620] =	vst.add.f32.msk $0xffff, v13  }
0x533: {  	[tilespmem:s31+$0x630] =	vst.add.f32.msk $0xffff, v14  }
0x534: {  	[tilespmem:s31+$0x640] =	vst.add.f32.msk $0xffff, v15  }
0x535: {  	[tilespmem:s31+$0x650] =	vst.add.f32.msk $0xffff, v16  }
0x536: {  	[tilespmem:s31+$0x660] =	vst.add.f32.msk $0xffff, v17  }
0x537: {  	[tilespmem:s31+$0x670] =	vst.add.f32.msk $0xffff, v18  }
0x538: {  	[tilespmem:s31+$0xA00] =	vst.add.f32.msk $0xffff, v19  }
0x539: {  	[tilespmem:s31+$0xA10] =	vst.add.f32.msk $0xffff, v20  }
0x53a: {  	[tilespmem:s31+$0xA20] =	vst.add.f32.msk $0xffff, v21  }
0x53b: {  	[tilespmem:s31+$0xA30] =	vst.add.f32.msk $0xffff, v22  }
0x53c: {  	[tilespmem:s31+$0xA40] =	vst.add.f32.msk $0xffff, v23  }
0x53d: {  	[tilespmem:s31+$0xA50] =	vst.add.f32.msk $0xffff, v24  }
0x53e: {  	[tilespmem:s31+$0xA60] =	vst.add.f32.msk $0xffff, v25  }
0x53f: {  	[tilespmem:s31+$0xA70] =	vst.add.f32.msk $0xffff, v26  }
0x540: {  	[tilespmem:s31+$0xE00] =	vst.add.f32.msk $0xffff, v27  }
0x541: {  	[tilespmem:s31+$0xE10] =	vst.add.f32.msk $0xffff, v28  }
0x542: {  	[tilespmem:s31+$0xE20] =	vst.add.f32.msk $0xffff, v29  }
0x543: {  	[tilespmem:s31+$0xE30] =	vst.add.f32.msk $0xffff, v30  }
0x544: {  	[tilespmem:s31+$0xE40] =	vst.add.f32.msk $0xffff, v31  }
0x545: {  	[tilespmem:s31+$0xE50] =	vst.add.f32.msk $0xffff, v32  }
0x546: {  	[tilespmem:s31+$0xE60] =	vst.add.f32.msk $0xffff, v33  }
0x547: {  	[tilespmem:s31+$0xE70] =	vst.add.f32.msk $0xffff, v34  }
0x548: {  	[tilespmem:s31+$0x1200] =	vst.add.f32.msk $0xffff, v35  }
0x549: {  	[tilespmem:s31+$0x1210] =	vst.add.f32.msk $0xffff, v36  }
0x54a: {  	[tilespmem:s31+$0x1220] =	vst.add.f32.msk $0xffff, v37  }
0x54b: {  	[tilespmem:s31+$0x1230] =	vst.add.f32.msk $0xffff, v38  }
0x54c: {  	[tilespmem:s31+$0x1240] =	vst.add.f32.msk $0xffff, v39  }
0x54d: {  	[tilespmem:s31+$0x1250] =	vst.add.f32.msk $0xffff, v40  }
0x54e: {  	[tilespmem:s31+$0x1260] =	vst.add.f32.msk $0xffff, v41  }
0x54f: {  	[tilespmem:s31+$0x1270] =	vst.add.f32.msk $0xffff, v42  }
0x550: {  	[tilespmem:s31+$0x1600] =	vst.add.f32.msk $0xffff, v43  }
0x551: {  	[tilespmem:s31+$0x1610] =	vst.add.f32.msk $0xffff, v44  }
0x552: {  	[tilespmem:s31+$0x1620] =	vst.add.f32.msk $0xffff, v45  }
0x553: {  	[tilespmem:s31+$0x1630] =	vst.add.f32.msk $0xffff, v46  }
0x554: {  	[tilespmem:s31+$0x1640] =	vst.add.f32.msk $0xffff, v47  }
0x555: {  	[tilespmem:s31+$0x1650] =	vst.add.f32.msk $0xffff, v48  }
0x556: {  	[tilespmem:s31+$0x1660] =	vst.add.f32.msk $0xffff, v49  }
0x557: {  	[tilespmem:s31+$0x240] =	vst.add.f32.msk $0xffff, v3  }
0x558: {  	[hbm4b:s14+s3] =	stream.linear.scatter [tilespmem:s21], [sflag:$0x4], $0x6000, $0x38;
	[tilespmem:$0x18200] =	vst v63  }
0x559: {  	_ =	swait.ge [sflag:s22], $0x6000  }
0x55a: {  	[sflag:s22] =	ssyncset.done $0x0  }
0x55b: {  	s28 =	sadd.s32 $0x1, s28;
	[sflag:s22] =	ssyncadd.s32 $0xFFFFA000  }
0x55c: {  	p0 =	sne.s32 s28, s15;
	_ =	swait.ge [sflag:s25], $0x6000  }
.Ltmp4:
0x55d: {  	[sflag:s25] =	ssyncset.done $0x0;
	(pc) =	sbr.rel @p0 .LBB2_1-.Ltmp4, $4  }
0x55e: {  	[sflag:s25] =	ssyncadd.s32 $0xFFFFA000  }
0x55f: {  	_ =	swait.ge [sflag:s26], $0x6000  }
0x560: {  	[sflag:s26] =	ssyncset.done $0x0  }
0x561: {  	[sflag:s26] =	ssyncadd.s32 $0xFFFFA000  }
0x562: {  	_ =	sfence.sel $0x180000  }
0x563: {  	[bflag:$0x0] =	sbarrier.arrive $0xFFFF  }
0x564: {  	_ =	strace $0x90000047  }
0x565: {  	s0 =	stileid.u32;
	[bflag:$0x2] =	sbarrier.arrive $0xFFFF  }
0x566: {  	p0 =	sne.s32 s0, $0x0;
	s0 =	rddreg [dreg:$0x4]  }
0x567: {  	s0 =	sadd.s32 @!p0 $0x100000, s0  }
0x568: {  	[sflag:s0] =	ssyncadd.tile.s32 @!p0 $0x1;
	_ =	shalt  }
.Lfunc_end2:
_tile_overlayer_lowered:
.L_overlay_start_2:
0x569: {  	(tag) =	ssettag $0x2  }
0x56a: {  	s0 =	rddreg [dreg:$0x0];
	s2 =	stileid.u32  }
0x56b: {  	s1 =	rddreg [dreg:$0x1];
	p0 =	sne.s32 s2, $0x0  }
0x56c: {  	s3 =	rddreg [dreg:$0x2];
	[bflag:$0x3] =	sbarrier.arrive $0xFFFF;
	s2 =	simm.s32 @!p0 $0x1C09  }
0x56d: {  	[timem:s3], [sflag:s2] =	dma.local @!p0 [hbm:s0], s1  }
0x56e: {  	s0 =	simm.s32 @!p0 $0x9  }
0x56f: {  	_ =	swait.ge @!p0 [sflag:s0], s1  }
0x570: {  	s1 =	ssub.s32 @!p0 $0x0, s1;
	[sflag:s0] =	ssyncset.done @!p0 $0x0  }
0x571: {  	[sflag:s0] =	ssyncadd.s32 @!p0 s1  }
0x572: {  	[bflag:$0x3] =	sbarrier.arrive $0xFFFF  }
0x573: {  	_ =	shalt  }

</sc_bundles>
